<compile_context>
chip_gen: v7x
topology: tpu7x:2x2x1
jax: 0.10.2.dev20260603
libtpu: 0.0.44.dev20260713+nightly
codegen_flags: <defaults>
</compile_context>

<pallas_src>
import functools

import jax
import jax.numpy as jnp
from jax import lax
from jax.experimental import pallas as pl
from jax.experimental.pallas import tpu as pltpu
from jax.experimental.pallas import tpu_sc as plsc

NC = 2
NS = 16
NW = NC * NS
CHUNK = 64
P = 8
L = 4


@jax.jit
def kernel(input_ids, weight):
    B, S = input_ids.shape
    V, D = weight.shape
    total = B * S
    rows_per_w = total // NW
    n_chunks = rows_per_w // CHUNK
    assert rows_per_w * NW == total and n_chunks * CHUNK == rows_per_w
    assert n_chunks % P == 0 and n_chunks >= 2 * P and 0 < L < P

    mesh = plsc.VectorSubcoreMesh(core_axis_name="c", subcore_axis_name="s")

    idx3 = input_ids.reshape(NW, n_chunks, CHUNK).astype(jnp.int32)

    @functools.partial(
        pl.kernel,
        out_type=jax.ShapeDtypeStruct((total, D), jnp.float32),
        mesh=mesh,
        scratch_types=[
            pltpu.VMEM((n_chunks, CHUNK), jnp.int32),
            pltpu.VMEM((P, CHUNK, D), jnp.float32),
            pltpu.SemaphoreType.DMA((P,)),
            pltpu.SemaphoreType.DMA((P,)),
        ],
    )
    def run(idx_hbm, w_hbm, out_hbm, idx_v, rows_v, gsem, osem):
        wid = lax.axis_index("s") * NC + lax.axis_index("c")
        base = wid * rows_per_w
        pltpu.sync_copy(idx_hbm.at[wid], idx_v)

        def start_gather(b, j):
            pltpu.async_copy(w_hbm.at[idx_v.at[j]], rows_v.at[b], gsem.at[b])

        def wait_gather(b, j):
            pltpu.make_async_copy(
                w_hbm.at[idx_v.at[j]], rows_v.at[b], gsem.at[b]
            ).wait()

        def start_write(b, j):
            pltpu.async_copy(
                rows_v.at[b], out_hbm.at[pl.ds(base + j * CHUNK, CHUNK)],
                osem.at[b])

        def wait_write(b, j):
            pltpu.make_async_copy(
                rows_v.at[b], out_hbm.at[pl.ds(base + j * CHUNK, CHUNK)],
                osem.at[b]).wait()

        def block(t, first=False, last=False):
            for u in range(P):
                wait_gather(u, t + u)
                start_write(u, t + u)
                if first and u < L:
                    continue
                v = (u - L) % P
                jw = t + u - L
                wait_write(v, jw)
                if not last:
                    start_gather(v, jw + P)
                elif u < L:
                    start_gather(v, jw + P)

        for b in range(P):
            start_gather(b, b)

        block(0, first=True)

        @pl.loop(P, n_chunks - P, step=P)
        def steady(t):
            block(t)

        t_last = n_chunks - P
        block(t_last, last=True)
        for b in range(P - L, P):
            wait_write(b, t_last + b)

    out = run(idx3, weight)
    return out.reshape(B, S, D)

# --- scband reference (transcript-rebuilt; emitter-appended) ---
"""Pipeline reference for scband-embedding-23510650978970 (READ-ONLY COPY).

The authoritative reference and input builder live on the scoring server;
editing this copy changes nothing except your own understanding.
"""

import jax, jax.numpy as jnp
import numpy as np

VOCAB = 100000
EMBED = 128
BATCH = 4096
SEQ = 200
INIT_RANGE = 0.02


def setup_inputs(seed: int = 0) -> dict:
    key = jax.random.key(seed)
    k_ids, k_w = jax.random.split(key)
    input_ids = jax.random.randint(k_ids, (BATCH, SEQ), 0, VOCAB, dtype=jnp.int64 if jax.config.jax_enable_x64 else jnp.int32)
    weight = jax.random.normal(k_w, (VOCAB, EMBED), dtype=jnp.float32) * INIT_RANGE
    return {"input_ids": input_ids, "weight": weight}


def reference(input_ids, weight):
    # Embedding.embed: weight.take(Vocab, input_ids) -> gather rows of the table
    # compute_dtype cast is identity here (float32 -> float32)
    input_embeds = jnp.take(weight, input_ids, axis=0)
    return input_embeds

if __name__ == "__main__":
    import jax
    _d = setup_inputs()
    print(jax.jit(kernel)(*tuple(_d.values())))

</pallas_src>

<mosaic_0001>
#map = affine_map<(d0, d1) -> (0, 0, 0)>
#map1 = affine_map<(d0, d1) -> (0, 0)>
module attributes {stable_mosaic.version = 14 : i64} {
  func.func @run(%arg0: i32, %arg1: i32, %arg2: memref<32x400x64xi32, #tpu.memory_space<hbm>>, %arg3: memref<100000x128xf32, #tpu.memory_space<hbm>>, %arg4: memref<819200x128xf32, #tpu.memory_space<hbm>>, %arg5: memref<400x64xi32, #tpu.memory_space<vmem>>, %arg6: memref<8x64x128xf32, #tpu.memory_space<vmem>>, %arg7: memref<8x!tpu.dma_semaphore, #tpu.memory_space<semaphore_mem>>, %arg8: memref<8x!tpu.dma_semaphore, #tpu.memory_space<semaphore_mem>>) attributes {dimension_semantics = [#tpu.dimension_semantics<core_parallel>, #tpu.dimension_semantics<subcore_parallel>], iteration_bounds = array<i64: 2, 16>, scalar_prefetch = 0 : i64, scratch_operands = 4 : i64, tpu.core_type = #tpu.core_type<sc_vector_subcore>, window_params = [{transform_indices = #map}, {transform_indices = #map1}, {transform_indices = #map1}]} {
    %mul3A = arith.constant 2 : i32
    %mul3A_0 = arith.muli %arg1, %mul3A : i32
    %add3A = arith.addi %mul3A_0, %arg0 : i32
    %mul3A_1 = arith.constant 25600 : i32
    %mul3A_2 = arith.muli %add3A, %mul3A_1 : i32
    "tpu.region"() ({
      %run_scoped3A = tpu.sem_alloc : memref<!tpu.dma_semaphore, #tpu.memory_space<semaphore_mem>>
      %dma_start3A_1061 = arith.constant 0 : i32
      %dma_start3A_1062 = arith.constant 0 : i32
      %dma_start3A_1063 = tpu.memref_slice %arg2[%add3A, %dma_start3A_1061, %dma_start3A_1062] : memref<32x400x64xi32, #tpu.memory_space<hbm>> -> memref<1x400x64xi32, #tpu.memory_space<hbm>>
      %dma_start3A_1064 = tpu.memref_squeeze %dma_start3A_1063 : memref<1x400x64xi32, #tpu.memory_space<hbm>> -> memref<400x64xi32, #tpu.memory_space<hbm>>
      %dma_start3A_1065 = arith.constant 0 : i32
      %dma_start3A_1066 = arith.constant 0 : i32
      %dma_start3A_1067 = tpu.memref_slice %arg2[%add3A, %dma_start3A_1065, %dma_start3A_1066] : memref<32x400x64xi32, #tpu.memory_space<hbm>> -> memref<1x400x64xi32, #tpu.memory_space<hbm>>
      %dma_start3A_1068 = tpu.memref_squeeze %dma_start3A_1067 : memref<1x400x64xi32, #tpu.memory_space<hbm>> -> memref<400x64xi32, #tpu.memory_space<hbm>>
      tpu.enqueue_dma source(%dma_start3A_1068 : memref<400x64xi32, #tpu.memory_space<hbm>>) target(%arg5 : memref<400x64xi32, #tpu.memory_space<vmem>>) target_semaphore(%run_scoped3A : memref<!tpu.dma_semaphore, #tpu.memory_space<semaphore_mem>>)
      %dma_wait3A_1069 = arith.constant 0 : i32
      %dma_wait3A_1070 = arith.constant 0 : i32
      %dma_wait3A_1071 = tpu.memref_slice %arg2[%add3A, %dma_wait3A_1069, %dma_wait3A_1070] : memref<32x400x64xi32, #tpu.memory_space<hbm>> -> memref<1x400x64xi32, #tpu.memory_space<hbm>>
      %dma_wait3A_1072 = tpu.memref_squeeze %dma_wait3A_1071 : memref<1x400x64xi32, #tpu.memory_space<hbm>> -> memref<400x64xi32, #tpu.memory_space<hbm>>
      %dma_wait3A_1073 = arith.constant 0 : i32
      %dma_wait3A_1074 = arith.constant 0 : i32
      %dma_wait3A_1075 = tpu.memref_slice %arg2[%add3A, %dma_wait3A_1073, %dma_wait3A_1074] : memref<32x400x64xi32, #tpu.memory_space<hbm>> -> memref<1x400x64xi32, #tpu.memory_space<hbm>>
      %dma_wait3A_1076 = tpu.memref_squeeze %dma_wait3A_1075 : memref<1x400x64xi32, #tpu.memory_space<hbm>> -> memref<400x64xi32, #tpu.memory_space<hbm>>
      tpu.wait_dma2 semaphore(%run_scoped3A : memref<!tpu.dma_semaphore, #tpu.memory_space<semaphore_mem>>) src(%dma_wait3A_1076 : memref<400x64xi32, #tpu.memory_space<hbm>>) dst(%arg5 : memref<400x64xi32, #tpu.memory_space<vmem>>)
      tpu.yield
    }) : () -> ()
    %dma_start3A = arith.constant 0 : i32
    %dma_start3A_3 = arith.constant 0 : i32
    %dma_start3A_4 = arith.constant 0 : i32
    %dma_start3A_5 = arith.constant 0 : i32
    %dma_start3A_6 = arith.constant 0 : i32
    %dma_start3A_7 = tpu.memref_slice %arg6[%dma_start3A_3, %dma_start3A_5, %dma_start3A_6] : memref<8x64x128xf32, #tpu.memory_space<vmem>> -> memref<1x64x128xf32, #tpu.memory_space<vmem>>
    %dma_start3A_8 = tpu.memref_squeeze %dma_start3A_7 : memref<1x64x128xf32, #tpu.memory_space<vmem>> -> memref<64x128xf32, #tpu.memory_space<vmem>>
    %dma_start3A_9 = arith.constant 0 : i32
    %dma_start3A_10 = tpu.memref_slice %arg5[%dma_start3A, %dma_start3A_9] : memref<400x64xi32, #tpu.memory_space<vmem>> -> memref<1x64xi32, #tpu.memory_space<vmem>>
    %dma_start3A_11 = tpu.memref_squeeze %dma_start3A_10 : memref<1x64xi32, #tpu.memory_space<vmem>> -> memref<64xi32, #tpu.memory_space<vmem>>
    %dma_start3A_12 = arith.constant 0 : i32
    %dma_start3A_13 = arith.constant 0 : i32
    %dma_start3A_14 = tpu.memref_slice %arg3[%dma_start3A_12, %dma_start3A_13] : memref<100000x128xf32, #tpu.memory_space<hbm>> -> memref<100000x128xf32, #tpu.memory_space<hbm>>
    %dma_start3A_15 = tpu.memref_slice %arg7[%dma_start3A_4] : memref<8x!tpu.dma_semaphore, #tpu.memory_space<semaphore_mem>> -> memref<1x!tpu.dma_semaphore, #tpu.memory_space<semaphore_mem>>
    %dma_start3A_16 = tpu.memref_squeeze %dma_start3A_15 : memref<1x!tpu.dma_semaphore, #tpu.memory_space<semaphore_mem>> -> memref<!tpu.dma_semaphore, #tpu.memory_space<semaphore_mem>>
    tpu.enqueue_indirect_dma source(%dma_start3A_14 : memref<100000x128xf32, #tpu.memory_space<hbm>>) target(%dma_start3A_8 : memref<64x128xf32, #tpu.memory_space<vmem>>) offsets(%dma_start3A_11 : memref<64xi32, #tpu.memory_space<vmem>>) semaphore(%dma_start3A_16 : memref<!tpu.dma_semaphore, #tpu.memory_space<semaphore_mem>>)
    %dma_start3A_17 = arith.constant 1 : i32
    %dma_start3A_18 = arith.constant 1 : i32
    %dma_start3A_19 = arith.constant 1 : i32
    %dma_start3A_20 = arith.constant 0 : i32
    %dma_start3A_21 = arith.constant 0 : i32
    %dma_start3A_22 = tpu.memref_slice %arg6[%dma_start3A_18, %dma_start3A_20, %dma_start3A_21] : memref<8x64x128xf32, #tpu.memory_space<vmem>> -> memref<1x64x128xf32, #tpu.memory_space<vmem>>
    %dma_start3A_23 = tpu.memref_squeeze %dma_start3A_22 : memref<1x64x128xf32, #tpu.memory_space<vmem>> -> memref<64x128xf32, #tpu.memory_space<vmem>>
    %dma_start3A_24 = arith.constant 0 : i32
    %dma_start3A_25 = tpu.memref_slice %arg5[%dma_start3A_17, %dma_start3A_24] : memref<400x64xi32, #tpu.memory_space<vmem>> -> memref<1x64xi32, #tpu.memory_space<vmem>>
    %dma_start3A_26 = tpu.memref_squeeze %dma_start3A_25 : memref<1x64xi32, #tpu.memory_space<vmem>> -> memref<64xi32, #tpu.memory_space<vmem>>
    %dma_start3A_27 = arith.constant 0 : i32
    %dma_start3A_28 = arith.constant 0 : i32
    %dma_start3A_29 = tpu.memref_slice %arg3[%dma_start3A_27, %dma_start3A_28] : memref<100000x128xf32, #tpu.memory_space<hbm>> -> memref<100000x128xf32, #tpu.memory_space<hbm>>
    %dma_start3A_30 = tpu.memref_slice %arg7[%dma_start3A_19] : memref<8x!tpu.dma_semaphore, #tpu.memory_space<semaphore_mem>> -> memref<1x!tpu.dma_semaphore, #tpu.memory_space<semaphore_mem>>
    %dma_start3A_31 = tpu.memref_squeeze %dma_start3A_30 : memref<1x!tpu.dma_semaphore, #tpu.memory_space<semaphore_mem>> -> memref<!tpu.dma_semaphore, #tpu.memory_space<semaphore_mem>>
    tpu.enqueue_indirect_dma source(%dma_start3A_29 : memref<100000x128xf32, #tpu.memory_space<hbm>>) target(%dma_start3A_23 : memref<64x128xf32, #tpu.memory_space<vmem>>) offsets(%dma_start3A_26 : memref<64xi32, #tpu.memory_space<vmem>>) semaphore(%dma_start3A_31 : memref<!tpu.dma_semaphore, #tpu.memory_space<semaphore_mem>>)
    %dma_start3A_32 = arith.constant 2 : i32
    %dma_start3A_33 = arith.constant 2 : i32
    %dma_start3A_34 = arith.constant 2 : i32
    %dma_start3A_35 = arith.constant 0 : i32
    %dma_start3A_36 = arith.constant 0 : i32
    %dma_start3A_37 = tpu.memref_slice %arg6[%dma_start3A_33, %dma_start3A_35, %dma_start3A_36] : memref<8x64x128xf32, #tpu.memory_space<vmem>> -> memref<1x64x128xf32, #tpu.memory_space<vmem>>
    %dma_start3A_38 = tpu.memref_squeeze %dma_start3A_37 : memref<1x64x128xf32, #tpu.memory_space<vmem>> -> memref<64x128xf32, #tpu.memory_space<vmem>>
    %dma_start3A_39 = arith.constant 0 : i32
    %dma_start3A_40 = tpu.memref_slice %arg5[%dma_start3A_32, %dma_start3A_39] : memref<400x64xi32, #tpu.memory_space<vmem>> -> memref<1x64xi32, #tpu.memory_space<vmem>>
    %dma_start3A_41 = tpu.memref_squeeze %dma_start3A_40 : memref<1x64xi32, #tpu.memory_space<vmem>> -> memref<64xi32, #tpu.memory_space<vmem>>
    %dma_start3A_42 = arith.constant 0 : i32
    %dma_start3A_43 = arith.constant 0 : i32
    %dma_start3A_44 = tpu.memref_slice %arg3[%dma_start3A_42, %dma_start3A_43] : memref<100000x128xf32, #tpu.memory_space<hbm>> -> memref<100000x128xf32, #tpu.memory_space<hbm>>
    %dma_start3A_45 = tpu.memref_slice %arg7[%dma_start3A_34] : memref<8x!tpu.dma_semaphore, #tpu.memory_space<semaphore_mem>> -> memref<1x!tpu.dma_semaphore, #tpu.memory_space<semaphore_mem>>
    %dma_start3A_46 = tpu.memref_squeeze %dma_start3A_45 : memref<1x!tpu.dma_semaphore, #tpu.memory_space<semaphore_mem>> -> memref<!tpu.dma_semaphore, #tpu.memory_space<semaphore_mem>>
    tpu.enqueue_indirect_dma source(%dma_start3A_44 : memref<100000x128xf32, #tpu.memory_space<hbm>>) target(%dma_start3A_38 : memref<64x128xf32, #tpu.memory_space<vmem>>) offsets(%dma_start3A_41 : memref<64xi32, #tpu.memory_space<vmem>>) semaphore(%dma_start3A_46 : memref<!tpu.dma_semaphore, #tpu.memory_space<semaphore_mem>>)
    %dma_start3A_47 = arith.constant 3 : i32
    %dma_start3A_48 = arith.constant 3 : i32
    %dma_start3A_49 = arith.constant 3 : i32
    %dma_start3A_50 = arith.constant 0 : i32
    %dma_start3A_51 = arith.constant 0 : i32
    %dma_start3A_52 = tpu.memref_slice %arg6[%dma_start3A_48, %dma_start3A_50, %dma_start3A_51] : memref<8x64x128xf32, #tpu.memory_space<vmem>> -> memref<1x64x128xf32, #tpu.memory_space<vmem>>
    %dma_start3A_53 = tpu.memref_squeeze %dma_start3A_52 : memref<1x64x128xf32, #tpu.memory_space<vmem>> -> memref<64x128xf32, #tpu.memory_space<vmem>>
    %dma_start3A_54 = arith.constant 0 : i32
    %dma_start3A_55 = tpu.memref_slice %arg5[%dma_start3A_47, %dma_start3A_54] : memref<400x64xi32, #tpu.memory_space<vmem>> -> memref<1x64xi32, #tpu.memory_space<vmem>>
    %dma_start3A_56 = tpu.memref_squeeze %dma_start3A_55 : memref<1x64xi32, #tpu.memory_space<vmem>> -> memref<64xi32, #tpu.memory_space<vmem>>
    %dma_start3A_57 = arith.constant 0 : i32
    %dma_start3A_58 = arith.constant 0 : i32
    %dma_start3A_59 = tpu.memref_slice %arg3[%dma_start3A_57, %dma_start3A_58] : memref<100000x128xf32, #tpu.memory_space<hbm>> -> memref<100000x128xf32, #tpu.memory_space<hbm>>
    %dma_start3A_60 = tpu.memref_slice %arg7[%dma_start3A_49] : memref<8x!tpu.dma_semaphore, #tpu.memory_space<semaphore_mem>> -> memref<1x!tpu.dma_semaphore, #tpu.memory_space<semaphore_mem>>
    %dma_start3A_61 = tpu.memref_squeeze %dma_start3A_60 : memref<1x!tpu.dma_semaphore, #tpu.memory_space<semaphore_mem>> -> memref<!tpu.dma_semaphore, #tpu.memory_space<semaphore_mem>>
    tpu.enqueue_indirect_dma source(%dma_start3A_59 : memref<100000x128xf32, #tpu.memory_space<hbm>>) target(%dma_start3A_53 : memref<64x128xf32, #tpu.memory_space<vmem>>) offsets(%dma_start3A_56 : memref<64xi32, #tpu.memory_space<vmem>>) semaphore(%dma_start3A_61 : memref<!tpu.dma_semaphore, #tpu.memory_space<semaphore_mem>>)
    %dma_start3A_62 = arith.constant 4 : i32
    %dma_start3A_63 = arith.constant 4 : i32
    %dma_start3A_64 = arith.constant 4 : i32
    %dma_start3A_65 = arith.constant 0 : i32
    %dma_start3A_66 = arith.constant 0 : i32
    %dma_start3A_67 = tpu.memref_slice %arg6[%dma_start3A_63, %dma_start3A_65, %dma_start3A_66] : memref<8x64x128xf32, #tpu.memory_space<vmem>> -> memref<1x64x128xf32, #tpu.memory_space<vmem>>
    %dma_start3A_68 = tpu.memref_squeeze %dma_start3A_67 : memref<1x64x128xf32, #tpu.memory_space<vmem>> -> memref<64x128xf32, #tpu.memory_space<vmem>>
    %dma_start3A_69 = arith.constant 0 : i32
    %dma_start3A_70 = tpu.memref_slice %arg5[%dma_start3A_62, %dma_start3A_69] : memref<400x64xi32, #tpu.memory_space<vmem>> -> memref<1x64xi32, #tpu.memory_space<vmem>>
    %dma_start3A_71 = tpu.memref_squeeze %dma_start3A_70 : memref<1x64xi32, #tpu.memory_space<vmem>> -> memref<64xi32, #tpu.memory_space<vmem>>
    %dma_start3A_72 = arith.constant 0 : i32
    %dma_start3A_73 = arith.constant 0 : i32
    %dma_start3A_74 = tpu.memref_slice %arg3[%dma_start3A_72, %dma_start3A_73] : memref<100000x128xf32, #tpu.memory_space<hbm>> -> memref<100000x128xf32, #tpu.memory_space<hbm>>
    %dma_start3A_75 = tpu.memref_slice %arg7[%dma_start3A_64] : memref<8x!tpu.dma_semaphore, #tpu.memory_space<semaphore_mem>> -> memref<1x!tpu.dma_semaphore, #tpu.memory_space<semaphore_mem>>
    %dma_start3A_76 = tpu.memref_squeeze %dma_start3A_75 : memref<1x!tpu.dma_semaphore, #tpu.memory_space<semaphore_mem>> -> memref<!tpu.dma_semaphore, #tpu.memory_space<semaphore_mem>>
    tpu.enqueue_indirect_dma source(%dma_start3A_74 : memref<100000x128xf32, #tpu.memory_space<hbm>>) target(%dma_start3A_68 : memref<64x128xf32, #tpu.memory_space<vmem>>) offsets(%dma_start3A_71 : memref<64xi32, #tpu.memory_space<vmem>>) semaphore(%dma_start3A_76 : memref<!tpu.dma_semaphore, #tpu.memory_space<semaphore_mem>>)
    %dma_start3A_77 = arith.constant 5 : i32
    %dma_start3A_78 = arith.constant 5 : i32
    %dma_start3A_79 = arith.constant 5 : i32
    %dma_start3A_80 = arith.constant 0 : i32
    %dma_start3A_81 = arith.constant 0 : i32
    %dma_start3A_82 = tpu.memref_slice %arg6[%dma_start3A_78, %dma_start3A_80, %dma_start3A_81] : memref<8x64x128xf32, #tpu.memory_space<vmem>> -> memref<1x64x128xf32, #tpu.memory_space<vmem>>
    %dma_start3A_83 = tpu.memref_squeeze %dma_start3A_82 : memref<1x64x128xf32, #tpu.memory_space<vmem>> -> memref<64x128xf32, #tpu.memory_space<vmem>>
    %dma_start3A_84 = arith.constant 0 : i32
    %dma_start3A_85 = tpu.memref_slice %arg5[%dma_start3A_77, %dma_start3A_84] : memref<400x64xi32, #tpu.memory_space<vmem>> -> memref<1x64xi32, #tpu.memory_space<vmem>>
    %dma_start3A_86 = tpu.memref_squeeze %dma_start3A_85 : memref<1x64xi32, #tpu.memory_space<vmem>> -> memref<64xi32, #tpu.memory_space<vmem>>
    %dma_start3A_87 = arith.constant 0 : i32
    %dma_start3A_88 = arith.constant 0 : i32
    %dma_start3A_89 = tpu.memref_slice %arg3[%dma_start3A_87, %dma_start3A_88] : memref<100000x128xf32, #tpu.memory_space<hbm>> -> memref<100000x128xf32, #tpu.memory_space<hbm>>
    %dma_start3A_90 = tpu.memref_slice %arg7[%dma_start3A_79] : memref<8x!tpu.dma_semaphore, #tpu.memory_space<semaphore_mem>> -> memref<1x!tpu.dma_semaphore, #tpu.memory_space<semaphore_mem>>
    %dma_start3A_91 = tpu.memref_squeeze %dma_start3A_90 : memref<1x!tpu.dma_semaphore, #tpu.memory_space<semaphore_mem>> -> memref<!tpu.dma_semaphore, #tpu.memory_space<semaphore_mem>>
    tpu.enqueue_indirect_dma source(%dma_start3A_89 : memref<100000x128xf32, #tpu.memory_space<hbm>>) target(%dma_start3A_83 : memref<64x128xf32, #tpu.memory_space<vmem>>) offsets(%dma_start3A_86 : memref<64xi32, #tpu.memory_space<vmem>>) semaphore(%dma_start3A_91 : memref<!tpu.dma_semaphore, #tpu.memory_space<semaphore_mem>>)
    %dma_start3A_92 = arith.constant 6 : i32
    %dma_start3A_93 = arith.constant 6 : i32
    %dma_start3A_94 = arith.constant 6 : i32
    %dma_start3A_95 = arith.constant 0 : i32
    %dma_start3A_96 = arith.constant 0 : i32
    %dma_start3A_97 = tpu.memref_slice %arg6[%dma_start3A_93, %dma_start3A_95, %dma_start3A_96] : memref<8x64x128xf32, #tpu.memory_space<vmem>> -> memref<1x64x128xf32, #tpu.memory_space<vmem>>
    %dma_start3A_98 = tpu.memref_squeeze %dma_start3A_97 : memref<1x64x128xf32, #tpu.memory_space<vmem>> -> memref<64x128xf32, #tpu.memory_space<vmem>>
    %dma_start3A_99 = arith.constant 0 : i32
    %dma_start3A_100 = tpu.memref_slice %arg5[%dma_start3A_92, %dma_start3A_99] : memref<400x64xi32, #tpu.memory_space<vmem>> -> memref<1x64xi32, #tpu.memory_space<vmem>>
    %dma_start3A_101 = tpu.memref_squeeze %dma_start3A_100 : memref<1x64xi32, #tpu.memory_space<vmem>> -> memref<64xi32, #tpu.memory_space<vmem>>
    %dma_start3A_102 = arith.constant 0 : i32
    %dma_start3A_103 = arith.constant 0 : i32
    %dma_start3A_104 = tpu.memref_slice %arg3[%dma_start3A_102, %dma_start3A_103] : memref<100000x128xf32, #tpu.memory_space<hbm>> -> memref<100000x128xf32, #tpu.memory_space<hbm>>
    %dma_start3A_105 = tpu.memref_slice %arg7[%dma_start3A_94] : memref<8x!tpu.dma_semaphore, #tpu.memory_space<semaphore_mem>> -> memref<1x!tpu.dma_semaphore, #tpu.memory_space<semaphore_mem>>
    %dma_start3A_106 = tpu.memref_squeeze %dma_start3A_105 : memref<1x!tpu.dma_semaphore, #tpu.memory_space<semaphore_mem>> -> memref<!tpu.dma_semaphore, #tpu.memory_space<semaphore_mem>>
    tpu.enqueue_indirect_dma source(%dma_start3A_104 : memref<100000x128xf32, #tpu.memory_space<hbm>>) target(%dma_start3A_98 : memref<64x128xf32, #tpu.memory_space<vmem>>) offsets(%dma_start3A_101 : memref<64xi32, #tpu.memory_space<vmem>>) semaphore(%dma_start3A_106 : memref<!tpu.dma_semaphore, #tpu.memory_space<semaphore_mem>>)
    %dma_start3A_107 = arith.constant 7 : i32
    %dma_start3A_108 = arith.constant 7 : i32
    %dma_start3A_109 = arith.constant 7 : i32
    %dma_start3A_110 = arith.constant 0 : i32
    %dma_start3A_111 = arith.constant 0 : i32
    %dma_start3A_112 = tpu.memref_slice %arg6[%dma_start3A_108, %dma_start3A_110, %dma_start3A_111] : memref<8x64x128xf32, #tpu.memory_space<vmem>> -> memref<1x64x128xf32, #tpu.memory_space<vmem>>
    %dma_start3A_113 = tpu.memref_squeeze %dma_start3A_112 : memref<1x64x128xf32, #tpu.memory_space<vmem>> -> memref<64x128xf32, #tpu.memory_space<vmem>>
    %dma_start3A_114 = arith.constant 0 : i32
    %dma_start3A_115 = tpu.memref_slice %arg5[%dma_start3A_107, %dma_start3A_114] : memref<400x64xi32, #tpu.memory_space<vmem>> -> memref<1x64xi32, #tpu.memory_space<vmem>>
    %dma_start3A_116 = tpu.memref_squeeze %dma_start3A_115 : memref<1x64xi32, #tpu.memory_space<vmem>> -> memref<64xi32, #tpu.memory_space<vmem>>
    %dma_start3A_117 = arith.constant 0 : i32
    %dma_start3A_118 = arith.constant 0 : i32
    %dma_start3A_119 = tpu.memref_slice %arg3[%dma_start3A_117, %dma_start3A_118] : memref<100000x128xf32, #tpu.memory_space<hbm>> -> memref<100000x128xf32, #tpu.memory_space<hbm>>
    %dma_start3A_120 = tpu.memref_slice %arg7[%dma_start3A_109] : memref<8x!tpu.dma_semaphore, #tpu.memory_space<semaphore_mem>> -> memref<1x!tpu.dma_semaphore, #tpu.memory_space<semaphore_mem>>
    %dma_start3A_121 = tpu.memref_squeeze %dma_start3A_120 : memref<1x!tpu.dma_semaphore, #tpu.memory_space<semaphore_mem>> -> memref<!tpu.dma_semaphore, #tpu.memory_space<semaphore_mem>>
    tpu.enqueue_indirect_dma source(%dma_start3A_119 : memref<100000x128xf32, #tpu.memory_space<hbm>>) target(%dma_start3A_113 : memref<64x128xf32, #tpu.memory_space<vmem>>) offsets(%dma_start3A_116 : memref<64xi32, #tpu.memory_space<vmem>>) semaphore(%dma_start3A_121 : memref<!tpu.dma_semaphore, #tpu.memory_space<semaphore_mem>>)
    %dma_wait3A = arith.constant 0 : i32
    %dma_wait3A_122 = arith.constant 0 : i32
    %dma_wait3A_123 = arith.constant 0 : i32
    %dma_wait3A_124 = arith.constant 0 : i32
    %dma_wait3A_125 = arith.constant 0 : i32
    %dma_wait3A_126 = tpu.memref_slice %arg6[%dma_wait3A_122, %dma_wait3A_124, %dma_wait3A_125] : memref<8x64x128xf32, #tpu.memory_space<vmem>> -> memref<1x64x128xf32, #tpu.memory_space<vmem>>
    %dma_wait3A_127 = tpu.memref_squeeze %dma_wait3A_126 : memref<1x64x128xf32, #tpu.memory_space<vmem>> -> memref<64x128xf32, #tpu.memory_space<vmem>>
    %dma_wait3A_128 = arith.constant 0 : i32
    %dma_wait3A_129 = tpu.memref_slice %arg5[%dma_wait3A, %dma_wait3A_128] : memref<400x64xi32, #tpu.memory_space<vmem>> -> memref<1x64xi32, #tpu.memory_space<vmem>>
    %dma_wait3A_130 = tpu.memref_squeeze %dma_wait3A_129 : memref<1x64xi32, #tpu.memory_space<vmem>> -> memref<64xi32, #tpu.memory_space<vmem>>
    %dma_wait3A_131 = arith.constant 0 : i32
    %dma_wait3A_132 = arith.constant 0 : i32
    %dma_wait3A_133 = tpu.memref_slice %arg3[%dma_wait3A_131, %dma_wait3A_132] : memref<100000x128xf32, #tpu.memory_space<hbm>> -> memref<100000x128xf32, #tpu.memory_space<hbm>>
    %dma_wait3A_134 = tpu.memref_slice %arg7[%dma_wait3A_123] : memref<8x!tpu.dma_semaphore, #tpu.memory_space<semaphore_mem>> -> memref<1x!tpu.dma_semaphore, #tpu.memory_space<semaphore_mem>>
    %dma_wait3A_135 = tpu.memref_squeeze %dma_wait3A_134 : memref<1x!tpu.dma_semaphore, #tpu.memory_space<semaphore_mem>> -> memref<!tpu.dma_semaphore, #tpu.memory_space<semaphore_mem>>
    tpu.wait_indirect_dma semaphore(%dma_wait3A_135 : memref<!tpu.dma_semaphore, #tpu.memory_space<semaphore_mem>>) src(%dma_wait3A_133 : memref<100000x128xf32, #tpu.memory_space<hbm>>) dst(%dma_wait3A_127 : memref<64x128xf32, #tpu.memory_space<vmem>>)
    %add3A_136 = arith.constant 0 : i32
    %add3A_137 = arith.addi %mul3A_2, %add3A_136 : i32
    %dma_start3A_138 = arith.constant 0 : i32
    %dma_start3A_139 = arith.constant 0 : i32
    %dma_start3A_140 = arith.constant 0 : i32
    %dma_start3A_141 = arith.constant 0 : i32
    %dma_start3A_142 = tpu.memref_slice %arg6[%dma_start3A_138, %dma_start3A_140, %dma_start3A_141] : memref<8x64x128xf32, #tpu.memory_space<vmem>> -> memref<1x64x128xf32, #tpu.memory_space<vmem>>
    %dma_start3A_143 = tpu.memref_squeeze %dma_start3A_142 : memref<1x64x128xf32, #tpu.memory_space<vmem>> -> memref<64x128xf32, #tpu.memory_space<vmem>>
    %dma_start3A_144 = arith.constant 0 : i32
    %dma_start3A_145 = tpu.memref_slice %arg4[%add3A_137, %dma_start3A_144] : memref<819200x128xf32, #tpu.memory_space<hbm>> -> memref<64x128xf32, #tpu.memory_space<hbm>>
    %dma_start3A_146 = tpu.memref_slice %arg8[%dma_start3A_139] : memref<8x!tpu.dma_semaphore, #tpu.memory_space<semaphore_mem>> -> memref<1x!tpu.dma_semaphore, #tpu.memory_space<semaphore_mem>>
    %dma_start3A_147 = tpu.memref_squeeze %dma_start3A_146 : memref<1x!tpu.dma_semaphore, #tpu.memory_space<semaphore_mem>> -> memref<!tpu.dma_semaphore, #tpu.memory_space<semaphore_mem>>
    %dma_start3A_148 = arith.constant 0 : i32
    %dma_start3A_149 = tpu.memref_slice %arg4[%add3A_137, %dma_start3A_148] : memref<819200x128xf32, #tpu.memory_space<hbm>> -> memref<64x128xf32, #tpu.memory_space<hbm>>
    %dma_start3A_150 = arith.constant 0 : i32
    %dma_start3A_151 = arith.constant 0 : i32
    %dma_start3A_152 = tpu.memref_slice %arg6[%dma_start3A_138, %dma_start3A_150, %dma_start3A_151] : memref<8x64x128xf32, #tpu.memory_space<vmem>> -> memref<1x64x128xf32, #tpu.memory_space<vmem>>
    %dma_start3A_153 = tpu.memref_squeeze %dma_start3A_152 : memref<1x64x128xf32, #tpu.memory_space<vmem>> -> memref<64x128xf32, #tpu.memory_space<vmem>>
    tpu.enqueue_dma source(%dma_start3A_153 : memref<64x128xf32, #tpu.memory_space<vmem>>) target(%dma_start3A_149 : memref<64x128xf32, #tpu.memory_space<hbm>>) target_semaphore(%dma_start3A_147 : memref<!tpu.dma_semaphore, #tpu.memory_space<semaphore_mem>>)
    %dma_wait3A_154 = arith.constant 1 : i32
    %dma_wait3A_155 = arith.constant 1 : i32
    %dma_wait3A_156 = arith.constant 1 : i32
    %dma_wait3A_157 = arith.constant 0 : i32
    %dma_wait3A_158 = arith.constant 0 : i32
    %dma_wait3A_159 = tpu.memref_slice %arg6[%dma_wait3A_155, %dma_wait3A_157, %dma_wait3A_158] : memref<8x64x128xf32, #tpu.memory_space<vmem>> -> memref<1x64x128xf32, #tpu.memory_space<vmem>>
    %dma_wait3A_160 = tpu.memref_squeeze %dma_wait3A_159 : memref<1x64x128xf32, #tpu.memory_space<vmem>> -> memref<64x128xf32, #tpu.memory_space<vmem>>
    %dma_wait3A_161 = arith.constant 0 : i32
    %dma_wait3A_162 = tpu.memref_slice %arg5[%dma_wait3A_154, %dma_wait3A_161] : memref<400x64xi32, #tpu.memory_space<vmem>> -> memref<1x64xi32, #tpu.memory_space<vmem>>
    %dma_wait3A_163 = tpu.memref_squeeze %dma_wait3A_162 : memref<1x64xi32, #tpu.memory_space<vmem>> -> memref<64xi32, #tpu.memory_space<vmem>>
    %dma_wait3A_164 = arith.constant 0 : i32
    %dma_wait3A_165 = arith.constant 0 : i32
    %dma_wait3A_166 = tpu.memref_slice %arg3[%dma_wait3A_164, %dma_wait3A_165] : memref<100000x128xf32, #tpu.memory_space<hbm>> -> memref<100000x128xf32, #tpu.memory_space<hbm>>
    %dma_wait3A_167 = tpu.memref_slice %arg7[%dma_wait3A_156] : memref<8x!tpu.dma_semaphore, #tpu.memory_space<semaphore_mem>> -> memref<1x!tpu.dma_semaphore, #tpu.memory_space<semaphore_mem>>
    %dma_wait3A_168 = tpu.memref_squeeze %dma_wait3A_167 : memref<1x!tpu.dma_semaphore, #tpu.memory_space<semaphore_mem>> -> memref<!tpu.dma_semaphore, #tpu.memory_space<semaphore_mem>>
    tpu.wait_indirect_dma semaphore(%dma_wait3A_168 : memref<!tpu.dma_semaphore, #tpu.memory_space<semaphore_mem>>) src(%dma_wait3A_166 : memref<100000x128xf32, #tpu.memory_space<hbm>>) dst(%dma_wait3A_160 : memref<64x128xf32, #tpu.memory_space<vmem>>)
    %add3A_169 = arith.constant 64 : i32
    %add3A_170 = arith.addi %mul3A_2, %add3A_169 : i32
    %dma_start3A_171 = arith.constant 1 : i32
    %dma_start3A_172 = arith.constant 1 : i32
    %dma_start3A_173 = arith.constant 0 : i32
    %dma_start3A_174 = arith.constant 0 : i32
    %dma_start3A_175 = tpu.memref_slice %arg6[%dma_start3A_171, %dma_start3A_173, %dma_start3A_174] : memref<8x64x128xf32, #tpu.memory_space<vmem>> -> memref<1x64x128xf32, #tpu.memory_space<vmem>>
    %dma_start3A_176 = tpu.memref_squeeze %dma_start3A_175 : memref<1x64x128xf32, #tpu.memory_space<vmem>> -> memref<64x128xf32, #tpu.memory_space<vmem>>
    %dma_start3A_177 = arith.constant 0 : i32
    %dma_start3A_178 = tpu.memref_slice %arg4[%add3A_170, %dma_start3A_177] : memref<819200x128xf32, #tpu.memory_space<hbm>> -> memref<64x128xf32, #tpu.memory_space<hbm>>
    %dma_start3A_179 = tpu.memref_slice %arg8[%dma_start3A_172] : memref<8x!tpu.dma_semaphore, #tpu.memory_space<semaphore_mem>> -> memref<1x!tpu.dma_semaphore, #tpu.memory_space<semaphore_mem>>
    %dma_start3A_180 = tpu.memref_squeeze %dma_start3A_179 : memref<1x!tpu.dma_semaphore, #tpu.memory_space<semaphore_mem>> -> memref<!tpu.dma_semaphore, #tpu.memory_space<semaphore_mem>>
    %dma_start3A_181 = arith.constant 0 : i32
    %dma_start3A_182 = tpu.memref_slice %arg4[%add3A_170, %dma_start3A_181] : memref<819200x128xf32, #tpu.memory_space<hbm>> -> memref<64x128xf32, #tpu.memory_space<hbm>>
    %dma_start3A_183 = arith.constant 0 : i32
    %dma_start3A_184 = arith.constant 0 : i32
    %dma_start3A_185 = tpu.memref_slice %arg6[%dma_start3A_171, %dma_start3A_183, %dma_start3A_184] : memref<8x64x128xf32, #tpu.memory_space<vmem>> -> memref<1x64x128xf32, #tpu.memory_space<vmem>>
    %dma_start3A_186 = tpu.memref_squeeze %dma_start3A_185 : memref<1x64x128xf32, #tpu.memory_space<vmem>> -> memref<64x128xf32, #tpu.memory_space<vmem>>
    tpu.enqueue_dma source(%dma_start3A_186 : memref<64x128xf32, #tpu.memory_space<vmem>>) target(%dma_start3A_182 : memref<64x128xf32, #tpu.memory_space<hbm>>) target_semaphore(%dma_start3A_180 : memref<!tpu.dma_semaphore, #tpu.memory_space<semaphore_mem>>)
    %dma_wait3A_187 = arith.constant 2 : i32
    %dma_wait3A_188 = arith.constant 2 : i32
    %dma_wait3A_189 = arith.constant 2 : i32
    %dma_wait3A_190 = arith.constant 0 : i32
    %dma_wait3A_191 = arith.constant 0 : i32
    %dma_wait3A_192 = tpu.memref_slice %arg6[%dma_wait3A_188, %dma_wait3A_190, %dma_wait3A_191] : memref<8x64x128xf32, #tpu.memory_space<vmem>> -> memref<1x64x128xf32, #tpu.memory_space<vmem>>
    %dma_wait3A_193 = tpu.memref_squeeze %dma_wait3A_192 : memref<1x64x128xf32, #tpu.memory_space<vmem>> -> memref<64x128xf32, #tpu.memory_space<vmem>>
    %dma_wait3A_194 = arith.constant 0 : i32
    %dma_wait3A_195 = tpu.memref_slice %arg5[%dma_wait3A_187, %dma_wait3A_194] : memref<400x64xi32, #tpu.memory_space<vmem>> -> memref<1x64xi32, #tpu.memory_space<vmem>>
    %dma_wait3A_196 = tpu.memref_squeeze %dma_wait3A_195 : memref<1x64xi32, #tpu.memory_space<vmem>> -> memref<64xi32, #tpu.memory_space<vmem>>
    %dma_wait3A_197 = arith.constant 0 : i32
    %dma_wait3A_198 = arith.constant 0 : i32
    %dma_wait3A_199 = tpu.memref_slice %arg3[%dma_wait3A_197, %dma_wait3A_198] : memref<100000x128xf32, #tpu.memory_space<hbm>> -> memref<100000x128xf32, #tpu.memory_space<hbm>>
    %dma_wait3A_200 = tpu.memref_slice %arg7[%dma_wait3A_189] : memref<8x!tpu.dma_semaphore, #tpu.memory_space<semaphore_mem>> -> memref<1x!tpu.dma_semaphore, #tpu.memory_space<semaphore_mem>>
    %dma_wait3A_201 = tpu.memref_squeeze %dma_wait3A_200 : memref<1x!tpu.dma_semaphore, #tpu.memory_space<semaphore_mem>> -> memref<!tpu.dma_semaphore, #tpu.memory_space<semaphore_mem>>
    tpu.wait_indirect_dma semaphore(%dma_wait3A_201 : memref<!tpu.dma_semaphore, #tpu.memory_space<semaphore_mem>>) src(%dma_wait3A_199 : memref<100000x128xf32, #tpu.memory_space<hbm>>) dst(%dma_wait3A_193 : memref<64x128xf32, #tpu.memory_space<vmem>>)
    %add3A_202 = arith.constant 128 : i32
    %add3A_203 = arith.addi %mul3A_2, %add3A_202 : i32
    %dma_start3A_204 = arith.constant 2 : i32
    %dma_start3A_205 = arith.constant 2 : i32
    %dma_start3A_206 = arith.constant 0 : i32
    %dma_start3A_207 = arith.constant 0 : i32
    %dma_start3A_208 = tpu.memref_slice %arg6[%dma_start3A_204, %dma_start3A_206, %dma_start3A_207] : memref<8x64x128xf32, #tpu.memory_space<vmem>> -> memref<1x64x128xf32, #tpu.memory_space<vmem>>
    %dma_start3A_209 = tpu.memref_squeeze %dma_start3A_208 : memref<1x64x128xf32, #tpu.memory_space<vmem>> -> memref<64x128xf32, #tpu.memory_space<vmem>>
    %dma_start3A_210 = arith.constant 0 : i32
    %dma_start3A_211 = tpu.memref_slice %arg4[%add3A_203, %dma_start3A_210] : memref<819200x128xf32, #tpu.memory_space<hbm>> -> memref<64x128xf32, #tpu.memory_space<hbm>>
    %dma_start3A_212 = tpu.memref_slice %arg8[%dma_start3A_205] : memref<8x!tpu.dma_semaphore, #tpu.memory_space<semaphore_mem>> -> memref<1x!tpu.dma_semaphore, #tpu.memory_space<semaphore_mem>>
    %dma_start3A_213 = tpu.memref_squeeze %dma_start3A_212 : memref<1x!tpu.dma_semaphore, #tpu.memory_space<semaphore_mem>> -> memref<!tpu.dma_semaphore, #tpu.memory_space<semaphore_mem>>
    %dma_start3A_214 = arith.constant 0 : i32
    %dma_start3A_215 = tpu.memref_slice %arg4[%add3A_203, %dma_start3A_214] : memref<819200x128xf32, #tpu.memory_space<hbm>> -> memref<64x128xf32, #tpu.memory_space<hbm>>
    %dma_start3A_216 = arith.constant 0 : i32
    %dma_start3A_217 = arith.constant 0 : i32
    %dma_start3A_218 = tpu.memref_slice %arg6[%dma_start3A_204, %dma_start3A_216, %dma_start3A_217] : memref<8x64x128xf32, #tpu.memory_space<vmem>> -> memref<1x64x128xf32, #tpu.memory_space<vmem>>
    %dma_start3A_219 = tpu.memref_squeeze %dma_start3A_218 : memref<1x64x128xf32, #tpu.memory_space<vmem>> -> memref<64x128xf32, #tpu.memory_space<vmem>>
    tpu.enqueue_dma source(%dma_start3A_219 : memref<64x128xf32, #tpu.memory_space<vmem>>) target(%dma_start3A_215 : memref<64x128xf32, #tpu.memory_space<hbm>>) target_semaphore(%dma_start3A_213 : memref<!tpu.dma_semaphore, #tpu.memory_space<semaphore_mem>>)
    %dma_wait3A_220 = arith.constant 3 : i32
    %dma_wait3A_221 = arith.constant 3 : i32
    %dma_wait3A_222 = arith.constant 3 : i32
    %dma_wait3A_223 = arith.constant 0 : i32
    %dma_wait3A_224 = arith.constant 0 : i32
    %dma_wait3A_225 = tpu.memref_slice %arg6[%dma_wait3A_221, %dma_wait3A_223, %dma_wait3A_224] : memref<8x64x128xf32, #tpu.memory_space<vmem>> -> memref<1x64x128xf32, #tpu.memory_space<vmem>>
    %dma_wait3A_226 = tpu.memref_squeeze %dma_wait3A_225 : memref<1x64x128xf32, #tpu.memory_space<vmem>> -> memref<64x128xf32, #tpu.memory_space<vmem>>
    %dma_wait3A_227 = arith.constant 0 : i32
    %dma_wait3A_228 = tpu.memref_slice %arg5[%dma_wait3A_220, %dma_wait3A_227] : memref<400x64xi32, #tpu.memory_space<vmem>> -> memref<1x64xi32, #tpu.memory_space<vmem>>
    %dma_wait3A_229 = tpu.memref_squeeze %dma_wait3A_228 : memref<1x64xi32, #tpu.memory_space<vmem>> -> memref<64xi32, #tpu.memory_space<vmem>>
    %dma_wait3A_230 = arith.constant 0 : i32
    %dma_wait3A_231 = arith.constant 0 : i32
    %dma_wait3A_232 = tpu.memref_slice %arg3[%dma_wait3A_230, %dma_wait3A_231] : memref<100000x128xf32, #tpu.memory_space<hbm>> -> memref<100000x128xf32, #tpu.memory_space<hbm>>
    %dma_wait3A_233 = tpu.memref_slice %arg7[%dma_wait3A_222] : memref<8x!tpu.dma_semaphore, #tpu.memory_space<semaphore_mem>> -> memref<1x!tpu.dma_semaphore, #tpu.memory_space<semaphore_mem>>
    %dma_wait3A_234 = tpu.memref_squeeze %dma_wait3A_233 : memref<1x!tpu.dma_semaphore, #tpu.memory_space<semaphore_mem>> -> memref<!tpu.dma_semaphore, #tpu.memory_space<semaphore_mem>>
    tpu.wait_indirect_dma semaphore(%dma_wait3A_234 : memref<!tpu.dma_semaphore, #tpu.memory_space<semaphore_mem>>) src(%dma_wait3A_232 : memref<100000x128xf32, #tpu.memory_space<hbm>>) dst(%dma_wait3A_226 : memref<64x128xf32, #tpu.memory_space<vmem>>)
    %add3A_235 = arith.constant 192 : i32
    %add3A_236 = arith.addi %mul3A_2, %add3A_235 : i32
    %dma_start3A_237 = arith.constant 3 : i32
    %dma_start3A_238 = arith.constant 3 : i32
    %dma_start3A_239 = arith.constant 0 : i32
    %dma_start3A_240 = arith.constant 0 : i32
    %dma_start3A_241 = tpu.memref_slice %arg6[%dma_start3A_237, %dma_start3A_239, %dma_start3A_240] : memref<8x64x128xf32, #tpu.memory_space<vmem>> -> memref<1x64x128xf32, #tpu.memory_space<vmem>>
    %dma_start3A_242 = tpu.memref_squeeze %dma_start3A_241 : memref<1x64x128xf32, #tpu.memory_space<vmem>> -> memref<64x128xf32, #tpu.memory_space<vmem>>
    %dma_start3A_243 = arith.constant 0 : i32
    %dma_start3A_244 = tpu.memref_slice %arg4[%add3A_236, %dma_start3A_243] : memref<819200x128xf32, #tpu.memory_space<hbm>> -> memref<64x128xf32, #tpu.memory_space<hbm>>
    %dma_start3A_245 = tpu.memref_slice %arg8[%dma_start3A_238] : memref<8x!tpu.dma_semaphore, #tpu.memory_space<semaphore_mem>> -> memref<1x!tpu.dma_semaphore, #tpu.memory_space<semaphore_mem>>
    %dma_start3A_246 = tpu.memref_squeeze %dma_start3A_245 : memref<1x!tpu.dma_semaphore, #tpu.memory_space<semaphore_mem>> -> memref<!tpu.dma_semaphore, #tpu.memory_space<semaphore_mem>>
    %dma_start3A_247 = arith.constant 0 : i32
    %dma_start3A_248 = tpu.memref_slice %arg4[%add3A_236, %dma_start3A_247] : memref<819200x128xf32, #tpu.memory_space<hbm>> -> memref<64x128xf32, #tpu.memory_space<hbm>>
    %dma_start3A_249 = arith.constant 0 : i32
    %dma_start3A_250 = arith.constant 0 : i32
    %dma_start3A_251 = tpu.memref_slice %arg6[%dma_start3A_237, %dma_start3A_249, %dma_start3A_250] : memref<8x64x128xf32, #tpu.memory_space<vmem>> -> memref<1x64x128xf32, #tpu.memory_space<vmem>>
    %dma_start3A_252 = tpu.memref_squeeze %dma_start3A_251 : memref<1x64x128xf32, #tpu.memory_space<vmem>> -> memref<64x128xf32, #tpu.memory_space<vmem>>
    tpu.enqueue_dma source(%dma_start3A_252 : memref<64x128xf32, #tpu.memory_space<vmem>>) target(%dma_start3A_248 : memref<64x128xf32, #tpu.memory_space<hbm>>) target_semaphore(%dma_start3A_246 : memref<!tpu.dma_semaphore, #tpu.memory_space<semaphore_mem>>)
    %dma_wait3A_253 = arith.constant 4 : i32
    %dma_wait3A_254 = arith.constant 4 : i32
    %dma_wait3A_255 = arith.constant 4 : i32
    %dma_wait3A_256 = arith.constant 0 : i32
    %dma_wait3A_257 = arith.constant 0 : i32
    %dma_wait3A_258 = tpu.memref_slice %arg6[%dma_wait3A_254, %dma_wait3A_256, %dma_wait3A_257] : memref<8x64x128xf32, #tpu.memory_space<vmem>> -> memref<1x64x128xf32, #tpu.memory_space<vmem>>
    %dma_wait3A_259 = tpu.memref_squeeze %dma_wait3A_258 : memref<1x64x128xf32, #tpu.memory_space<vmem>> -> memref<64x128xf32, #tpu.memory_space<vmem>>
    %dma_wait3A_260 = arith.constant 0 : i32
    %dma_wait3A_261 = tpu.memref_slice %arg5[%dma_wait3A_253, %dma_wait3A_260] : memref<400x64xi32, #tpu.memory_space<vmem>> -> memref<1x64xi32, #tpu.memory_space<vmem>>
    %dma_wait3A_262 = tpu.memref_squeeze %dma_wait3A_261 : memref<1x64xi32, #tpu.memory_space<vmem>> -> memref<64xi32, #tpu.memory_space<vmem>>
    %dma_wait3A_263 = arith.constant 0 : i32
    %dma_wait3A_264 = arith.constant 0 : i32
    %dma_wait3A_265 = tpu.memref_slice %arg3[%dma_wait3A_263, %dma_wait3A_264] : memref<100000x128xf32, #tpu.memory_space<hbm>> -> memref<100000x128xf32, #tpu.memory_space<hbm>>
    %dma_wait3A_266 = tpu.memref_slice %arg7[%dma_wait3A_255] : memref<8x!tpu.dma_semaphore, #tpu.memory_space<semaphore_mem>> -> memref<1x!tpu.dma_semaphore, #tpu.memory_space<semaphore_mem>>
    %dma_wait3A_267 = tpu.memref_squeeze %dma_wait3A_266 : memref<1x!tpu.dma_semaphore, #tpu.memory_space<semaphore_mem>> -> memref<!tpu.dma_semaphore, #tpu.memory_space<semaphore_mem>>
    tpu.wait_indirect_dma semaphore(%dma_wait3A_267 : memref<!tpu.dma_semaphore, #tpu.memory_space<semaphore_mem>>) src(%dma_wait3A_265 : memref<100000x128xf32, #tpu.memory_space<hbm>>) dst(%dma_wait3A_259 : memref<64x128xf32, #tpu.memory_space<vmem>>)
    %add3A_268 = arith.constant 256 : i32
    %add3A_269 = arith.addi %mul3A_2, %add3A_268 : i32
    %dma_start3A_270 = arith.constant 4 : i32
    %dma_start3A_271 = arith.constant 4 : i32
    %dma_start3A_272 = arith.constant 0 : i32
    %dma_start3A_273 = arith.constant 0 : i32
    %dma_start3A_274 = tpu.memref_slice %arg6[%dma_start3A_270, %dma_start3A_272, %dma_start3A_273] : memref<8x64x128xf32, #tpu.memory_space<vmem>> -> memref<1x64x128xf32, #tpu.memory_space<vmem>>
    %dma_start3A_275 = tpu.memref_squeeze %dma_start3A_274 : memref<1x64x128xf32, #tpu.memory_space<vmem>> -> memref<64x128xf32, #tpu.memory_space<vmem>>
    %dma_start3A_276 = arith.constant 0 : i32
    %dma_start3A_277 = tpu.memref_slice %arg4[%add3A_269, %dma_start3A_276] : memref<819200x128xf32, #tpu.memory_space<hbm>> -> memref<64x128xf32, #tpu.memory_space<hbm>>
    %dma_start3A_278 = tpu.memref_slice %arg8[%dma_start3A_271] : memref<8x!tpu.dma_semaphore, #tpu.memory_space<semaphore_mem>> -> memref<1x!tpu.dma_semaphore, #tpu.memory_space<semaphore_mem>>
    %dma_start3A_279 = tpu.memref_squeeze %dma_start3A_278 : memref<1x!tpu.dma_semaphore, #tpu.memory_space<semaphore_mem>> -> memref<!tpu.dma_semaphore, #tpu.memory_space<semaphore_mem>>
    %dma_start3A_280 = arith.constant 0 : i32
    %dma_start3A_281 = tpu.memref_slice %arg4[%add3A_269, %dma_start3A_280] : memref<819200x128xf32, #tpu.memory_space<hbm>> -> memref<64x128xf32, #tpu.memory_space<hbm>>
    %dma_start3A_282 = arith.constant 0 : i32
    %dma_start3A_283 = arith.constant 0 : i32
    %dma_start3A_284 = tpu.memref_slice %arg6[%dma_start3A_270, %dma_start3A_282, %dma_start3A_283] : memref<8x64x128xf32, #tpu.memory_space<vmem>> -> memref<1x64x128xf32, #tpu.memory_space<vmem>>
    %dma_start3A_285 = tpu.memref_squeeze %dma_start3A_284 : memref<1x64x128xf32, #tpu.memory_space<vmem>> -> memref<64x128xf32, #tpu.memory_space<vmem>>
    tpu.enqueue_dma source(%dma_start3A_285 : memref<64x128xf32, #tpu.memory_space<vmem>>) target(%dma_start3A_281 : memref<64x128xf32, #tpu.memory_space<hbm>>) target_semaphore(%dma_start3A_279 : memref<!tpu.dma_semaphore, #tpu.memory_space<semaphore_mem>>)
    %add3A_286 = arith.constant 0 : i32
    %add3A_287 = arith.addi %mul3A_2, %add3A_286 : i32
    %dma_wait3A_288 = arith.constant 0 : i32
    %dma_wait3A_289 = arith.constant 0 : i32
    %dma_wait3A_290 = arith.constant 0 : i32
    %dma_wait3A_291 = arith.constant 0 : i32
    %dma_wait3A_292 = tpu.memref_slice %arg6[%dma_wait3A_288, %dma_wait3A_290, %dma_wait3A_291] : memref<8x64x128xf32, #tpu.memory_space<vmem>> -> memref<1x64x128xf32, #tpu.memory_space<vmem>>
    %dma_wait3A_293 = tpu.memref_squeeze %dma_wait3A_292 : memref<1x64x128xf32, #tpu.memory_space<vmem>> -> memref<64x128xf32, #tpu.memory_space<vmem>>
    %dma_wait3A_294 = arith.constant 0 : i32
    %dma_wait3A_295 = tpu.memref_slice %arg4[%add3A_287, %dma_wait3A_294] : memref<819200x128xf32, #tpu.memory_space<hbm>> -> memref<64x128xf32, #tpu.memory_space<hbm>>
    %dma_wait3A_296 = tpu.memref_slice %arg8[%dma_wait3A_289] : memref<8x!tpu.dma_semaphore, #tpu.memory_space<semaphore_mem>> -> memref<1x!tpu.dma_semaphore, #tpu.memory_space<semaphore_mem>>
    %dma_wait3A_297 = tpu.memref_squeeze %dma_wait3A_296 : memref<1x!tpu.dma_semaphore, #tpu.memory_space<semaphore_mem>> -> memref<!tpu.dma_semaphore, #tpu.memory_space<semaphore_mem>>
    %dma_wait3A_298 = arith.constant 0 : i32
    %dma_wait3A_299 = tpu.memref_slice %arg4[%add3A_287, %dma_wait3A_298] : memref<819200x128xf32, #tpu.memory_space<hbm>> -> memref<64x128xf32, #tpu.memory_space<hbm>>
    %dma_wait3A_300 = arith.constant 0 : i32
    %dma_wait3A_301 = arith.constant 0 : i32
    %dma_wait3A_302 = tpu.memref_slice %arg6[%dma_wait3A_288, %dma_wait3A_300, %dma_wait3A_301] : memref<8x64x128xf32, #tpu.memory_space<vmem>> -> memref<1x64x128xf32, #tpu.memory_space<vmem>>
    %dma_wait3A_303 = tpu.memref_squeeze %dma_wait3A_302 : memref<1x64x128xf32, #tpu.memory_space<vmem>> -> memref<64x128xf32, #tpu.memory_space<vmem>>
    tpu.wait_dma2 semaphore(%dma_wait3A_297 : memref<!tpu.dma_semaphore, #tpu.memory_space<semaphore_mem>>) src(%dma_wait3A_303 : memref<64x128xf32, #tpu.memory_space<vmem>>) dst(%dma_wait3A_299 : memref<64x128xf32, #tpu.memory_space<hbm>>)
    %dma_start3A_304 = arith.constant 8 : i32
    %dma_start3A_305 = arith.constant 0 : i32
    %dma_start3A_306 = arith.constant 0 : i32
    %dma_start3A_307 = arith.constant 0 : i32
    %dma_start3A_308 = arith.constant 0 : i32
    %dma_start3A_309 = tpu.memref_slice %arg6[%dma_start3A_305, %dma_start3A_307, %dma_start3A_308] : memref<8x64x128xf32, #tpu.memory_space<vmem>> -> memref<1x64x128xf32, #tpu.memory_space<vmem>>
    %dma_start3A_310 = tpu.memref_squeeze %dma_start3A_309 : memref<1x64x128xf32, #tpu.memory_space<vmem>> -> memref<64x128xf32, #tpu.memory_space<vmem>>
    %dma_start3A_311 = arith.constant 0 : i32
    %dma_start3A_312 = tpu.memref_slice %arg5[%dma_start3A_304, %dma_start3A_311] : memref<400x64xi32, #tpu.memory_space<vmem>> -> memref<1x64xi32, #tpu.memory_space<vmem>>
    %dma_start3A_313 = tpu.memref_squeeze %dma_start3A_312 : memref<1x64xi32, #tpu.memory_space<vmem>> -> memref<64xi32, #tpu.memory_space<vmem>>
    %dma_start3A_314 = arith.constant 0 : i32
    %dma_start3A_315 = arith.constant 0 : i32
    %dma_start3A_316 = tpu.memref_slice %arg3[%dma_start3A_314, %dma_start3A_315] : memref<100000x128xf32, #tpu.memory_space<hbm>> -> memref<100000x128xf32, #tpu.memory_space<hbm>>
    %dma_start3A_317 = tpu.memref_slice %arg7[%dma_start3A_306] : memref<8x!tpu.dma_semaphore, #tpu.memory_space<semaphore_mem>> -> memref<1x!tpu.dma_semaphore, #tpu.memory_space<semaphore_mem>>
    %dma_start3A_318 = tpu.memref_squeeze %dma_start3A_317 : memref<1x!tpu.dma_semaphore, #tpu.memory_space<semaphore_mem>> -> memref<!tpu.dma_semaphore, #tpu.memory_space<semaphore_mem>>
    tpu.enqueue_indirect_dma source(%dma_start3A_316 : memref<100000x128xf32, #tpu.memory_space<hbm>>) target(%dma_start3A_310 : memref<64x128xf32, #tpu.memory_space<vmem>>) offsets(%dma_start3A_313 : memref<64xi32, #tpu.memory_space<vmem>>) semaphore(%dma_start3A_318 : memref<!tpu.dma_semaphore, #tpu.memory_space<semaphore_mem>>)
    %dma_wait3A_319 = arith.constant 5 : i32
    %dma_wait3A_320 = arith.constant 5 : i32
    %dma_wait3A_321 = arith.constant 5 : i32
    %dma_wait3A_322 = arith.constant 0 : i32
    %dma_wait3A_323 = arith.constant 0 : i32
    %dma_wait3A_324 = tpu.memref_slice %arg6[%dma_wait3A_320, %dma_wait3A_322, %dma_wait3A_323] : memref<8x64x128xf32, #tpu.memory_space<vmem>> -> memref<1x64x128xf32, #tpu.memory_space<vmem>>
    %dma_wait3A_325 = tpu.memref_squeeze %dma_wait3A_324 : memref<1x64x128xf32, #tpu.memory_space<vmem>> -> memref<64x128xf32, #tpu.memory_space<vmem>>
    %dma_wait3A_326 = arith.constant 0 : i32
    %dma_wait3A_327 = tpu.memref_slice %arg5[%dma_wait3A_319, %dma_wait3A_326] : memref<400x64xi32, #tpu.memory_space<vmem>> -> memref<1x64xi32, #tpu.memory_space<vmem>>
    %dma_wait3A_328 = tpu.memref_squeeze %dma_wait3A_327 : memref<1x64xi32, #tpu.memory_space<vmem>> -> memref<64xi32, #tpu.memory_space<vmem>>
    %dma_wait3A_329 = arith.constant 0 : i32
    %dma_wait3A_330 = arith.constant 0 : i32
    %dma_wait3A_331 = tpu.memref_slice %arg3[%dma_wait3A_329, %dma_wait3A_330] : memref<100000x128xf32, #tpu.memory_space<hbm>> -> memref<100000x128xf32, #tpu.memory_space<hbm>>
    %dma_wait3A_332 = tpu.memref_slice %arg7[%dma_wait3A_321] : memref<8x!tpu.dma_semaphore, #tpu.memory_space<semaphore_mem>> -> memref<1x!tpu.dma_semaphore, #tpu.memory_space<semaphore_mem>>
    %dma_wait3A_333 = tpu.memref_squeeze %dma_wait3A_332 : memref<1x!tpu.dma_semaphore, #tpu.memory_space<semaphore_mem>> -> memref<!tpu.dma_semaphore, #tpu.memory_space<semaphore_mem>>
    tpu.wait_indirect_dma semaphore(%dma_wait3A_333 : memref<!tpu.dma_semaphore, #tpu.memory_space<semaphore_mem>>) src(%dma_wait3A_331 : memref<100000x128xf32, #tpu.memory_space<hbm>>) dst(%dma_wait3A_325 : memref<64x128xf32, #tpu.memory_space<vmem>>)
    %add3A_334 = arith.constant 320 : i32
    %add3A_335 = arith.addi %mul3A_2, %add3A_334 : i32
    %dma_start3A_336 = arith.constant 5 : i32
    %dma_start3A_337 = arith.constant 5 : i32
    %dma_start3A_338 = arith.constant 0 : i32
    %dma_start3A_339 = arith.constant 0 : i32
    %dma_start3A_340 = tpu.memref_slice %arg6[%dma_start3A_336, %dma_start3A_338, %dma_start3A_339] : memref<8x64x128xf32, #tpu.memory_space<vmem>> -> memref<1x64x128xf32, #tpu.memory_space<vmem>>
    %dma_start3A_341 = tpu.memref_squeeze %dma_start3A_340 : memref<1x64x128xf32, #tpu.memory_space<vmem>> -> memref<64x128xf32, #tpu.memory_space<vmem>>
    %dma_start3A_342 = arith.constant 0 : i32
    %dma_start3A_343 = tpu.memref_slice %arg4[%add3A_335, %dma_start3A_342] : memref<819200x128xf32, #tpu.memory_space<hbm>> -> memref<64x128xf32, #tpu.memory_space<hbm>>
    %dma_start3A_344 = tpu.memref_slice %arg8[%dma_start3A_337] : memref<8x!tpu.dma_semaphore, #tpu.memory_space<semaphore_mem>> -> memref<1x!tpu.dma_semaphore, #tpu.memory_space<semaphore_mem>>
    %dma_start3A_345 = tpu.memref_squeeze %dma_start3A_344 : memref<1x!tpu.dma_semaphore, #tpu.memory_space<semaphore_mem>> -> memref<!tpu.dma_semaphore, #tpu.memory_space<semaphore_mem>>
    %dma_start3A_346 = arith.constant 0 : i32
    %dma_start3A_347 = tpu.memref_slice %arg4[%add3A_335, %dma_start3A_346] : memref<819200x128xf32, #tpu.memory_space<hbm>> -> memref<64x128xf32, #tpu.memory_space<hbm>>
    %dma_start3A_348 = arith.constant 0 : i32
    %dma_start3A_349 = arith.constant 0 : i32
    %dma_start3A_350 = tpu.memref_slice %arg6[%dma_start3A_336, %dma_start3A_348, %dma_start3A_349] : memref<8x64x128xf32, #tpu.memory_space<vmem>> -> memref<1x64x128xf32, #tpu.memory_space<vmem>>
    %dma_start3A_351 = tpu.memref_squeeze %dma_start3A_350 : memref<1x64x128xf32, #tpu.memory_space<vmem>> -> memref<64x128xf32, #tpu.memory_space<vmem>>
    tpu.enqueue_dma source(%dma_start3A_351 : memref<64x128xf32, #tpu.memory_space<vmem>>) target(%dma_start3A_347 : memref<64x128xf32, #tpu.memory_space<hbm>>) target_semaphore(%dma_start3A_345 : memref<!tpu.dma_semaphore, #tpu.memory_space<semaphore_mem>>)
    %add3A_352 = arith.constant 64 : i32
    %add3A_353 = arith.addi %mul3A_2, %add3A_352 : i32
    %dma_wait3A_354 = arith.constant 1 : i32
    %dma_wait3A_355 = arith.constant 1 : i32
    %dma_wait3A_356 = arith.constant 0 : i32
    %dma_wait3A_357 = arith.constant 0 : i32
    %dma_wait3A_358 = tpu.memref_slice %arg6[%dma_wait3A_354, %dma_wait3A_356, %dma_wait3A_357] : memref<8x64x128xf32, #tpu.memory_space<vmem>> -> memref<1x64x128xf32, #tpu.memory_space<vmem>>
    %dma_wait3A_359 = tpu.memref_squeeze %dma_wait3A_358 : memref<1x64x128xf32, #tpu.memory_space<vmem>> -> memref<64x128xf32, #tpu.memory_space<vmem>>
    %dma_wait3A_360 = arith.constant 0 : i32
    %dma_wait3A_361 = tpu.memref_slice %arg4[%add3A_353, %dma_wait3A_360] : memref<819200x128xf32, #tpu.memory_space<hbm>> -> memref<64x128xf32, #tpu.memory_space<hbm>>
    %dma_wait3A_362 = tpu.memref_slice %arg8[%dma_wait3A_355] : memref<8x!tpu.dma_semaphore, #tpu.memory_space<semaphore_mem>> -> memref<1x!tpu.dma_semaphore, #tpu.memory_space<semaphore_mem>>
    %dma_wait3A_363 = tpu.memref_squeeze %dma_wait3A_362 : memref<1x!tpu.dma_semaphore, #tpu.memory_space<semaphore_mem>> -> memref<!tpu.dma_semaphore, #tpu.memory_space<semaphore_mem>>
    %dma_wait3A_364 = arith.constant 0 : i32
    %dma_wait3A_365 = tpu.memref_slice %arg4[%add3A_353, %dma_wait3A_364] : memref<819200x128xf32, #tpu.memory_space<hbm>> -> memref<64x128xf32, #tpu.memory_space<hbm>>
    %dma_wait3A_366 = arith.constant 0 : i32
    %dma_wait3A_367 = arith.constant 0 : i32
    %dma_wait3A_368 = tpu.memref_slice %arg6[%dma_wait3A_354, %dma_wait3A_366, %dma_wait3A_367] : memref<8x64x128xf32, #tpu.memory_space<vmem>> -> memref<1x64x128xf32, #tpu.memory_space<vmem>>
    %dma_wait3A_369 = tpu.memref_squeeze %dma_wait3A_368 : memref<1x64x128xf32, #tpu.memory_space<vmem>> -> memref<64x128xf32, #tpu.memory_space<vmem>>
    tpu.wait_dma2 semaphore(%dma_wait3A_363 : memref<!tpu.dma_semaphore, #tpu.memory_space<semaphore_mem>>) src(%dma_wait3A_369 : memref<64x128xf32, #tpu.memory_space<vmem>>) dst(%dma_wait3A_365 : memref<64x128xf32, #tpu.memory_space<hbm>>)
    %dma_start3A_370 = arith.constant 9 : i32
    %dma_start3A_371 = arith.constant 1 : i32
    %dma_start3A_372 = arith.constant 1 : i32
    %dma_start3A_373 = arith.constant 0 : i32
    %dma_start3A_374 = arith.constant 0 : i32
    %dma_start3A_375 = tpu.memref_slice %arg6[%dma_start3A_371, %dma_start3A_373, %dma_start3A_374] : memref<8x64x128xf32, #tpu.memory_space<vmem>> -> memref<1x64x128xf32, #tpu.memory_space<vmem>>
    %dma_start3A_376 = tpu.memref_squeeze %dma_start3A_375 : memref<1x64x128xf32, #tpu.memory_space<vmem>> -> memref<64x128xf32, #tpu.memory_space<vmem>>
    %dma_start3A_377 = arith.constant 0 : i32
    %dma_start3A_378 = tpu.memref_slice %arg5[%dma_start3A_370, %dma_start3A_377] : memref<400x64xi32, #tpu.memory_space<vmem>> -> memref<1x64xi32, #tpu.memory_space<vmem>>
    %dma_start3A_379 = tpu.memref_squeeze %dma_start3A_378 : memref<1x64xi32, #tpu.memory_space<vmem>> -> memref<64xi32, #tpu.memory_space<vmem>>
    %dma_start3A_380 = arith.constant 0 : i32
    %dma_start3A_381 = arith.constant 0 : i32
    %dma_start3A_382 = tpu.memref_slice %arg3[%dma_start3A_380, %dma_start3A_381] : memref<100000x128xf32, #tpu.memory_space<hbm>> -> memref<100000x128xf32, #tpu.memory_space<hbm>>
    %dma_start3A_383 = tpu.memref_slice %arg7[%dma_start3A_372] : memref<8x!tpu.dma_semaphore, #tpu.memory_space<semaphore_mem>> -> memref<1x!tpu.dma_semaphore, #tpu.memory_space<semaphore_mem>>
    %dma_start3A_384 = tpu.memref_squeeze %dma_start3A_383 : memref<1x!tpu.dma_semaphore, #tpu.memory_space<semaphore_mem>> -> memref<!tpu.dma_semaphore, #tpu.memory_space<semaphore_mem>>
    tpu.enqueue_indirect_dma source(%dma_start3A_382 : memref<100000x128xf32, #tpu.memory_space<hbm>>) target(%dma_start3A_376 : memref<64x128xf32, #tpu.memory_space<vmem>>) offsets(%dma_start3A_379 : memref<64xi32, #tpu.memory_space<vmem>>) semaphore(%dma_start3A_384 : memref<!tpu.dma_semaphore, #tpu.memory_space<semaphore_mem>>)
    %dma_wait3A_385 = arith.constant 6 : i32
    %dma_wait3A_386 = arith.constant 6 : i32
    %dma_wait3A_387 = arith.constant 6 : i32
    %dma_wait3A_388 = arith.constant 0 : i32
    %dma_wait3A_389 = arith.constant 0 : i32
    %dma_wait3A_390 = tpu.memref_slice %arg6[%dma_wait3A_386, %dma_wait3A_388, %dma_wait3A_389] : memref<8x64x128xf32, #tpu.memory_space<vmem>> -> memref<1x64x128xf32, #tpu.memory_space<vmem>>
    %dma_wait3A_391 = tpu.memref_squeeze %dma_wait3A_390 : memref<1x64x128xf32, #tpu.memory_space<vmem>> -> memref<64x128xf32, #tpu.memory_space<vmem>>
    %dma_wait3A_392 = arith.constant 0 : i32
    %dma_wait3A_393 = tpu.memref_slice %arg5[%dma_wait3A_385, %dma_wait3A_392] : memref<400x64xi32, #tpu.memory_space<vmem>> -> memref<1x64xi32, #tpu.memory_space<vmem>>
    %dma_wait3A_394 = tpu.memref_squeeze %dma_wait3A_393 : memref<1x64xi32, #tpu.memory_space<vmem>> -> memref<64xi32, #tpu.memory_space<vmem>>
    %dma_wait3A_395 = arith.constant 0 : i32
    %dma_wait3A_396 = arith.constant 0 : i32
    %dma_wait3A_397 = tpu.memref_slice %arg3[%dma_wait3A_395, %dma_wait3A_396] : memref<100000x128xf32, #tpu.memory_space<hbm>> -> memref<100000x128xf32, #tpu.memory_space<hbm>>
    %dma_wait3A_398 = tpu.memref_slice %arg7[%dma_wait3A_387] : memref<8x!tpu.dma_semaphore, #tpu.memory_space<semaphore_mem>> -> memref<1x!tpu.dma_semaphore, #tpu.memory_space<semaphore_mem>>
    %dma_wait3A_399 = tpu.memref_squeeze %dma_wait3A_398 : memref<1x!tpu.dma_semaphore, #tpu.memory_space<semaphore_mem>> -> memref<!tpu.dma_semaphore, #tpu.memory_space<semaphore_mem>>
    tpu.wait_indirect_dma semaphore(%dma_wait3A_399 : memref<!tpu.dma_semaphore, #tpu.memory_space<semaphore_mem>>) src(%dma_wait3A_397 : memref<100000x128xf32, #tpu.memory_space<hbm>>) dst(%dma_wait3A_391 : memref<64x128xf32, #tpu.memory_space<vmem>>)
    %add3A_400 = arith.constant 384 : i32
    %add3A_401 = arith.addi %mul3A_2, %add3A_400 : i32
    %dma_start3A_402 = arith.constant 6 : i32
    %dma_start3A_403 = arith.constant 6 : i32
    %dma_start3A_404 = arith.constant 0 : i32
    %dma_start3A_405 = arith.constant 0 : i32
    %dma_start3A_406 = tpu.memref_slice %arg6[%dma_start3A_402, %dma_start3A_404, %dma_start3A_405] : memref<8x64x128xf32, #tpu.memory_space<vmem>> -> memref<1x64x128xf32, #tpu.memory_space<vmem>>
    %dma_start3A_407 = tpu.memref_squeeze %dma_start3A_406 : memref<1x64x128xf32, #tpu.memory_space<vmem>> -> memref<64x128xf32, #tpu.memory_space<vmem>>
    %dma_start3A_408 = arith.constant 0 : i32
    %dma_start3A_409 = tpu.memref_slice %arg4[%add3A_401, %dma_start3A_408] : memref<819200x128xf32, #tpu.memory_space<hbm>> -> memref<64x128xf32, #tpu.memory_space<hbm>>
    %dma_start3A_410 = tpu.memref_slice %arg8[%dma_start3A_403] : memref<8x!tpu.dma_semaphore, #tpu.memory_space<semaphore_mem>> -> memref<1x!tpu.dma_semaphore, #tpu.memory_space<semaphore_mem>>
    %dma_start3A_411 = tpu.memref_squeeze %dma_start3A_410 : memref<1x!tpu.dma_semaphore, #tpu.memory_space<semaphore_mem>> -> memref<!tpu.dma_semaphore, #tpu.memory_space<semaphore_mem>>
    %dma_start3A_412 = arith.constant 0 : i32
    %dma_start3A_413 = tpu.memref_slice %arg4[%add3A_401, %dma_start3A_412] : memref<819200x128xf32, #tpu.memory_space<hbm>> -> memref<64x128xf32, #tpu.memory_space<hbm>>
    %dma_start3A_414 = arith.constant 0 : i32
    %dma_start3A_415 = arith.constant 0 : i32
    %dma_start3A_416 = tpu.memref_slice %arg6[%dma_start3A_402, %dma_start3A_414, %dma_start3A_415] : memref<8x64x128xf32, #tpu.memory_space<vmem>> -> memref<1x64x128xf32, #tpu.memory_space<vmem>>
    %dma_start3A_417 = tpu.memref_squeeze %dma_start3A_416 : memref<1x64x128xf32, #tpu.memory_space<vmem>> -> memref<64x128xf32, #tpu.memory_space<vmem>>
    tpu.enqueue_dma source(%dma_start3A_417 : memref<64x128xf32, #tpu.memory_space<vmem>>) target(%dma_start3A_413 : memref<64x128xf32, #tpu.memory_space<hbm>>) target_semaphore(%dma_start3A_411 : memref<!tpu.dma_semaphore, #tpu.memory_space<semaphore_mem>>)
    %add3A_418 = arith.constant 128 : i32
    %add3A_419 = arith.addi %mul3A_2, %add3A_418 : i32
    %dma_wait3A_420 = arith.constant 2 : i32
    %dma_wait3A_421 = arith.constant 2 : i32
    %dma_wait3A_422 = arith.constant 0 : i32
    %dma_wait3A_423 = arith.constant 0 : i32
    %dma_wait3A_424 = tpu.memref_slice %arg6[%dma_wait3A_420, %dma_wait3A_422, %dma_wait3A_423] : memref<8x64x128xf32, #tpu.memory_space<vmem>> -> memref<1x64x128xf32, #tpu.memory_space<vmem>>
    %dma_wait3A_425 = tpu.memref_squeeze %dma_wait3A_424 : memref<1x64x128xf32, #tpu.memory_space<vmem>> -> memref<64x128xf32, #tpu.memory_space<vmem>>
    %dma_wait3A_426 = arith.constant 0 : i32
    %dma_wait3A_427 = tpu.memref_slice %arg4[%add3A_419, %dma_wait3A_426] : memref<819200x128xf32, #tpu.memory_space<hbm>> -> memref<64x128xf32, #tpu.memory_space<hbm>>
    %dma_wait3A_428 = tpu.memref_slice %arg8[%dma_wait3A_421] : memref<8x!tpu.dma_semaphore, #tpu.memory_space<semaphore_mem>> -> memref<1x!tpu.dma_semaphore, #tpu.memory_space<semaphore_mem>>
    %dma_wait3A_429 = tpu.memref_squeeze %dma_wait3A_428 : memref<1x!tpu.dma_semaphore, #tpu.memory_space<semaphore_mem>> -> memref<!tpu.dma_semaphore, #tpu.memory_space<semaphore_mem>>
    %dma_wait3A_430 = arith.constant 0 : i32
    %dma_wait3A_431 = tpu.memref_slice %arg4[%add3A_419, %dma_wait3A_430] : memref<819200x128xf32, #tpu.memory_space<hbm>> -> memref<64x128xf32, #tpu.memory_space<hbm>>
    %dma_wait3A_432 = arith.constant 0 : i32
    %dma_wait3A_433 = arith.constant 0 : i32
    %dma_wait3A_434 = tpu.memref_slice %arg6[%dma_wait3A_420, %dma_wait3A_432, %dma_wait3A_433] : memref<8x64x128xf32, #tpu.memory_space<vmem>> -> memref<1x64x128xf32, #tpu.memory_space<vmem>>
    %dma_wait3A_435 = tpu.memref_squeeze %dma_wait3A_434 : memref<1x64x128xf32, #tpu.memory_space<vmem>> -> memref<64x128xf32, #tpu.memory_space<vmem>>
    tpu.wait_dma2 semaphore(%dma_wait3A_429 : memref<!tpu.dma_semaphore, #tpu.memory_space<semaphore_mem>>) src(%dma_wait3A_435 : memref<64x128xf32, #tpu.memory_space<vmem>>) dst(%dma_wait3A_431 : memref<64x128xf32, #tpu.memory_space<hbm>>)
    %dma_start3A_436 = arith.constant 10 : i32
    %dma_start3A_437 = arith.constant 2 : i32
    %dma_start3A_438 = arith.constant 2 : i32
    %dma_start3A_439 = arith.constant 0 : i32
    %dma_start3A_440 = arith.constant 0 : i32
    %dma_start3A_441 = tpu.memref_slice %arg6[%dma_start3A_437, %dma_start3A_439, %dma_start3A_440] : memref<8x64x128xf32, #tpu.memory_space<vmem>> -> memref<1x64x128xf32, #tpu.memory_space<vmem>>
    %dma_start3A_442 = tpu.memref_squeeze %dma_start3A_441 : memref<1x64x128xf32, #tpu.memory_space<vmem>> -> memref<64x128xf32, #tpu.memory_space<vmem>>
    %dma_start3A_443 = arith.constant 0 : i32
    %dma_start3A_444 = tpu.memref_slice %arg5[%dma_start3A_436, %dma_start3A_443] : memref<400x64xi32, #tpu.memory_space<vmem>> -> memref<1x64xi32, #tpu.memory_space<vmem>>
    %dma_start3A_445 = tpu.memref_squeeze %dma_start3A_444 : memref<1x64xi32, #tpu.memory_space<vmem>> -> memref<64xi32, #tpu.memory_space<vmem>>
    %dma_start3A_446 = arith.constant 0 : i32
    %dma_start3A_447 = arith.constant 0 : i32
    %dma_start3A_448 = tpu.memref_slice %arg3[%dma_start3A_446, %dma_start3A_447] : memref<100000x128xf32, #tpu.memory_space<hbm>> -> memref<100000x128xf32, #tpu.memory_space<hbm>>
    %dma_start3A_449 = tpu.memref_slice %arg7[%dma_start3A_438] : memref<8x!tpu.dma_semaphore, #tpu.memory_space<semaphore_mem>> -> memref<1x!tpu.dma_semaphore, #tpu.memory_space<semaphore_mem>>
    %dma_start3A_450 = tpu.memref_squeeze %dma_start3A_449 : memref<1x!tpu.dma_semaphore, #tpu.memory_space<semaphore_mem>> -> memref<!tpu.dma_semaphore, #tpu.memory_space<semaphore_mem>>
    tpu.enqueue_indirect_dma source(%dma_start3A_448 : memref<100000x128xf32, #tpu.memory_space<hbm>>) target(%dma_start3A_442 : memref<64x128xf32, #tpu.memory_space<vmem>>) offsets(%dma_start3A_445 : memref<64xi32, #tpu.memory_space<vmem>>) semaphore(%dma_start3A_450 : memref<!tpu.dma_semaphore, #tpu.memory_space<semaphore_mem>>)
    %dma_wait3A_451 = arith.constant 7 : i32
    %dma_wait3A_452 = arith.constant 7 : i32
    %dma_wait3A_453 = arith.constant 7 : i32
    %dma_wait3A_454 = arith.constant 0 : i32
    %dma_wait3A_455 = arith.constant 0 : i32
    %dma_wait3A_456 = tpu.memref_slice %arg6[%dma_wait3A_452, %dma_wait3A_454, %dma_wait3A_455] : memref<8x64x128xf32, #tpu.memory_space<vmem>> -> memref<1x64x128xf32, #tpu.memory_space<vmem>>
    %dma_wait3A_457 = tpu.memref_squeeze %dma_wait3A_456 : memref<1x64x128xf32, #tpu.memory_space<vmem>> -> memref<64x128xf32, #tpu.memory_space<vmem>>
    %dma_wait3A_458 = arith.constant 0 : i32
    %dma_wait3A_459 = tpu.memref_slice %arg5[%dma_wait3A_451, %dma_wait3A_458] : memref<400x64xi32, #tpu.memory_space<vmem>> -> memref<1x64xi32, #tpu.memory_space<vmem>>
    %dma_wait3A_460 = tpu.memref_squeeze %dma_wait3A_459 : memref<1x64xi32, #tpu.memory_space<vmem>> -> memref<64xi32, #tpu.memory_space<vmem>>
    %dma_wait3A_461 = arith.constant 0 : i32
    %dma_wait3A_462 = arith.constant 0 : i32
    %dma_wait3A_463 = tpu.memref_slice %arg3[%dma_wait3A_461, %dma_wait3A_462] : memref<100000x128xf32, #tpu.memory_space<hbm>> -> memref<100000x128xf32, #tpu.memory_space<hbm>>
    %dma_wait3A_464 = tpu.memref_slice %arg7[%dma_wait3A_453] : memref<8x!tpu.dma_semaphore, #tpu.memory_space<semaphore_mem>> -> memref<1x!tpu.dma_semaphore, #tpu.memory_space<semaphore_mem>>
    %dma_wait3A_465 = tpu.memref_squeeze %dma_wait3A_464 : memref<1x!tpu.dma_semaphore, #tpu.memory_space<semaphore_mem>> -> memref<!tpu.dma_semaphore, #tpu.memory_space<semaphore_mem>>
    tpu.wait_indirect_dma semaphore(%dma_wait3A_465 : memref<!tpu.dma_semaphore, #tpu.memory_space<semaphore_mem>>) src(%dma_wait3A_463 : memref<100000x128xf32, #tpu.memory_space<hbm>>) dst(%dma_wait3A_457 : memref<64x128xf32, #tpu.memory_space<vmem>>)
    %add3A_466 = arith.constant 448 : i32
    %add3A_467 = arith.addi %mul3A_2, %add3A_466 : i32
    %dma_start3A_468 = arith.constant 7 : i32
    %dma_start3A_469 = arith.constant 7 : i32
    %dma_start3A_470 = arith.constant 0 : i32
    %dma_start3A_471 = arith.constant 0 : i32
    %dma_start3A_472 = tpu.memref_slice %arg6[%dma_start3A_468, %dma_start3A_470, %dma_start3A_471] : memref<8x64x128xf32, #tpu.memory_space<vmem>> -> memref<1x64x128xf32, #tpu.memory_space<vmem>>
    %dma_start3A_473 = tpu.memref_squeeze %dma_start3A_472 : memref<1x64x128xf32, #tpu.memory_space<vmem>> -> memref<64x128xf32, #tpu.memory_space<vmem>>
    %dma_start3A_474 = arith.constant 0 : i32
    %dma_start3A_475 = tpu.memref_slice %arg4[%add3A_467, %dma_start3A_474] : memref<819200x128xf32, #tpu.memory_space<hbm>> -> memref<64x128xf32, #tpu.memory_space<hbm>>
    %dma_start3A_476 = tpu.memref_slice %arg8[%dma_start3A_469] : memref<8x!tpu.dma_semaphore, #tpu.memory_space<semaphore_mem>> -> memref<1x!tpu.dma_semaphore, #tpu.memory_space<semaphore_mem>>
    %dma_start3A_477 = tpu.memref_squeeze %dma_start3A_476 : memref<1x!tpu.dma_semaphore, #tpu.memory_space<semaphore_mem>> -> memref<!tpu.dma_semaphore, #tpu.memory_space<semaphore_mem>>
    %dma_start3A_478 = arith.constant 0 : i32
    %dma_start3A_479 = tpu.memref_slice %arg4[%add3A_467, %dma_start3A_478] : memref<819200x128xf32, #tpu.memory_space<hbm>> -> memref<64x128xf32, #tpu.memory_space<hbm>>
    %dma_start3A_480 = arith.constant 0 : i32
    %dma_start3A_481 = arith.constant 0 : i32
    %dma_start3A_482 = tpu.memref_slice %arg6[%dma_start3A_468, %dma_start3A_480, %dma_start3A_481] : memref<8x64x128xf32, #tpu.memory_space<vmem>> -> memref<1x64x128xf32, #tpu.memory_space<vmem>>
    %dma_start3A_483 = tpu.memref_squeeze %dma_start3A_482 : memref<1x64x128xf32, #tpu.memory_space<vmem>> -> memref<64x128xf32, #tpu.memory_space<vmem>>
    tpu.enqueue_dma source(%dma_start3A_483 : memref<64x128xf32, #tpu.memory_space<vmem>>) target(%dma_start3A_479 : memref<64x128xf32, #tpu.memory_space<hbm>>) target_semaphore(%dma_start3A_477 : memref<!tpu.dma_semaphore, #tpu.memory_space<semaphore_mem>>)
    %add3A_484 = arith.constant 192 : i32
    %add3A_485 = arith.addi %mul3A_2, %add3A_484 : i32
    %dma_wait3A_486 = arith.constant 3 : i32
    %dma_wait3A_487 = arith.constant 3 : i32
    %dma_wait3A_488 = arith.constant 0 : i32
    %dma_wait3A_489 = arith.constant 0 : i32
    %dma_wait3A_490 = tpu.memref_slice %arg6[%dma_wait3A_486, %dma_wait3A_488, %dma_wait3A_489] : memref<8x64x128xf32, #tpu.memory_space<vmem>> -> memref<1x64x128xf32, #tpu.memory_space<vmem>>
    %dma_wait3A_491 = tpu.memref_squeeze %dma_wait3A_490 : memref<1x64x128xf32, #tpu.memory_space<vmem>> -> memref<64x128xf32, #tpu.memory_space<vmem>>
    %dma_wait3A_492 = arith.constant 0 : i32
    %dma_wait3A_493 = tpu.memref_slice %arg4[%add3A_485, %dma_wait3A_492] : memref<819200x128xf32, #tpu.memory_space<hbm>> -> memref<64x128xf32, #tpu.memory_space<hbm>>
    %dma_wait3A_494 = tpu.memref_slice %arg8[%dma_wait3A_487] : memref<8x!tpu.dma_semaphore, #tpu.memory_space<semaphore_mem>> -> memref<1x!tpu.dma_semaphore, #tpu.memory_space<semaphore_mem>>
    %dma_wait3A_495 = tpu.memref_squeeze %dma_wait3A_494 : memref<1x!tpu.dma_semaphore, #tpu.memory_space<semaphore_mem>> -> memref<!tpu.dma_semaphore, #tpu.memory_space<semaphore_mem>>
    %dma_wait3A_496 = arith.constant 0 : i32
    %dma_wait3A_497 = tpu.memref_slice %arg4[%add3A_485, %dma_wait3A_496] : memref<819200x128xf32, #tpu.memory_space<hbm>> -> memref<64x128xf32, #tpu.memory_space<hbm>>
    %dma_wait3A_498 = arith.constant 0 : i32
    %dma_wait3A_499 = arith.constant 0 : i32
    %dma_wait3A_500 = tpu.memref_slice %arg6[%dma_wait3A_486, %dma_wait3A_498, %dma_wait3A_499] : memref<8x64x128xf32, #tpu.memory_space<vmem>> -> memref<1x64x128xf32, #tpu.memory_space<vmem>>
    %dma_wait3A_501 = tpu.memref_squeeze %dma_wait3A_500 : memref<1x64x128xf32, #tpu.memory_space<vmem>> -> memref<64x128xf32, #tpu.memory_space<vmem>>
    tpu.wait_dma2 semaphore(%dma_wait3A_495 : memref<!tpu.dma_semaphore, #tpu.memory_space<semaphore_mem>>) src(%dma_wait3A_501 : memref<64x128xf32, #tpu.memory_space<vmem>>) dst(%dma_wait3A_497 : memref<64x128xf32, #tpu.memory_space<hbm>>)
    %dma_start3A_502 = arith.constant 11 : i32
    %dma_start3A_503 = arith.constant 3 : i32
    %dma_start3A_504 = arith.constant 3 : i32
    %dma_start3A_505 = arith.constant 0 : i32
    %dma_start3A_506 = arith.constant 0 : i32
    %dma_start3A_507 = tpu.memref_slice %arg6[%dma_start3A_503, %dma_start3A_505, %dma_start3A_506] : memref<8x64x128xf32, #tpu.memory_space<vmem>> -> memref<1x64x128xf32, #tpu.memory_space<vmem>>
    %dma_start3A_508 = tpu.memref_squeeze %dma_start3A_507 : memref<1x64x128xf32, #tpu.memory_space<vmem>> -> memref<64x128xf32, #tpu.memory_space<vmem>>
    %dma_start3A_509 = arith.constant 0 : i32
    %dma_start3A_510 = tpu.memref_slice %arg5[%dma_start3A_502, %dma_start3A_509] : memref<400x64xi32, #tpu.memory_space<vmem>> -> memref<1x64xi32, #tpu.memory_space<vmem>>
    %dma_start3A_511 = tpu.memref_squeeze %dma_start3A_510 : memref<1x64xi32, #tpu.memory_space<vmem>> -> memref<64xi32, #tpu.memory_space<vmem>>
    %dma_start3A_512 = arith.constant 0 : i32
    %dma_start3A_513 = arith.constant 0 : i32
    %dma_start3A_514 = tpu.memref_slice %arg3[%dma_start3A_512, %dma_start3A_513] : memref<100000x128xf32, #tpu.memory_space<hbm>> -> memref<100000x128xf32, #tpu.memory_space<hbm>>
    %dma_start3A_515 = tpu.memref_slice %arg7[%dma_start3A_504] : memref<8x!tpu.dma_semaphore, #tpu.memory_space<semaphore_mem>> -> memref<1x!tpu.dma_semaphore, #tpu.memory_space<semaphore_mem>>
    %dma_start3A_516 = tpu.memref_squeeze %dma_start3A_515 : memref<1x!tpu.dma_semaphore, #tpu.memory_space<semaphore_mem>> -> memref<!tpu.dma_semaphore, #tpu.memory_space<semaphore_mem>>
    tpu.enqueue_indirect_dma source(%dma_start3A_514 : memref<100000x128xf32, #tpu.memory_space<hbm>>) target(%dma_start3A_508 : memref<64x128xf32, #tpu.memory_space<vmem>>) offsets(%dma_start3A_511 : memref<64xi32, #tpu.memory_space<vmem>>) semaphore(%dma_start3A_516 : memref<!tpu.dma_semaphore, #tpu.memory_space<semaphore_mem>>)
    %scan3A = arith.constant 0 : i32
    %scan3A_517 = arith.constant 48 : i32
    %scan3A_518 = arith.addi %scan3A, %scan3A_517 : i32
    %scan3A_519 = arith.constant 1 : i32
    scf.for %scan3A_1061 = %scan3A to %scan3A_518 step %scan3A_519  : i32 {
      %mul3A_1062 = arith.constant 8 : i32
      %mul3A_1063 = arith.muli %scan3A_1061, %mul3A_1062 : i32
      %add3A_1064 = arith.constant 8 : i32
      %add3A_1065 = arith.addi %add3A_1064, %mul3A_1063 : i32
      %add3A_1066 = arith.constant 0 : i32
      %add3A_1067 = arith.addi %add3A_1065, %add3A_1066 : i32
      %dma_wait3A_1068 = arith.constant 0 : i32
      %dma_wait3A_1069 = arith.constant 0 : i32
      %dma_wait3A_1070 = arith.constant 0 : i32
      %dma_wait3A_1071 = arith.constant 0 : i32
      %dma_wait3A_1072 = tpu.memref_slice %arg6[%dma_wait3A_1068, %dma_wait3A_1070, %dma_wait3A_1071] : memref<8x64x128xf32, #tpu.memory_space<vmem>> -> memref<1x64x128xf32, #tpu.memory_space<vmem>>
      %dma_wait3A_1073 = tpu.memref_squeeze %dma_wait3A_1072 : memref<1x64x128xf32, #tpu.memory_space<vmem>> -> memref<64x128xf32, #tpu.memory_space<vmem>>
      %dma_wait3A_1074 = arith.constant 0 : i32
      %dma_wait3A_1075 = tpu.memref_slice %arg5[%add3A_1067, %dma_wait3A_1074] : memref<400x64xi32, #tpu.memory_space<vmem>> -> memref<1x64xi32, #tpu.memory_space<vmem>>
      %dma_wait3A_1076 = tpu.memref_squeeze %dma_wait3A_1075 : memref<1x64xi32, #tpu.memory_space<vmem>> -> memref<64xi32, #tpu.memory_space<vmem>>
      %dma_wait3A_1077 = arith.constant 0 : i32
      %dma_wait3A_1078 = arith.constant 0 : i32
      %dma_wait3A_1079 = tpu.memref_slice %arg3[%dma_wait3A_1077, %dma_wait3A_1078] : memref<100000x128xf32, #tpu.memory_space<hbm>> -> memref<100000x128xf32, #tpu.memory_space<hbm>>
      %dma_wait3A_1080 = tpu.memref_slice %arg7[%dma_wait3A_1069] : memref<8x!tpu.dma_semaphore, #tpu.memory_space<semaphore_mem>> -> memref<1x!tpu.dma_semaphore, #tpu.memory_space<semaphore_mem>>
      %dma_wait3A_1081 = tpu.memref_squeeze %dma_wait3A_1080 : memref<1x!tpu.dma_semaphore, #tpu.memory_space<semaphore_mem>> -> memref<!tpu.dma_semaphore, #tpu.memory_space<semaphore_mem>>
      tpu.wait_indirect_dma semaphore(%dma_wait3A_1081 : memref<!tpu.dma_semaphore, #tpu.memory_space<semaphore_mem>>) src(%dma_wait3A_1079 : memref<100000x128xf32, #tpu.memory_space<hbm>>) dst(%dma_wait3A_1073 : memref<64x128xf32, #tpu.memory_space<vmem>>)
      %add3A_1082 = arith.constant 0 : i32
      %add3A_1083 = arith.addi %add3A_1065, %add3A_1082 : i32
      %mul3A_1084 = arith.constant 64 : i32
      %mul3A_1085 = arith.muli %add3A_1083, %mul3A_1084 : i32
      %add3A_1086 = arith.addi %mul3A_2, %mul3A_1085 : i32
      %dma_start3A_1087 = arith.constant 0 : i32
      %dma_start3A_1088 = arith.constant 0 : i32
      %dma_start3A_1089 = arith.constant 0 : i32
      %dma_start3A_1090 = arith.constant 0 : i32
      %dma_start3A_1091 = tpu.memref_slice %arg6[%dma_start3A_1087, %dma_start3A_1089, %dma_start3A_1090] : memref<8x64x128xf32, #tpu.memory_space<vmem>> -> memref<1x64x128xf32, #tpu.memory_space<vmem>>
      %dma_start3A_1092 = tpu.memref_squeeze %dma_start3A_1091 : memref<1x64x128xf32, #tpu.memory_space<vmem>> -> memref<64x128xf32, #tpu.memory_space<vmem>>
      %dma_start3A_1093 = arith.constant 0 : i32
      %dma_start3A_1094 = tpu.memref_slice %arg4[%add3A_1086, %dma_start3A_1093] : memref<819200x128xf32, #tpu.memory_space<hbm>> -> memref<64x128xf32, #tpu.memory_space<hbm>>
      %dma_start3A_1095 = tpu.memref_slice %arg8[%dma_start3A_1088] : memref<8x!tpu.dma_semaphore, #tpu.memory_space<semaphore_mem>> -> memref<1x!tpu.dma_semaphore, #tpu.memory_space<semaphore_mem>>
      %dma_start3A_1096 = tpu.memref_squeeze %dma_start3A_1095 : memref<1x!tpu.dma_semaphore, #tpu.memory_space<semaphore_mem>> -> memref<!tpu.dma_semaphore, #tpu.memory_space<semaphore_mem>>
      %dma_start3A_1097 = arith.constant 0 : i32
      %dma_start3A_1098 = tpu.memref_slice %arg4[%add3A_1086, %dma_start3A_1097] : memref<819200x128xf32, #tpu.memory_space<hbm>> -> memref<64x128xf32, #tpu.memory_space<hbm>>
      %dma_start3A_1099 = arith.constant 0 : i32
      %dma_start3A_1100 = arith.constant 0 : i32
      %dma_start3A_1101 = tpu.memref_slice %arg6[%dma_start3A_1087, %dma_start3A_1099, %dma_start3A_1100] : memref<8x64x128xf32, #tpu.memory_space<vmem>> -> memref<1x64x128xf32, #tpu.memory_space<vmem>>
      %dma_start3A_1102 = tpu.memref_squeeze %dma_start3A_1101 : memref<1x64x128xf32, #tpu.memory_space<vmem>> -> memref<64x128xf32, #tpu.memory_space<vmem>>
      tpu.enqueue_dma source(%dma_start3A_1102 : memref<64x128xf32, #tpu.memory_space<vmem>>) target(%dma_start3A_1098 : memref<64x128xf32, #tpu.memory_space<hbm>>) target_semaphore(%dma_start3A_1096 : memref<!tpu.dma_semaphore, #tpu.memory_space<semaphore_mem>>)
      %add3A_1103 = arith.constant 0 : i32
      %add3A_1104 = arith.addi %add3A_1065, %add3A_1103 : i32
      %sub3A = arith.constant 4 : i32
      %sub3A_1105 = arith.subi %add3A_1104, %sub3A : i32
      %mul3A_1106 = arith.constant 64 : i32
      %mul3A_1107 = arith.muli %sub3A_1105, %mul3A_1106 : i32
      %add3A_1108 = arith.addi %mul3A_2, %mul3A_1107 : i32
      %dma_wait3A_1109 = arith.constant 4 : i32
      %dma_wait3A_1110 = arith.constant 4 : i32
      %dma_wait3A_1111 = arith.constant 0 : i32
      %dma_wait3A_1112 = arith.constant 0 : i32
      %dma_wait3A_1113 = tpu.memref_slice %arg6[%dma_wait3A_1109, %dma_wait3A_1111, %dma_wait3A_1112] : memref<8x64x128xf32, #tpu.memory_space<vmem>> -> memref<1x64x128xf32, #tpu.memory_space<vmem>>
      %dma_wait3A_1114 = tpu.memref_squeeze %dma_wait3A_1113 : memref<1x64x128xf32, #tpu.memory_space<vmem>> -> memref<64x128xf32, #tpu.memory_space<vmem>>
      %dma_wait3A_1115 = arith.constant 0 : i32
      %dma_wait3A_1116 = tpu.memref_slice %arg4[%add3A_1108, %dma_wait3A_1115] : memref<819200x128xf32, #tpu.memory_space<hbm>> -> memref<64x128xf32, #tpu.memory_space<hbm>>
      %dma_wait3A_1117 = tpu.memref_slice %arg8[%dma_wait3A_1110] : memref<8x!tpu.dma_semaphore, #tpu.memory_space<semaphore_mem>> -> memref<1x!tpu.dma_semaphore, #tpu.memory_space<semaphore_mem>>
      %dma_wait3A_1118 = tpu.memref_squeeze %dma_wait3A_1117 : memref<1x!tpu.dma_semaphore, #tpu.memory_space<semaphore_mem>> -> memref<!tpu.dma_semaphore, #tpu.memory_space<semaphore_mem>>
      %dma_wait3A_1119 = arith.constant 0 : i32
      %dma_wait3A_1120 = tpu.memref_slice %arg4[%add3A_1108, %dma_wait3A_1119] : memref<819200x128xf32, #tpu.memory_space<hbm>> -> memref<64x128xf32, #tpu.memory_space<hbm>>
      %dma_wait3A_1121 = arith.constant 0 : i32
      %dma_wait3A_1122 = arith.constant 0 : i32
      %dma_wait3A_1123 = tpu.memref_slice %arg6[%dma_wait3A_1109, %dma_wait3A_1121, %dma_wait3A_1122] : memref<8x64x128xf32, #tpu.memory_space<vmem>> -> memref<1x64x128xf32, #tpu.memory_space<vmem>>
      %dma_wait3A_1124 = tpu.memref_squeeze %dma_wait3A_1123 : memref<1x64x128xf32, #tpu.memory_space<vmem>> -> memref<64x128xf32, #tpu.memory_space<vmem>>
      tpu.wait_dma2 semaphore(%dma_wait3A_1118 : memref<!tpu.dma_semaphore, #tpu.memory_space<semaphore_mem>>) src(%dma_wait3A_1124 : memref<64x128xf32, #tpu.memory_space<vmem>>) dst(%dma_wait3A_1120 : memref<64x128xf32, #tpu.memory_space<hbm>>)
      %add3A_1125 = arith.constant 8 : i32
      %add3A_1126 = arith.addi %sub3A_1105, %add3A_1125 : i32
      %dma_start3A_1127 = arith.constant 4 : i32
      %dma_start3A_1128 = arith.constant 4 : i32
      %dma_start3A_1129 = arith.constant 0 : i32
      %dma_start3A_1130 = arith.constant 0 : i32
      %dma_start3A_1131 = tpu.memref_slice %arg6[%dma_start3A_1127, %dma_start3A_1129, %dma_start3A_1130] : memref<8x64x128xf32, #tpu.memory_space<vmem>> -> memref<1x64x128xf32, #tpu.memory_space<vmem>>
      %dma_start3A_1132 = tpu.memref_squeeze %dma_start3A_1131 : memref<1x64x128xf32, #tpu.memory_space<vmem>> -> memref<64x128xf32, #tpu.memory_space<vmem>>
      %dma_start3A_1133 = arith.constant 0 : i32
      %dma_start3A_1134 = tpu.memref_slice %arg5[%add3A_1126, %dma_start3A_1133] : memref<400x64xi32, #tpu.memory_space<vmem>> -> memref<1x64xi32, #tpu.memory_space<vmem>>
      %dma_start3A_1135 = tpu.memref_squeeze %dma_start3A_1134 : memref<1x64xi32, #tpu.memory_space<vmem>> -> memref<64xi32, #tpu.memory_space<vmem>>
      %dma_start3A_1136 = arith.constant 0 : i32
      %dma_start3A_1137 = arith.constant 0 : i32
      %dma_start3A_1138 = tpu.memref_slice %arg3[%dma_start3A_1136, %dma_start3A_1137] : memref<100000x128xf32, #tpu.memory_space<hbm>> -> memref<100000x128xf32, #tpu.memory_space<hbm>>
      %dma_start3A_1139 = tpu.memref_slice %arg7[%dma_start3A_1128] : memref<8x!tpu.dma_semaphore, #tpu.memory_space<semaphore_mem>> -> memref<1x!tpu.dma_semaphore, #tpu.memory_space<semaphore_mem>>
      %dma_start3A_1140 = tpu.memref_squeeze %dma_start3A_1139 : memref<1x!tpu.dma_semaphore, #tpu.memory_space<semaphore_mem>> -> memref<!tpu.dma_semaphore, #tpu.memory_space<semaphore_mem>>
      tpu.enqueue_indirect_dma source(%dma_start3A_1138 : memref<100000x128xf32, #tpu.memory_space<hbm>>) target(%dma_start3A_1132 : memref<64x128xf32, #tpu.memory_space<vmem>>) offsets(%dma_start3A_1135 : memref<64xi32, #tpu.memory_space<vmem>>) semaphore(%dma_start3A_1140 : memref<!tpu.dma_semaphore, #tpu.memory_space<semaphore_mem>>)
      %add3A_1141 = arith.constant 1 : i32
      %add3A_1142 = arith.addi %add3A_1065, %add3A_1141 : i32
      %dma_wait3A_1143 = arith.constant 1 : i32
      %dma_wait3A_1144 = arith.constant 1 : i32
      %dma_wait3A_1145 = arith.constant 0 : i32
      %dma_wait3A_1146 = arith.constant 0 : i32
      %dma_wait3A_1147 = tpu.memref_slice %arg6[%dma_wait3A_1143, %dma_wait3A_1145, %dma_wait3A_1146] : memref<8x64x128xf32, #tpu.memory_space<vmem>> -> memref<1x64x128xf32, #tpu.memory_space<vmem>>
      %dma_wait3A_1148 = tpu.memref_squeeze %dma_wait3A_1147 : memref<1x64x128xf32, #tpu.memory_space<vmem>> -> memref<64x128xf32, #tpu.memory_space<vmem>>
      %dma_wait3A_1149 = arith.constant 0 : i32
      %dma_wait3A_1150 = tpu.memref_slice %arg5[%add3A_1142, %dma_wait3A_1149] : memref<400x64xi32, #tpu.memory_space<vmem>> -> memref<1x64xi32, #tpu.memory_space<vmem>>
      %dma_wait3A_1151 = tpu.memref_squeeze %dma_wait3A_1150 : memref<1x64xi32, #tpu.memory_space<vmem>> -> memref<64xi32, #tpu.memory_space<vmem>>
      %dma_wait3A_1152 = arith.constant 0 : i32
      %dma_wait3A_1153 = arith.constant 0 : i32
      %dma_wait3A_1154 = tpu.memref_slice %arg3[%dma_wait3A_1152, %dma_wait3A_1153] : memref<100000x128xf32, #tpu.memory_space<hbm>> -> memref<100000x128xf32, #tpu.memory_space<hbm>>
      %dma_wait3A_1155 = tpu.memref_slice %arg7[%dma_wait3A_1144] : memref<8x!tpu.dma_semaphore, #tpu.memory_space<semaphore_mem>> -> memref<1x!tpu.dma_semaphore, #tpu.memory_space<semaphore_mem>>
      %dma_wait3A_1156 = tpu.memref_squeeze %dma_wait3A_1155 : memref<1x!tpu.dma_semaphore, #tpu.memory_space<semaphore_mem>> -> memref<!tpu.dma_semaphore, #tpu.memory_space<semaphore_mem>>
      tpu.wait_indirect_dma semaphore(%dma_wait3A_1156 : memref<!tpu.dma_semaphore, #tpu.memory_space<semaphore_mem>>) src(%dma_wait3A_1154 : memref<100000x128xf32, #tpu.memory_space<hbm>>) dst(%dma_wait3A_1148 : memref<64x128xf32, #tpu.memory_space<vmem>>)
      %add3A_1157 = arith.constant 1 : i32
      %add3A_1158 = arith.addi %add3A_1065, %add3A_1157 : i32
      %mul3A_1159 = arith.constant 64 : i32
      %mul3A_1160 = arith.muli %add3A_1158, %mul3A_1159 : i32
      %add3A_1161 = arith.addi %mul3A_2, %mul3A_1160 : i32
      %dma_start3A_1162 = arith.constant 1 : i32
      %dma_start3A_1163 = arith.constant 1 : i32
      %dma_start3A_1164 = arith.constant 0 : i32
      %dma_start3A_1165 = arith.constant 0 : i32
      %dma_start3A_1166 = tpu.memref_slice %arg6[%dma_start3A_1162, %dma_start3A_1164, %dma_start3A_1165] : memref<8x64x128xf32, #tpu.memory_space<vmem>> -> memref<1x64x128xf32, #tpu.memory_space<vmem>>
      %dma_start3A_1167 = tpu.memref_squeeze %dma_start3A_1166 : memref<1x64x128xf32, #tpu.memory_space<vmem>> -> memref<64x128xf32, #tpu.memory_space<vmem>>
      %dma_start3A_1168 = arith.constant 0 : i32
      %dma_start3A_1169 = tpu.memref_slice %arg4[%add3A_1161, %dma_start3A_1168] : memref<819200x128xf32, #tpu.memory_space<hbm>> -> memref<64x128xf32, #tpu.memory_space<hbm>>
      %dma_start3A_1170 = tpu.memref_slice %arg8[%dma_start3A_1163] : memref<8x!tpu.dma_semaphore, #tpu.memory_space<semaphore_mem>> -> memref<1x!tpu.dma_semaphore, #tpu.memory_space<semaphore_mem>>
      %dma_start3A_1171 = tpu.memref_squeeze %dma_start3A_1170 : memref<1x!tpu.dma_semaphore, #tpu.memory_space<semaphore_mem>> -> memref<!tpu.dma_semaphore, #tpu.memory_space<semaphore_mem>>
      %dma_start3A_1172 = arith.constant 0 : i32
      %dma_start3A_1173 = tpu.memref_slice %arg4[%add3A_1161, %dma_start3A_1172] : memref<819200x128xf32, #tpu.memory_space<hbm>> -> memref<64x128xf32, #tpu.memory_space<hbm>>
      %dma_start3A_1174 = arith.constant 0 : i32
      %dma_start3A_1175 = arith.constant 0 : i32
      %dma_start3A_1176 = tpu.memref_slice %arg6[%dma_start3A_1162, %dma_start3A_1174, %dma_start3A_1175] : memref<8x64x128xf32, #tpu.memory_space<vmem>> -> memref<1x64x128xf32, #tpu.memory_space<vmem>>
      %dma_start3A_1177 = tpu.memref_squeeze %dma_start3A_1176 : memref<1x64x128xf32, #tpu.memory_space<vmem>> -> memref<64x128xf32, #tpu.memory_space<vmem>>
      tpu.enqueue_dma source(%dma_start3A_1177 : memref<64x128xf32, #tpu.memory_space<vmem>>) target(%dma_start3A_1173 : memref<64x128xf32, #tpu.memory_space<hbm>>) target_semaphore(%dma_start3A_1171 : memref<!tpu.dma_semaphore, #tpu.memory_space<semaphore_mem>>)
      %add3A_1178 = arith.constant 1 : i32
      %add3A_1179 = arith.addi %add3A_1065, %add3A_1178 : i32
      %sub3A_1180 = arith.constant 4 : i32
      %sub3A_1181 = arith.subi %add3A_1179, %sub3A_1180 : i32
      %mul3A_1182 = arith.constant 64 : i32
      %mul3A_1183 = arith.muli %sub3A_1181, %mul3A_1182 : i32
      %add3A_1184 = arith.addi %mul3A_2, %mul3A_1183 : i32
      %dma_wait3A_1185 = arith.constant 5 : i32
      %dma_wait3A_1186 = arith.constant 5 : i32
      %dma_wait3A_1187 = arith.constant 0 : i32
      %dma_wait3A_1188 = arith.constant 0 : i32
      %dma_wait3A_1189 = tpu.memref_slice %arg6[%dma_wait3A_1185, %dma_wait3A_1187, %dma_wait3A_1188] : memref<8x64x128xf32, #tpu.memory_space<vmem>> -> memref<1x64x128xf32, #tpu.memory_space<vmem>>
      %dma_wait3A_1190 = tpu.memref_squeeze %dma_wait3A_1189 : memref<1x64x128xf32, #tpu.memory_space<vmem>> -> memref<64x128xf32, #tpu.memory_space<vmem>>
      %dma_wait3A_1191 = arith.constant 0 : i32
      %dma_wait3A_1192 = tpu.memref_slice %arg4[%add3A_1184, %dma_wait3A_1191] : memref<819200x128xf32, #tpu.memory_space<hbm>> -> memref<64x128xf32, #tpu.memory_space<hbm>>
      %dma_wait3A_1193 = tpu.memref_slice %arg8[%dma_wait3A_1186] : memref<8x!tpu.dma_semaphore, #tpu.memory_space<semaphore_mem>> -> memref<1x!tpu.dma_semaphore, #tpu.memory_space<semaphore_mem>>
      %dma_wait3A_1194 = tpu.memref_squeeze %dma_wait3A_1193 : memref<1x!tpu.dma_semaphore, #tpu.memory_space<semaphore_mem>> -> memref<!tpu.dma_semaphore, #tpu.memory_space<semaphore_mem>>
      %dma_wait3A_1195 = arith.constant 0 : i32
      %dma_wait3A_1196 = tpu.memref_slice %arg4[%add3A_1184, %dma_wait3A_1195] : memref<819200x128xf32, #tpu.memory_space<hbm>> -> memref<64x128xf32, #tpu.memory_space<hbm>>
      %dma_wait3A_1197 = arith.constant 0 : i32
      %dma_wait3A_1198 = arith.constant 0 : i32
      %dma_wait3A_1199 = tpu.memref_slice %arg6[%dma_wait3A_1185, %dma_wait3A_1197, %dma_wait3A_1198] : memref<8x64x128xf32, #tpu.memory_space<vmem>> -> memref<1x64x128xf32, #tpu.memory_space<vmem>>
      %dma_wait3A_1200 = tpu.memref_squeeze %dma_wait3A_1199 : memref<1x64x128xf32, #tpu.memory_space<vmem>> -> memref<64x128xf32, #tpu.memory_space<vmem>>
      tpu.wait_dma2 semaphore(%dma_wait3A_1194 : memref<!tpu.dma_semaphore, #tpu.memory_space<semaphore_mem>>) src(%dma_wait3A_1200 : memref<64x128xf32, #tpu.memory_space<vmem>>) dst(%dma_wait3A_1196 : memref<64x128xf32, #tpu.memory_space<hbm>>)
      %add3A_1201 = arith.constant 8 : i32
      %add3A_1202 = arith.addi %sub3A_1181, %add3A_1201 : i32
      %dma_start3A_1203 = arith.constant 5 : i32
      %dma_start3A_1204 = arith.constant 5 : i32
      %dma_start3A_1205 = arith.constant 0 : i32
      %dma_start3A_1206 = arith.constant 0 : i32
      %dma_start3A_1207 = tpu.memref_slice %arg6[%dma_start3A_1203, %dma_start3A_1205, %dma_start3A_1206] : memref<8x64x128xf32, #tpu.memory_space<vmem>> -> memref<1x64x128xf32, #tpu.memory_space<vmem>>
      %dma_start3A_1208 = tpu.memref_squeeze %dma_start3A_1207 : memref<1x64x128xf32, #tpu.memory_space<vmem>> -> memref<64x128xf32, #tpu.memory_space<vmem>>
      %dma_start3A_1209 = arith.constant 0 : i32
      %dma_start3A_1210 = tpu.memref_slice %arg5[%add3A_1202, %dma_start3A_1209] : memref<400x64xi32, #tpu.memory_space<vmem>> -> memref<1x64xi32, #tpu.memory_space<vmem>>
      %dma_start3A_1211 = tpu.memref_squeeze %dma_start3A_1210 : memref<1x64xi32, #tpu.memory_space<vmem>> -> memref<64xi32, #tpu.memory_space<vmem>>
      %dma_start3A_1212 = arith.constant 0 : i32
      %dma_start3A_1213 = arith.constant 0 : i32
      %dma_start3A_1214 = tpu.memref_slice %arg3[%dma_start3A_1212, %dma_start3A_1213] : memref<100000x128xf32, #tpu.memory_space<hbm>> -> memref<100000x128xf32, #tpu.memory_space<hbm>>
      %dma_start3A_1215 = tpu.memref_slice %arg7[%dma_start3A_1204] : memref<8x!tpu.dma_semaphore, #tpu.memory_space<semaphore_mem>> -> memref<1x!tpu.dma_semaphore, #tpu.memory_space<semaphore_mem>>
      %dma_start3A_1216 = tpu.memref_squeeze %dma_start3A_1215 : memref<1x!tpu.dma_semaphore, #tpu.memory_space<semaphore_mem>> -> memref<!tpu.dma_semaphore, #tpu.memory_space<semaphore_mem>>
      tpu.enqueue_indirect_dma source(%dma_start3A_1214 : memref<100000x128xf32, #tpu.memory_space<hbm>>) target(%dma_start3A_1208 : memref<64x128xf32, #tpu.memory_space<vmem>>) offsets(%dma_start3A_1211 : memref<64xi32, #tpu.memory_space<vmem>>) semaphore(%dma_start3A_1216 : memref<!tpu.dma_semaphore, #tpu.memory_space<semaphore_mem>>)
      %add3A_1217 = arith.constant 2 : i32
      %add3A_1218 = arith.addi %add3A_1065, %add3A_1217 : i32
      %dma_wait3A_1219 = arith.constant 2 : i32
      %dma_wait3A_1220 = arith.constant 2 : i32
      %dma_wait3A_1221 = arith.constant 0 : i32
      %dma_wait3A_1222 = arith.constant 0 : i32
      %dma_wait3A_1223 = tpu.memref_slice %arg6[%dma_wait3A_1219, %dma_wait3A_1221, %dma_wait3A_1222] : memref<8x64x128xf32, #tpu.memory_space<vmem>> -> memref<1x64x128xf32, #tpu.memory_space<vmem>>
      %dma_wait3A_1224 = tpu.memref_squeeze %dma_wait3A_1223 : memref<1x64x128xf32, #tpu.memory_space<vmem>> -> memref<64x128xf32, #tpu.memory_space<vmem>>
      %dma_wait3A_1225 = arith.constant 0 : i32
      %dma_wait3A_1226 = tpu.memref_slice %arg5[%add3A_1218, %dma_wait3A_1225] : memref<400x64xi32, #tpu.memory_space<vmem>> -> memref<1x64xi32, #tpu.memory_space<vmem>>
      %dma_wait3A_1227 = tpu.memref_squeeze %dma_wait3A_1226 : memref<1x64xi32, #tpu.memory_space<vmem>> -> memref<64xi32, #tpu.memory_space<vmem>>
      %dma_wait3A_1228 = arith.constant 0 : i32
      %dma_wait3A_1229 = arith.constant 0 : i32
      %dma_wait3A_1230 = tpu.memref_slice %arg3[%dma_wait3A_1228, %dma_wait3A_1229] : memref<100000x128xf32, #tpu.memory_space<hbm>> -> memref<100000x128xf32, #tpu.memory_space<hbm>>
      %dma_wait3A_1231 = tpu.memref_slice %arg7[%dma_wait3A_1220] : memref<8x!tpu.dma_semaphore, #tpu.memory_space<semaphore_mem>> -> memref<1x!tpu.dma_semaphore, #tpu.memory_space<semaphore_mem>>
      %dma_wait3A_1232 = tpu.memref_squeeze %dma_wait3A_1231 : memref<1x!tpu.dma_semaphore, #tpu.memory_space<semaphore_mem>> -> memref<!tpu.dma_semaphore, #tpu.memory_space<semaphore_mem>>
      tpu.wait_indirect_dma semaphore(%dma_wait3A_1232 : memref<!tpu.dma_semaphore, #tpu.memory_space<semaphore_mem>>) src(%dma_wait3A_1230 : memref<100000x128xf32, #tpu.memory_space<hbm>>) dst(%dma_wait3A_1224 : memref<64x128xf32, #tpu.memory_space<vmem>>)
      %add3A_1233 = arith.constant 2 : i32
      %add3A_1234 = arith.addi %add3A_1065, %add3A_1233 : i32
      %mul3A_1235 = arith.constant 64 : i32
      %mul3A_1236 = arith.muli %add3A_1234, %mul3A_1235 : i32
      %add3A_1237 = arith.addi %mul3A_2, %mul3A_1236 : i32
      %dma_start3A_1238 = arith.constant 2 : i32
      %dma_start3A_1239 = arith.constant 2 : i32
      %dma_start3A_1240 = arith.constant 0 : i32
      %dma_start3A_1241 = arith.constant 0 : i32
      %dma_start3A_1242 = tpu.memref_slice %arg6[%dma_start3A_1238, %dma_start3A_1240, %dma_start3A_1241] : memref<8x64x128xf32, #tpu.memory_space<vmem>> -> memref<1x64x128xf32, #tpu.memory_space<vmem>>
      %dma_start3A_1243 = tpu.memref_squeeze %dma_start3A_1242 : memref<1x64x128xf32, #tpu.memory_space<vmem>> -> memref<64x128xf32, #tpu.memory_space<vmem>>
      %dma_start3A_1244 = arith.constant 0 : i32
      %dma_start3A_1245 = tpu.memref_slice %arg4[%add3A_1237, %dma_start3A_1244] : memref<819200x128xf32, #tpu.memory_space<hbm>> -> memref<64x128xf32, #tpu.memory_space<hbm>>
      %dma_start3A_1246 = tpu.memref_slice %arg8[%dma_start3A_1239] : memref<8x!tpu.dma_semaphore, #tpu.memory_space<semaphore_mem>> -> memref<1x!tpu.dma_semaphore, #tpu.memory_space<semaphore_mem>>
      %dma_start3A_1247 = tpu.memref_squeeze %dma_start3A_1246 : memref<1x!tpu.dma_semaphore, #tpu.memory_space<semaphore_mem>> -> memref<!tpu.dma_semaphore, #tpu.memory_space<semaphore_mem>>
      %dma_start3A_1248 = arith.constant 0 : i32
      %dma_start3A_1249 = tpu.memref_slice %arg4[%add3A_1237, %dma_start3A_1248] : memref<819200x128xf32, #tpu.memory_space<hbm>> -> memref<64x128xf32, #tpu.memory_space<hbm>>
      %dma_start3A_1250 = arith.constant 0 : i32
      %dma_start3A_1251 = arith.constant 0 : i32
      %dma_start3A_1252 = tpu.memref_slice %arg6[%dma_start3A_1238, %dma_start3A_1250, %dma_start3A_1251] : memref<8x64x128xf32, #tpu.memory_space<vmem>> -> memref<1x64x128xf32, #tpu.memory_space<vmem>>
      %dma_start3A_1253 = tpu.memref_squeeze %dma_start3A_1252 : memref<1x64x128xf32, #tpu.memory_space<vmem>> -> memref<64x128xf32, #tpu.memory_space<vmem>>
      tpu.enqueue_dma source(%dma_start3A_1253 : memref<64x128xf32, #tpu.memory_space<vmem>>) target(%dma_start3A_1249 : memref<64x128xf32, #tpu.memory_space<hbm>>) target_semaphore(%dma_start3A_1247 : memref<!tpu.dma_semaphore, #tpu.memory_space<semaphore_mem>>)
      %add3A_1254 = arith.constant 2 : i32
      %add3A_1255 = arith.addi %add3A_1065, %add3A_1254 : i32
      %sub3A_1256 = arith.constant 4 : i32
      %sub3A_1257 = arith.subi %add3A_1255, %sub3A_1256 : i32
      %mul3A_1258 = arith.constant 64 : i32
      %mul3A_1259 = arith.muli %sub3A_1257, %mul3A_1258 : i32
      %add3A_1260 = arith.addi %mul3A_2, %mul3A_1259 : i32
      %dma_wait3A_1261 = arith.constant 6 : i32
      %dma_wait3A_1262 = arith.constant 6 : i32
      %dma_wait3A_1263 = arith.constant 0 : i32
      %dma_wait3A_1264 = arith.constant 0 : i32
      %dma_wait3A_1265 = tpu.memref_slice %arg6[%dma_wait3A_1261, %dma_wait3A_1263, %dma_wait3A_1264] : memref<8x64x128xf32, #tpu.memory_space<vmem>> -> memref<1x64x128xf32, #tpu.memory_space<vmem>>
      %dma_wait3A_1266 = tpu.memref_squeeze %dma_wait3A_1265 : memref<1x64x128xf32, #tpu.memory_space<vmem>> -> memref<64x128xf32, #tpu.memory_space<vmem>>
      %dma_wait3A_1267 = arith.constant 0 : i32
      %dma_wait3A_1268 = tpu.memref_slice %arg4[%add3A_1260, %dma_wait3A_1267] : memref<819200x128xf32, #tpu.memory_space<hbm>> -> memref<64x128xf32, #tpu.memory_space<hbm>>
      %dma_wait3A_1269 = tpu.memref_slice %arg8[%dma_wait3A_1262] : memref<8x!tpu.dma_semaphore, #tpu.memory_space<semaphore_mem>> -> memref<1x!tpu.dma_semaphore, #tpu.memory_space<semaphore_mem>>
      %dma_wait3A_1270 = tpu.memref_squeeze %dma_wait3A_1269 : memref<1x!tpu.dma_semaphore, #tpu.memory_space<semaphore_mem>> -> memref<!tpu.dma_semaphore, #tpu.memory_space<semaphore_mem>>
      %dma_wait3A_1271 = arith.constant 0 : i32
      %dma_wait3A_1272 = tpu.memref_slice %arg4[%add3A_1260, %dma_wait3A_1271] : memref<819200x128xf32, #tpu.memory_space<hbm>> -> memref<64x128xf32, #tpu.memory_space<hbm>>
      %dma_wait3A_1273 = arith.constant 0 : i32
      %dma_wait3A_1274 = arith.constant 0 : i32
      %dma_wait3A_1275 = tpu.memref_slice %arg6[%dma_wait3A_1261, %dma_wait3A_1273, %dma_wait3A_1274] : memref<8x64x128xf32, #tpu.memory_space<vmem>> -> memref<1x64x128xf32, #tpu.memory_space<vmem>>
      %dma_wait3A_1276 = tpu.memref_squeeze %dma_wait3A_1275 : memref<1x64x128xf32, #tpu.memory_space<vmem>> -> memref<64x128xf32, #tpu.memory_space<vmem>>
      tpu.wait_dma2 semaphore(%dma_wait3A_1270 : memref<!tpu.dma_semaphore, #tpu.memory_space<semaphore_mem>>) src(%dma_wait3A_1276 : memref<64x128xf32, #tpu.memory_space<vmem>>) dst(%dma_wait3A_1272 : memref<64x128xf32, #tpu.memory_space<hbm>>)
      %add3A_1277 = arith.constant 8 : i32
      %add3A_1278 = arith.addi %sub3A_1257, %add3A_1277 : i32
      %dma_start3A_1279 = arith.constant 6 : i32
      %dma_start3A_1280 = arith.constant 6 : i32
      %dma_start3A_1281 = arith.constant 0 : i32
      %dma_start3A_1282 = arith.constant 0 : i32
      %dma_start3A_1283 = tpu.memref_slice %arg6[%dma_start3A_1279, %dma_start3A_1281, %dma_start3A_1282] : memref<8x64x128xf32, #tpu.memory_space<vmem>> -> memref<1x64x128xf32, #tpu.memory_space<vmem>>
      %dma_start3A_1284 = tpu.memref_squeeze %dma_start3A_1283 : memref<1x64x128xf32, #tpu.memory_space<vmem>> -> memref<64x128xf32, #tpu.memory_space<vmem>>
      %dma_start3A_1285 = arith.constant 0 : i32
      %dma_start3A_1286 = tpu.memref_slice %arg5[%add3A_1278, %dma_start3A_1285] : memref<400x64xi32, #tpu.memory_space<vmem>> -> memref<1x64xi32, #tpu.memory_space<vmem>>
      %dma_start3A_1287 = tpu.memref_squeeze %dma_start3A_1286 : memref<1x64xi32, #tpu.memory_space<vmem>> -> memref<64xi32, #tpu.memory_space<vmem>>
      %dma_start3A_1288 = arith.constant 0 : i32
      %dma_start3A_1289 = arith.constant 0 : i32
      %dma_start3A_1290 = tpu.memref_slice %arg3[%dma_start3A_1288, %dma_start3A_1289] : memref<100000x128xf32, #tpu.memory_space<hbm>> -> memref<100000x128xf32, #tpu.memory_space<hbm>>
      %dma_start3A_1291 = tpu.memref_slice %arg7[%dma_start3A_1280] : memref<8x!tpu.dma_semaphore, #tpu.memory_space<semaphore_mem>> -> memref<1x!tpu.dma_semaphore, #tpu.memory_space<semaphore_mem>>
      %dma_start3A_1292 = tpu.memref_squeeze %dma_start3A_1291 : memref<1x!tpu.dma_semaphore, #tpu.memory_space<semaphore_mem>> -> memref<!tpu.dma_semaphore, #tpu.memory_space<semaphore_mem>>
      tpu.enqueue_indirect_dma source(%dma_start3A_1290 : memref<100000x128xf32, #tpu.memory_space<hbm>>) target(%dma_start3A_1284 : memref<64x128xf32, #tpu.memory_space<vmem>>) offsets(%dma_start3A_1287 : memref<64xi32, #tpu.memory_space<vmem>>) semaphore(%dma_start3A_1292 : memref<!tpu.dma_semaphore, #tpu.memory_space<semaphore_mem>>)
      %add3A_1293 = arith.constant 3 : i32
      %add3A_1294 = arith.addi %add3A_1065, %add3A_1293 : i32
      %dma_wait3A_1295 = arith.constant 3 : i32
      %dma_wait3A_1296 = arith.constant 3 : i32
      %dma_wait3A_1297 = arith.constant 0 : i32
      %dma_wait3A_1298 = arith.constant 0 : i32
      %dma_wait3A_1299 = tpu.memref_slice %arg6[%dma_wait3A_1295, %dma_wait3A_1297, %dma_wait3A_1298] : memref<8x64x128xf32, #tpu.memory_space<vmem>> -> memref<1x64x128xf32, #tpu.memory_space<vmem>>
      %dma_wait3A_1300 = tpu.memref_squeeze %dma_wait3A_1299 : memref<1x64x128xf32, #tpu.memory_space<vmem>> -> memref<64x128xf32, #tpu.memory_space<vmem>>
      %dma_wait3A_1301 = arith.constant 0 : i32
      %dma_wait3A_1302 = tpu.memref_slice %arg5[%add3A_1294, %dma_wait3A_1301] : memref<400x64xi32, #tpu.memory_space<vmem>> -> memref<1x64xi32, #tpu.memory_space<vmem>>
      %dma_wait3A_1303 = tpu.memref_squeeze %dma_wait3A_1302 : memref<1x64xi32, #tpu.memory_space<vmem>> -> memref<64xi32, #tpu.memory_space<vmem>>
      %dma_wait3A_1304 = arith.constant 0 : i32
      %dma_wait3A_1305 = arith.constant 0 : i32
      %dma_wait3A_1306 = tpu.memref_slice %arg3[%dma_wait3A_1304, %dma_wait3A_1305] : memref<100000x128xf32, #tpu.memory_space<hbm>> -> memref<100000x128xf32, #tpu.memory_space<hbm>>
      %dma_wait3A_1307 = tpu.memref_slice %arg7[%dma_wait3A_1296] : memref<8x!tpu.dma_semaphore, #tpu.memory_space<semaphore_mem>> -> memref<1x!tpu.dma_semaphore, #tpu.memory_space<semaphore_mem>>
      %dma_wait3A_1308 = tpu.memref_squeeze %dma_wait3A_1307 : memref<1x!tpu.dma_semaphore, #tpu.memory_space<semaphore_mem>> -> memref<!tpu.dma_semaphore, #tpu.memory_space<semaphore_mem>>
      tpu.wait_indirect_dma semaphore(%dma_wait3A_1308 : memref<!tpu.dma_semaphore, #tpu.memory_space<semaphore_mem>>) src(%dma_wait3A_1306 : memref<100000x128xf32, #tpu.memory_space<hbm>>) dst(%dma_wait3A_1300 : memref<64x128xf32, #tpu.memory_space<vmem>>)
      %add3A_1309 = arith.constant 3 : i32
      %add3A_1310 = arith.addi %add3A_1065, %add3A_1309 : i32
      %mul3A_1311 = arith.constant 64 : i32
      %mul3A_1312 = arith.muli %add3A_1310, %mul3A_1311 : i32
      %add3A_1313 = arith.addi %mul3A_2, %mul3A_1312 : i32
      %dma_start3A_1314 = arith.constant 3 : i32
      %dma_start3A_1315 = arith.constant 3 : i32
      %dma_start3A_1316 = arith.constant 0 : i32
      %dma_start3A_1317 = arith.constant 0 : i32
      %dma_start3A_1318 = tpu.memref_slice %arg6[%dma_start3A_1314, %dma_start3A_1316, %dma_start3A_1317] : memref<8x64x128xf32, #tpu.memory_space<vmem>> -> memref<1x64x128xf32, #tpu.memory_space<vmem>>
      %dma_start3A_1319 = tpu.memref_squeeze %dma_start3A_1318 : memref<1x64x128xf32, #tpu.memory_space<vmem>> -> memref<64x128xf32, #tpu.memory_space<vmem>>
      %dma_start3A_1320 = arith.constant 0 : i32
      %dma_start3A_1321 = tpu.memref_slice %arg4[%add3A_1313, %dma_start3A_1320] : memref<819200x128xf32, #tpu.memory_space<hbm>> -> memref<64x128xf32, #tpu.memory_space<hbm>>
      %dma_start3A_1322 = tpu.memref_slice %arg8[%dma_start3A_1315] : memref<8x!tpu.dma_semaphore, #tpu.memory_space<semaphore_mem>> -> memref<1x!tpu.dma_semaphore, #tpu.memory_space<semaphore_mem>>
      %dma_start3A_1323 = tpu.memref_squeeze %dma_start3A_1322 : memref<1x!tpu.dma_semaphore, #tpu.memory_space<semaphore_mem>> -> memref<!tpu.dma_semaphore, #tpu.memory_space<semaphore_mem>>
      %dma_start3A_1324 = arith.constant 0 : i32
      %dma_start3A_1325 = tpu.memref_slice %arg4[%add3A_1313, %dma_start3A_1324] : memref<819200x128xf32, #tpu.memory_space<hbm>> -> memref<64x128xf32, #tpu.memory_space<hbm>>
      %dma_start3A_1326 = arith.constant 0 : i32
      %dma_start3A_1327 = arith.constant 0 : i32
      %dma_start3A_1328 = tpu.memref_slice %arg6[%dma_start3A_1314, %dma_start3A_1326, %dma_start3A_1327] : memref<8x64x128xf32, #tpu.memory_space<vmem>> -> memref<1x64x128xf32, #tpu.memory_space<vmem>>
      %dma_start3A_1329 = tpu.memref_squeeze %dma_start3A_1328 : memref<1x64x128xf32, #tpu.memory_space<vmem>> -> memref<64x128xf32, #tpu.memory_space<vmem>>
      tpu.enqueue_dma source(%dma_start3A_1329 : memref<64x128xf32, #tpu.memory_space<vmem>>) target(%dma_start3A_1325 : memref<64x128xf32, #tpu.memory_space<hbm>>) target_semaphore(%dma_start3A_1323 : memref<!tpu.dma_semaphore, #tpu.memory_space<semaphore_mem>>)
      %add3A_1330 = arith.constant 3 : i32
      %add3A_1331 = arith.addi %add3A_1065, %add3A_1330 : i32
      %sub3A_1332 = arith.constant 4 : i32
      %sub3A_1333 = arith.subi %add3A_1331, %sub3A_1332 : i32
      %mul3A_1334 = arith.constant 64 : i32
      %mul3A_1335 = arith.muli %sub3A_1333, %mul3A_1334 : i32
      %add3A_1336 = arith.addi %mul3A_2, %mul3A_1335 : i32
      %dma_wait3A_1337 = arith.constant 7 : i32
      %dma_wait3A_1338 = arith.constant 7 : i32
      %dma_wait3A_1339 = arith.constant 0 : i32
      %dma_wait3A_1340 = arith.constant 0 : i32
      %dma_wait3A_1341 = tpu.memref_slice %arg6[%dma_wait3A_1337, %dma_wait3A_1339, %dma_wait3A_1340] : memref<8x64x128xf32, #tpu.memory_space<vmem>> -> memref<1x64x128xf32, #tpu.memory_space<vmem>>
      %dma_wait3A_1342 = tpu.memref_squeeze %dma_wait3A_1341 : memref<1x64x128xf32, #tpu.memory_space<vmem>> -> memref<64x128xf32, #tpu.memory_space<vmem>>
      %dma_wait3A_1343 = arith.constant 0 : i32
      %dma_wait3A_1344 = tpu.memref_slice %arg4[%add3A_1336, %dma_wait3A_1343] : memref<819200x128xf32, #tpu.memory_space<hbm>> -> memref<64x128xf32, #tpu.memory_space<hbm>>
      %dma_wait3A_1345 = tpu.memref_slice %arg8[%dma_wait3A_1338] : memref<8x!tpu.dma_semaphore, #tpu.memory_space<semaphore_mem>> -> memref<1x!tpu.dma_semaphore, #tpu.memory_space<semaphore_mem>>
      %dma_wait3A_1346 = tpu.memref_squeeze %dma_wait3A_1345 : memref<1x!tpu.dma_semaphore, #tpu.memory_space<semaphore_mem>> -> memref<!tpu.dma_semaphore, #tpu.memory_space<semaphore_mem>>
      %dma_wait3A_1347 = arith.constant 0 : i32
      %dma_wait3A_1348 = tpu.memref_slice %arg4[%add3A_1336, %dma_wait3A_1347] : memref<819200x128xf32, #tpu.memory_space<hbm>> -> memref<64x128xf32, #tpu.memory_space<hbm>>
      %dma_wait3A_1349 = arith.constant 0 : i32
      %dma_wait3A_1350 = arith.constant 0 : i32
      %dma_wait3A_1351 = tpu.memref_slice %arg6[%dma_wait3A_1337, %dma_wait3A_1349, %dma_wait3A_1350] : memref<8x64x128xf32, #tpu.memory_space<vmem>> -> memref<1x64x128xf32, #tpu.memory_space<vmem>>
      %dma_wait3A_1352 = tpu.memref_squeeze %dma_wait3A_1351 : memref<1x64x128xf32, #tpu.memory_space<vmem>> -> memref<64x128xf32, #tpu.memory_space<vmem>>
      tpu.wait_dma2 semaphore(%dma_wait3A_1346 : memref<!tpu.dma_semaphore, #tpu.memory_space<semaphore_mem>>) src(%dma_wait3A_1352 : memref<64x128xf32, #tpu.memory_space<vmem>>) dst(%dma_wait3A_1348 : memref<64x128xf32, #tpu.memory_space<hbm>>)
      %add3A_1353 = arith.constant 8 : i32
      %add3A_1354 = arith.addi %sub3A_1333, %add3A_1353 : i32
      %dma_start3A_1355 = arith.constant 7 : i32
      %dma_start3A_1356 = arith.constant 7 : i32
      %dma_start3A_1357 = arith.constant 0 : i32
      %dma_start3A_1358 = arith.constant 0 : i32
      %dma_start3A_1359 = tpu.memref_slice %arg6[%dma_start3A_1355, %dma_start3A_1357, %dma_start3A_1358] : memref<8x64x128xf32, #tpu.memory_space<vmem>> -> memref<1x64x128xf32, #tpu.memory_space<vmem>>
      %dma_start3A_1360 = tpu.memref_squeeze %dma_start3A_1359 : memref<1x64x128xf32, #tpu.memory_space<vmem>> -> memref<64x128xf32, #tpu.memory_space<vmem>>
      %dma_start3A_1361 = arith.constant 0 : i32
      %dma_start3A_1362 = tpu.memref_slice %arg5[%add3A_1354, %dma_start3A_1361] : memref<400x64xi32, #tpu.memory_space<vmem>> -> memref<1x64xi32, #tpu.memory_space<vmem>>
      %dma_start3A_1363 = tpu.memref_squeeze %dma_start3A_1362 : memref<1x64xi32, #tpu.memory_space<vmem>> -> memref<64xi32, #tpu.memory_space<vmem>>
      %dma_start3A_1364 = arith.constant 0 : i32
      %dma_start3A_1365 = arith.constant 0 : i32
      %dma_start3A_1366 = tpu.memref_slice %arg3[%dma_start3A_1364, %dma_start3A_1365] : memref<100000x128xf32, #tpu.memory_space<hbm>> -> memref<100000x128xf32, #tpu.memory_space<hbm>>
      %dma_start3A_1367 = tpu.memref_slice %arg7[%dma_start3A_1356] : memref<8x!tpu.dma_semaphore, #tpu.memory_space<semaphore_mem>> -> memref<1x!tpu.dma_semaphore, #tpu.memory_space<semaphore_mem>>
      %dma_start3A_1368 = tpu.memref_squeeze %dma_start3A_1367 : memref<1x!tpu.dma_semaphore, #tpu.memory_space<semaphore_mem>> -> memref<!tpu.dma_semaphore, #tpu.memory_space<semaphore_mem>>
      tpu.enqueue_indirect_dma source(%dma_start3A_1366 : memref<100000x128xf32, #tpu.memory_space<hbm>>) target(%dma_start3A_1360 : memref<64x128xf32, #tpu.memory_space<vmem>>) offsets(%dma_start3A_1363 : memref<64xi32, #tpu.memory_space<vmem>>) semaphore(%dma_start3A_1368 : memref<!tpu.dma_semaphore, #tpu.memory_space<semaphore_mem>>)
      %add3A_1369 = arith.constant 4 : i32
      %add3A_1370 = arith.addi %add3A_1065, %add3A_1369 : i32
      %dma_wait3A_1371 = arith.constant 4 : i32
      %dma_wait3A_1372 = arith.constant 4 : i32
      %dma_wait3A_1373 = arith.constant 0 : i32
      %dma_wait3A_1374 = arith.constant 0 : i32
      %dma_wait3A_1375 = tpu.memref_slice %arg6[%dma_wait3A_1371, %dma_wait3A_1373, %dma_wait3A_1374] : memref<8x64x128xf32, #tpu.memory_space<vmem>> -> memref<1x64x128xf32, #tpu.memory_space<vmem>>
      %dma_wait3A_1376 = tpu.memref_squeeze %dma_wait3A_1375 : memref<1x64x128xf32, #tpu.memory_space<vmem>> -> memref<64x128xf32, #tpu.memory_space<vmem>>
      %dma_wait3A_1377 = arith.constant 0 : i32
      %dma_wait3A_1378 = tpu.memref_slice %arg5[%add3A_1370, %dma_wait3A_1377] : memref<400x64xi32, #tpu.memory_space<vmem>> -> memref<1x64xi32, #tpu.memory_space<vmem>>
      %dma_wait3A_1379 = tpu.memref_squeeze %dma_wait3A_1378 : memref<1x64xi32, #tpu.memory_space<vmem>> -> memref<64xi32, #tpu.memory_space<vmem>>
      %dma_wait3A_1380 = arith.constant 0 : i32
      %dma_wait3A_1381 = arith.constant 0 : i32
      %dma_wait3A_1382 = tpu.memref_slice %arg3[%dma_wait3A_1380, %dma_wait3A_1381] : memref<100000x128xf32, #tpu.memory_space<hbm>> -> memref<100000x128xf32, #tpu.memory_space<hbm>>
      %dma_wait3A_1383 = tpu.memref_slice %arg7[%dma_wait3A_1372] : memref<8x!tpu.dma_semaphore, #tpu.memory_space<semaphore_mem>> -> memref<1x!tpu.dma_semaphore, #tpu.memory_space<semaphore_mem>>
      %dma_wait3A_1384 = tpu.memref_squeeze %dma_wait3A_1383 : memref<1x!tpu.dma_semaphore, #tpu.memory_space<semaphore_mem>> -> memref<!tpu.dma_semaphore, #tpu.memory_space<semaphore_mem>>
      tpu.wait_indirect_dma semaphore(%dma_wait3A_1384 : memref<!tpu.dma_semaphore, #tpu.memory_space<semaphore_mem>>) src(%dma_wait3A_1382 : memref<100000x128xf32, #tpu.memory_space<hbm>>) dst(%dma_wait3A_1376 : memref<64x128xf32, #tpu.memory_space<vmem>>)
      %add3A_1385 = arith.constant 4 : i32
      %add3A_1386 = arith.addi %add3A_1065, %add3A_1385 : i32
      %mul3A_1387 = arith.constant 64 : i32
      %mul3A_1388 = arith.muli %add3A_1386, %mul3A_1387 : i32
      %add3A_1389 = arith.addi %mul3A_2, %mul3A_1388 : i32
      %dma_start3A_1390 = arith.constant 4 : i32
      %dma_start3A_1391 = arith.constant 4 : i32
      %dma_start3A_1392 = arith.constant 0 : i32
      %dma_start3A_1393 = arith.constant 0 : i32
      %dma_start3A_1394 = tpu.memref_slice %arg6[%dma_start3A_1390, %dma_start3A_1392, %dma_start3A_1393] : memref<8x64x128xf32, #tpu.memory_space<vmem>> -> memref<1x64x128xf32, #tpu.memory_space<vmem>>
      %dma_start3A_1395 = tpu.memref_squeeze %dma_start3A_1394 : memref<1x64x128xf32, #tpu.memory_space<vmem>> -> memref<64x128xf32, #tpu.memory_space<vmem>>
      %dma_start3A_1396 = arith.constant 0 : i32
      %dma_start3A_1397 = tpu.memref_slice %arg4[%add3A_1389, %dma_start3A_1396] : memref<819200x128xf32, #tpu.memory_space<hbm>> -> memref<64x128xf32, #tpu.memory_space<hbm>>
      %dma_start3A_1398 = tpu.memref_slice %arg8[%dma_start3A_1391] : memref<8x!tpu.dma_semaphore, #tpu.memory_space<semaphore_mem>> -> memref<1x!tpu.dma_semaphore, #tpu.memory_space<semaphore_mem>>
      %dma_start3A_1399 = tpu.memref_squeeze %dma_start3A_1398 : memref<1x!tpu.dma_semaphore, #tpu.memory_space<semaphore_mem>> -> memref<!tpu.dma_semaphore, #tpu.memory_space<semaphore_mem>>
      %dma_start3A_1400 = arith.constant 0 : i32
      %dma_start3A_1401 = tpu.memref_slice %arg4[%add3A_1389, %dma_start3A_1400] : memref<819200x128xf32, #tpu.memory_space<hbm>> -> memref<64x128xf32, #tpu.memory_space<hbm>>
      %dma_start3A_1402 = arith.constant 0 : i32
      %dma_start3A_1403 = arith.constant 0 : i32
      %dma_start3A_1404 = tpu.memref_slice %arg6[%dma_start3A_1390, %dma_start3A_1402, %dma_start3A_1403] : memref<8x64x128xf32, #tpu.memory_space<vmem>> -> memref<1x64x128xf32, #tpu.memory_space<vmem>>
      %dma_start3A_1405 = tpu.memref_squeeze %dma_start3A_1404 : memref<1x64x128xf32, #tpu.memory_space<vmem>> -> memref<64x128xf32, #tpu.memory_space<vmem>>
      tpu.enqueue_dma source(%dma_start3A_1405 : memref<64x128xf32, #tpu.memory_space<vmem>>) target(%dma_start3A_1401 : memref<64x128xf32, #tpu.memory_space<hbm>>) target_semaphore(%dma_start3A_1399 : memref<!tpu.dma_semaphore, #tpu.memory_space<semaphore_mem>>)
      %add3A_1406 = arith.constant 4 : i32
      %add3A_1407 = arith.addi %add3A_1065, %add3A_1406 : i32
      %sub3A_1408 = arith.constant 4 : i32
      %sub3A_1409 = arith.subi %add3A_1407, %sub3A_1408 : i32
      %mul3A_1410 = arith.constant 64 : i32
      %mul3A_1411 = arith.muli %sub3A_1409, %mul3A_1410 : i32
      %add3A_1412 = arith.addi %mul3A_2, %mul3A_1411 : i32
      %dma_wait3A_1413 = arith.constant 0 : i32
      %dma_wait3A_1414 = arith.constant 0 : i32
      %dma_wait3A_1415 = arith.constant 0 : i32
      %dma_wait3A_1416 = arith.constant 0 : i32
      %dma_wait3A_1417 = tpu.memref_slice %arg6[%dma_wait3A_1413, %dma_wait3A_1415, %dma_wait3A_1416] : memref<8x64x128xf32, #tpu.memory_space<vmem>> -> memref<1x64x128xf32, #tpu.memory_space<vmem>>
      %dma_wait3A_1418 = tpu.memref_squeeze %dma_wait3A_1417 : memref<1x64x128xf32, #tpu.memory_space<vmem>> -> memref<64x128xf32, #tpu.memory_space<vmem>>
      %dma_wait3A_1419 = arith.constant 0 : i32
      %dma_wait3A_1420 = tpu.memref_slice %arg4[%add3A_1412, %dma_wait3A_1419] : memref<819200x128xf32, #tpu.memory_space<hbm>> -> memref<64x128xf32, #tpu.memory_space<hbm>>
      %dma_wait3A_1421 = tpu.memref_slice %arg8[%dma_wait3A_1414] : memref<8x!tpu.dma_semaphore, #tpu.memory_space<semaphore_mem>> -> memref<1x!tpu.dma_semaphore, #tpu.memory_space<semaphore_mem>>
      %dma_wait3A_1422 = tpu.memref_squeeze %dma_wait3A_1421 : memref<1x!tpu.dma_semaphore, #tpu.memory_space<semaphore_mem>> -> memref<!tpu.dma_semaphore, #tpu.memory_space<semaphore_mem>>
      %dma_wait3A_1423 = arith.constant 0 : i32
      %dma_wait3A_1424 = tpu.memref_slice %arg4[%add3A_1412, %dma_wait3A_1423] : memref<819200x128xf32, #tpu.memory_space<hbm>> -> memref<64x128xf32, #tpu.memory_space<hbm>>
      %dma_wait3A_1425 = arith.constant 0 : i32
      %dma_wait3A_1426 = arith.constant 0 : i32
      %dma_wait3A_1427 = tpu.memref_slice %arg6[%dma_wait3A_1413, %dma_wait3A_1425, %dma_wait3A_1426] : memref<8x64x128xf32, #tpu.memory_space<vmem>> -> memref<1x64x128xf32, #tpu.memory_space<vmem>>
      %dma_wait3A_1428 = tpu.memref_squeeze %dma_wait3A_1427 : memref<1x64x128xf32, #tpu.memory_space<vmem>> -> memref<64x128xf32, #tpu.memory_space<vmem>>
      tpu.wait_dma2 semaphore(%dma_wait3A_1422 : memref<!tpu.dma_semaphore, #tpu.memory_space<semaphore_mem>>) src(%dma_wait3A_1428 : memref<64x128xf32, #tpu.memory_space<vmem>>) dst(%dma_wait3A_1424 : memref<64x128xf32, #tpu.memory_space<hbm>>)
      %add3A_1429 = arith.constant 8 : i32
      %add3A_1430 = arith.addi %sub3A_1409, %add3A_1429 : i32
      %dma_start3A_1431 = arith.constant 0 : i32
      %dma_start3A_1432 = arith.constant 0 : i32
      %dma_start3A_1433 = arith.constant 0 : i32
      %dma_start3A_1434 = arith.constant 0 : i32
      %dma_start3A_1435 = tpu.memref_slice %arg6[%dma_start3A_1431, %dma_start3A_1433, %dma_start3A_1434] : memref<8x64x128xf32, #tpu.memory_space<vmem>> -> memref<1x64x128xf32, #tpu.memory_space<vmem>>
      %dma_start3A_1436 = tpu.memref_squeeze %dma_start3A_1435 : memref<1x64x128xf32, #tpu.memory_space<vmem>> -> memref<64x128xf32, #tpu.memory_space<vmem>>
      %dma_start3A_1437 = arith.constant 0 : i32
      %dma_start3A_1438 = tpu.memref_slice %arg5[%add3A_1430, %dma_start3A_1437] : memref<400x64xi32, #tpu.memory_space<vmem>> -> memref<1x64xi32, #tpu.memory_space<vmem>>
      %dma_start3A_1439 = tpu.memref_squeeze %dma_start3A_1438 : memref<1x64xi32, #tpu.memory_space<vmem>> -> memref<64xi32, #tpu.memory_space<vmem>>
      %dma_start3A_1440 = arith.constant 0 : i32
      %dma_start3A_1441 = arith.constant 0 : i32
      %dma_start3A_1442 = tpu.memref_slice %arg3[%dma_start3A_1440, %dma_start3A_1441] : memref<100000x128xf32, #tpu.memory_space<hbm>> -> memref<100000x128xf32, #tpu.memory_space<hbm>>
      %dma_start3A_1443 = tpu.memref_slice %arg7[%dma_start3A_1432] : memref<8x!tpu.dma_semaphore, #tpu.memory_space<semaphore_mem>> -> memref<1x!tpu.dma_semaphore, #tpu.memory_space<semaphore_mem>>
      %dma_start3A_1444 = tpu.memref_squeeze %dma_start3A_1443 : memref<1x!tpu.dma_semaphore, #tpu.memory_space<semaphore_mem>> -> memref<!tpu.dma_semaphore, #tpu.memory_space<semaphore_mem>>
      tpu.enqueue_indirect_dma source(%dma_start3A_1442 : memref<100000x128xf32, #tpu.memory_space<hbm>>) target(%dma_start3A_1436 : memref<64x128xf32, #tpu.memory_space<vmem>>) offsets(%dma_start3A_1439 : memref<64xi32, #tpu.memory_space<vmem>>) semaphore(%dma_start3A_1444 : memref<!tpu.dma_semaphore, #tpu.memory_space<semaphore_mem>>)
      %add3A_1445 = arith.constant 5 : i32
      %add3A_1446 = arith.addi %add3A_1065, %add3A_1445 : i32
      %dma_wait3A_1447 = arith.constant 5 : i32
      %dma_wait3A_1448 = arith.constant 5 : i32
      %dma_wait3A_1449 = arith.constant 0 : i32
      %dma_wait3A_1450 = arith.constant 0 : i32
      %dma_wait3A_1451 = tpu.memref_slice %arg6[%dma_wait3A_1447, %dma_wait3A_1449, %dma_wait3A_1450] : memref<8x64x128xf32, #tpu.memory_space<vmem>> -> memref<1x64x128xf32, #tpu.memory_space<vmem>>
      %dma_wait3A_1452 = tpu.memref_squeeze %dma_wait3A_1451 : memref<1x64x128xf32, #tpu.memory_space<vmem>> -> memref<64x128xf32, #tpu.memory_space<vmem>>
      %dma_wait3A_1453 = arith.constant 0 : i32
      %dma_wait3A_1454 = tpu.memref_slice %arg5[%add3A_1446, %dma_wait3A_1453] : memref<400x64xi32, #tpu.memory_space<vmem>> -> memref<1x64xi32, #tpu.memory_space<vmem>>
      %dma_wait3A_1455 = tpu.memref_squeeze %dma_wait3A_1454 : memref<1x64xi32, #tpu.memory_space<vmem>> -> memref<64xi32, #tpu.memory_space<vmem>>
      %dma_wait3A_1456 = arith.constant 0 : i32
      %dma_wait3A_1457 = arith.constant 0 : i32
      %dma_wait3A_1458 = tpu.memref_slice %arg3[%dma_wait3A_1456, %dma_wait3A_1457] : memref<100000x128xf32, #tpu.memory_space<hbm>> -> memref<100000x128xf32, #tpu.memory_space<hbm>>
      %dma_wait3A_1459 = tpu.memref_slice %arg7[%dma_wait3A_1448] : memref<8x!tpu.dma_semaphore, #tpu.memory_space<semaphore_mem>> -> memref<1x!tpu.dma_semaphore, #tpu.memory_space<semaphore_mem>>
      %dma_wait3A_1460 = tpu.memref_squeeze %dma_wait3A_1459 : memref<1x!tpu.dma_semaphore, #tpu.memory_space<semaphore_mem>> -> memref<!tpu.dma_semaphore, #tpu.memory_space<semaphore_mem>>
      tpu.wait_indirect_dma semaphore(%dma_wait3A_1460 : memref<!tpu.dma_semaphore, #tpu.memory_space<semaphore_mem>>) src(%dma_wait3A_1458 : memref<100000x128xf32, #tpu.memory_space<hbm>>) dst(%dma_wait3A_1452 : memref<64x128xf32, #tpu.memory_space<vmem>>)
      %add3A_1461 = arith.constant 5 : i32
      %add3A_1462 = arith.addi %add3A_1065, %add3A_1461 : i32
      %mul3A_1463 = arith.constant 64 : i32
      %mul3A_1464 = arith.muli %add3A_1462, %mul3A_1463 : i32
      %add3A_1465 = arith.addi %mul3A_2, %mul3A_1464 : i32
      %dma_start3A_1466 = arith.constant 5 : i32
      %dma_start3A_1467 = arith.constant 5 : i32
      %dma_start3A_1468 = arith.constant 0 : i32
      %dma_start3A_1469 = arith.constant 0 : i32
      %dma_start3A_1470 = tpu.memref_slice %arg6[%dma_start3A_1466, %dma_start3A_1468, %dma_start3A_1469] : memref<8x64x128xf32, #tpu.memory_space<vmem>> -> memref<1x64x128xf32, #tpu.memory_space<vmem>>
      %dma_start3A_1471 = tpu.memref_squeeze %dma_start3A_1470 : memref<1x64x128xf32, #tpu.memory_space<vmem>> -> memref<64x128xf32, #tpu.memory_space<vmem>>
      %dma_start3A_1472 = arith.constant 0 : i32
      %dma_start3A_1473 = tpu.memref_slice %arg4[%add3A_1465, %dma_start3A_1472] : memref<819200x128xf32, #tpu.memory_space<hbm>> -> memref<64x128xf32, #tpu.memory_space<hbm>>
      %dma_start3A_1474 = tpu.memref_slice %arg8[%dma_start3A_1467] : memref<8x!tpu.dma_semaphore, #tpu.memory_space<semaphore_mem>> -> memref<1x!tpu.dma_semaphore, #tpu.memory_space<semaphore_mem>>
      %dma_start3A_1475 = tpu.memref_squeeze %dma_start3A_1474 : memref<1x!tpu.dma_semaphore, #tpu.memory_space<semaphore_mem>> -> memref<!tpu.dma_semaphore, #tpu.memory_space<semaphore_mem>>
      %dma_start3A_1476 = arith.constant 0 : i32
      %dma_start3A_1477 = tpu.memref_slice %arg4[%add3A_1465, %dma_start3A_1476] : memref<819200x128xf32, #tpu.memory_space<hbm>> -> memref<64x128xf32, #tpu.memory_space<hbm>>
      %dma_start3A_1478 = arith.constant 0 : i32
      %dma_start3A_1479 = arith.constant 0 : i32
      %dma_start3A_1480 = tpu.memref_slice %arg6[%dma_start3A_1466, %dma_start3A_1478, %dma_start3A_1479] : memref<8x64x128xf32, #tpu.memory_space<vmem>> -> memref<1x64x128xf32, #tpu.memory_space<vmem>>
      %dma_start3A_1481 = tpu.memref_squeeze %dma_start3A_1480 : memref<1x64x128xf32, #tpu.memory_space<vmem>> -> memref<64x128xf32, #tpu.memory_space<vmem>>
      tpu.enqueue_dma source(%dma_start3A_1481 : memref<64x128xf32, #tpu.memory_space<vmem>>) target(%dma_start3A_1477 : memref<64x128xf32, #tpu.memory_space<hbm>>) target_semaphore(%dma_start3A_1475 : memref<!tpu.dma_semaphore, #tpu.memory_space<semaphore_mem>>)
      %add3A_1482 = arith.constant 5 : i32
      %add3A_1483 = arith.addi %add3A_1065, %add3A_1482 : i32
      %sub3A_1484 = arith.constant 4 : i32
      %sub3A_1485 = arith.subi %add3A_1483, %sub3A_1484 : i32
      %mul3A_1486 = arith.constant 64 : i32
      %mul3A_1487 = arith.muli %sub3A_1485, %mul3A_1486 : i32
      %add3A_1488 = arith.addi %mul3A_2, %mul3A_1487 : i32
      %dma_wait3A_1489 = arith.constant 1 : i32
      %dma_wait3A_1490 = arith.constant 1 : i32
      %dma_wait3A_1491 = arith.constant 0 : i32
      %dma_wait3A_1492 = arith.constant 0 : i32
      %dma_wait3A_1493 = tpu.memref_slice %arg6[%dma_wait3A_1489, %dma_wait3A_1491, %dma_wait3A_1492] : memref<8x64x128xf32, #tpu.memory_space<vmem>> -> memref<1x64x128xf32, #tpu.memory_space<vmem>>
      %dma_wait3A_1494 = tpu.memref_squeeze %dma_wait3A_1493 : memref<1x64x128xf32, #tpu.memory_space<vmem>> -> memref<64x128xf32, #tpu.memory_space<vmem>>
      %dma_wait3A_1495 = arith.constant 0 : i32
      %dma_wait3A_1496 = tpu.memref_slice %arg4[%add3A_1488, %dma_wait3A_1495] : memref<819200x128xf32, #tpu.memory_space<hbm>> -> memref<64x128xf32, #tpu.memory_space<hbm>>
      %dma_wait3A_1497 = tpu.memref_slice %arg8[%dma_wait3A_1490] : memref<8x!tpu.dma_semaphore, #tpu.memory_space<semaphore_mem>> -> memref<1x!tpu.dma_semaphore, #tpu.memory_space<semaphore_mem>>
      %dma_wait3A_1498 = tpu.memref_squeeze %dma_wait3A_1497 : memref<1x!tpu.dma_semaphore, #tpu.memory_space<semaphore_mem>> -> memref<!tpu.dma_semaphore, #tpu.memory_space<semaphore_mem>>
      %dma_wait3A_1499 = arith.constant 0 : i32
      %dma_wait3A_1500 = tpu.memref_slice %arg4[%add3A_1488, %dma_wait3A_1499] : memref<819200x128xf32, #tpu.memory_space<hbm>> -> memref<64x128xf32, #tpu.memory_space<hbm>>
      %dma_wait3A_1501 = arith.constant 0 : i32
      %dma_wait3A_1502 = arith.constant 0 : i32
      %dma_wait3A_1503 = tpu.memref_slice %arg6[%dma_wait3A_1489, %dma_wait3A_1501, %dma_wait3A_1502] : memref<8x64x128xf32, #tpu.memory_space<vmem>> -> memref<1x64x128xf32, #tpu.memory_space<vmem>>
      %dma_wait3A_1504 = tpu.memref_squeeze %dma_wait3A_1503 : memref<1x64x128xf32, #tpu.memory_space<vmem>> -> memref<64x128xf32, #tpu.memory_space<vmem>>
      tpu.wait_dma2 semaphore(%dma_wait3A_1498 : memref<!tpu.dma_semaphore, #tpu.memory_space<semaphore_mem>>) src(%dma_wait3A_1504 : memref<64x128xf32, #tpu.memory_space<vmem>>) dst(%dma_wait3A_1500 : memref<64x128xf32, #tpu.memory_space<hbm>>)
      %add3A_1505 = arith.constant 8 : i32
      %add3A_1506 = arith.addi %sub3A_1485, %add3A_1505 : i32
      %dma_start3A_1507 = arith.constant 1 : i32
      %dma_start3A_1508 = arith.constant 1 : i32
      %dma_start3A_1509 = arith.constant 0 : i32
      %dma_start3A_1510 = arith.constant 0 : i32
      %dma_start3A_1511 = tpu.memref_slice %arg6[%dma_start3A_1507, %dma_start3A_1509, %dma_start3A_1510] : memref<8x64x128xf32, #tpu.memory_space<vmem>> -> memref<1x64x128xf32, #tpu.memory_space<vmem>>
      %dma_start3A_1512 = tpu.memref_squeeze %dma_start3A_1511 : memref<1x64x128xf32, #tpu.memory_space<vmem>> -> memref<64x128xf32, #tpu.memory_space<vmem>>
      %dma_start3A_1513 = arith.constant 0 : i32
      %dma_start3A_1514 = tpu.memref_slice %arg5[%add3A_1506, %dma_start3A_1513] : memref<400x64xi32, #tpu.memory_space<vmem>> -> memref<1x64xi32, #tpu.memory_space<vmem>>
      %dma_start3A_1515 = tpu.memref_squeeze %dma_start3A_1514 : memref<1x64xi32, #tpu.memory_space<vmem>> -> memref<64xi32, #tpu.memory_space<vmem>>
      %dma_start3A_1516 = arith.constant 0 : i32
      %dma_start3A_1517 = arith.constant 0 : i32
      %dma_start3A_1518 = tpu.memref_slice %arg3[%dma_start3A_1516, %dma_start3A_1517] : memref<100000x128xf32, #tpu.memory_space<hbm>> -> memref<100000x128xf32, #tpu.memory_space<hbm>>
      %dma_start3A_1519 = tpu.memref_slice %arg7[%dma_start3A_1508] : memref<8x!tpu.dma_semaphore, #tpu.memory_space<semaphore_mem>> -> memref<1x!tpu.dma_semaphore, #tpu.memory_space<semaphore_mem>>
      %dma_start3A_1520 = tpu.memref_squeeze %dma_start3A_1519 : memref<1x!tpu.dma_semaphore, #tpu.memory_space<semaphore_mem>> -> memref<!tpu.dma_semaphore, #tpu.memory_space<semaphore_mem>>
      tpu.enqueue_indirect_dma source(%dma_start3A_1518 : memref<100000x128xf32, #tpu.memory_space<hbm>>) target(%dma_start3A_1512 : memref<64x128xf32, #tpu.memory_space<vmem>>) offsets(%dma_start3A_1515 : memref<64xi32, #tpu.memory_space<vmem>>) semaphore(%dma_start3A_1520 : memref<!tpu.dma_semaphore, #tpu.memory_space<semaphore_mem>>)
      %add3A_1521 = arith.constant 6 : i32
      %add3A_1522 = arith.addi %add3A_1065, %add3A_1521 : i32
      %dma_wait3A_1523 = arith.constant 6 : i32
      %dma_wait3A_1524 = arith.constant 6 : i32
      %dma_wait3A_1525 = arith.constant 0 : i32
      %dma_wait3A_1526 = arith.constant 0 : i32
      %dma_wait3A_1527 = tpu.memref_slice %arg6[%dma_wait3A_1523, %dma_wait3A_1525, %dma_wait3A_1526] : memref<8x64x128xf32, #tpu.memory_space<vmem>> -> memref<1x64x128xf32, #tpu.memory_space<vmem>>
      %dma_wait3A_1528 = tpu.memref_squeeze %dma_wait3A_1527 : memref<1x64x128xf32, #tpu.memory_space<vmem>> -> memref<64x128xf32, #tpu.memory_space<vmem>>
      %dma_wait3A_1529 = arith.constant 0 : i32
      %dma_wait3A_1530 = tpu.memref_slice %arg5[%add3A_1522, %dma_wait3A_1529] : memref<400x64xi32, #tpu.memory_space<vmem>> -> memref<1x64xi32, #tpu.memory_space<vmem>>
      %dma_wait3A_1531 = tpu.memref_squeeze %dma_wait3A_1530 : memref<1x64xi32, #tpu.memory_space<vmem>> -> memref<64xi32, #tpu.memory_space<vmem>>
      %dma_wait3A_1532 = arith.constant 0 : i32
      %dma_wait3A_1533 = arith.constant 0 : i32
      %dma_wait3A_1534 = tpu.memref_slice %arg3[%dma_wait3A_1532, %dma_wait3A_1533] : memref<100000x128xf32, #tpu.memory_space<hbm>> -> memref<100000x128xf32, #tpu.memory_space<hbm>>
      %dma_wait3A_1535 = tpu.memref_slice %arg7[%dma_wait3A_1524] : memref<8x!tpu.dma_semaphore, #tpu.memory_space<semaphore_mem>> -> memref<1x!tpu.dma_semaphore, #tpu.memory_space<semaphore_mem>>
      %dma_wait3A_1536 = tpu.memref_squeeze %dma_wait3A_1535 : memref<1x!tpu.dma_semaphore, #tpu.memory_space<semaphore_mem>> -> memref<!tpu.dma_semaphore, #tpu.memory_space<semaphore_mem>>
      tpu.wait_indirect_dma semaphore(%dma_wait3A_1536 : memref<!tpu.dma_semaphore, #tpu.memory_space<semaphore_mem>>) src(%dma_wait3A_1534 : memref<100000x128xf32, #tpu.memory_space<hbm>>) dst(%dma_wait3A_1528 : memref<64x128xf32, #tpu.memory_space<vmem>>)
      %add3A_1537 = arith.constant 6 : i32
      %add3A_1538 = arith.addi %add3A_1065, %add3A_1537 : i32
      %mul3A_1539 = arith.constant 64 : i32
      %mul3A_1540 = arith.muli %add3A_1538, %mul3A_1539 : i32
      %add3A_1541 = arith.addi %mul3A_2, %mul3A_1540 : i32
      %dma_start3A_1542 = arith.constant 6 : i32
      %dma_start3A_1543 = arith.constant 6 : i32
      %dma_start3A_1544 = arith.constant 0 : i32
      %dma_start3A_1545 = arith.constant 0 : i32
      %dma_start3A_1546 = tpu.memref_slice %arg6[%dma_start3A_1542, %dma_start3A_1544, %dma_start3A_1545] : memref<8x64x128xf32, #tpu.memory_space<vmem>> -> memref<1x64x128xf32, #tpu.memory_space<vmem>>
      %dma_start3A_1547 = tpu.memref_squeeze %dma_start3A_1546 : memref<1x64x128xf32, #tpu.memory_space<vmem>> -> memref<64x128xf32, #tpu.memory_space<vmem>>
      %dma_start3A_1548 = arith.constant 0 : i32
      %dma_start3A_1549 = tpu.memref_slice %arg4[%add3A_1541, %dma_start3A_1548] : memref<819200x128xf32, #tpu.memory_space<hbm>> -> memref<64x128xf32, #tpu.memory_space<hbm>>
      %dma_start3A_1550 = tpu.memref_slice %arg8[%dma_start3A_1543] : memref<8x!tpu.dma_semaphore, #tpu.memory_space<semaphore_mem>> -> memref<1x!tpu.dma_semaphore, #tpu.memory_space<semaphore_mem>>
      %dma_start3A_1551 = tpu.memref_squeeze %dma_start3A_1550 : memref<1x!tpu.dma_semaphore, #tpu.memory_space<semaphore_mem>> -> memref<!tpu.dma_semaphore, #tpu.memory_space<semaphore_mem>>
      %dma_start3A_1552 = arith.constant 0 : i32
      %dma_start3A_1553 = tpu.memref_slice %arg4[%add3A_1541, %dma_start3A_1552] : memref<819200x128xf32, #tpu.memory_space<hbm>> -> memref<64x128xf32, #tpu.memory_space<hbm>>
      %dma_start3A_1554 = arith.constant 0 : i32
      %dma_start3A_1555 = arith.constant 0 : i32
      %dma_start3A_1556 = tpu.memref_slice %arg6[%dma_start3A_1542, %dma_start3A_1554, %dma_start3A_1555] : memref<8x64x128xf32, #tpu.memory_space<vmem>> -> memref<1x64x128xf32, #tpu.memory_space<vmem>>
      %dma_start3A_1557 = tpu.memref_squeeze %dma_start3A_1556 : memref<1x64x128xf32, #tpu.memory_space<vmem>> -> memref<64x128xf32, #tpu.memory_space<vmem>>
      tpu.enqueue_dma source(%dma_start3A_1557 : memref<64x128xf32, #tpu.memory_space<vmem>>) target(%dma_start3A_1553 : memref<64x128xf32, #tpu.memory_space<hbm>>) target_semaphore(%dma_start3A_1551 : memref<!tpu.dma_semaphore, #tpu.memory_space<semaphore_mem>>)
      %add3A_1558 = arith.constant 6 : i32
      %add3A_1559 = arith.addi %add3A_1065, %add3A_1558 : i32
      %sub3A_1560 = arith.constant 4 : i32
      %sub3A_1561 = arith.subi %add3A_1559, %sub3A_1560 : i32
      %mul3A_1562 = arith.constant 64 : i32
      %mul3A_1563 = arith.muli %sub3A_1561, %mul3A_1562 : i32
      %add3A_1564 = arith.addi %mul3A_2, %mul3A_1563 : i32
      %dma_wait3A_1565 = arith.constant 2 : i32
      %dma_wait3A_1566 = arith.constant 2 : i32
      %dma_wait3A_1567 = arith.constant 0 : i32
      %dma_wait3A_1568 = arith.constant 0 : i32
      %dma_wait3A_1569 = tpu.memref_slice %arg6[%dma_wait3A_1565, %dma_wait3A_1567, %dma_wait3A_1568] : memref<8x64x128xf32, #tpu.memory_space<vmem>> -> memref<1x64x128xf32, #tpu.memory_space<vmem>>
      %dma_wait3A_1570 = tpu.memref_squeeze %dma_wait3A_1569 : memref<1x64x128xf32, #tpu.memory_space<vmem>> -> memref<64x128xf32, #tpu.memory_space<vmem>>
      %dma_wait3A_1571 = arith.constant 0 : i32
      %dma_wait3A_1572 = tpu.memref_slice %arg4[%add3A_1564, %dma_wait3A_1571] : memref<819200x128xf32, #tpu.memory_space<hbm>> -> memref<64x128xf32, #tpu.memory_space<hbm>>
      %dma_wait3A_1573 = tpu.memref_slice %arg8[%dma_wait3A_1566] : memref<8x!tpu.dma_semaphore, #tpu.memory_space<semaphore_mem>> -> memref<1x!tpu.dma_semaphore, #tpu.memory_space<semaphore_mem>>
      %dma_wait3A_1574 = tpu.memref_squeeze %dma_wait3A_1573 : memref<1x!tpu.dma_semaphore, #tpu.memory_space<semaphore_mem>> -> memref<!tpu.dma_semaphore, #tpu.memory_space<semaphore_mem>>
      %dma_wait3A_1575 = arith.constant 0 : i32
      %dma_wait3A_1576 = tpu.memref_slice %arg4[%add3A_1564, %dma_wait3A_1575] : memref<819200x128xf32, #tpu.memory_space<hbm>> -> memref<64x128xf32, #tpu.memory_space<hbm>>
      %dma_wait3A_1577 = arith.constant 0 : i32
      %dma_wait3A_1578 = arith.constant 0 : i32
      %dma_wait3A_1579 = tpu.memref_slice %arg6[%dma_wait3A_1565, %dma_wait3A_1577, %dma_wait3A_1578] : memref<8x64x128xf32, #tpu.memory_space<vmem>> -> memref<1x64x128xf32, #tpu.memory_space<vmem>>
      %dma_wait3A_1580 = tpu.memref_squeeze %dma_wait3A_1579 : memref<1x64x128xf32, #tpu.memory_space<vmem>> -> memref<64x128xf32, #tpu.memory_space<vmem>>
      tpu.wait_dma2 semaphore(%dma_wait3A_1574 : memref<!tpu.dma_semaphore, #tpu.memory_space<semaphore_mem>>) src(%dma_wait3A_1580 : memref<64x128xf32, #tpu.memory_space<vmem>>) dst(%dma_wait3A_1576 : memref<64x128xf32, #tpu.memory_space<hbm>>)
      %add3A_1581 = arith.constant 8 : i32
      %add3A_1582 = arith.addi %sub3A_1561, %add3A_1581 : i32
      %dma_start3A_1583 = arith.constant 2 : i32
      %dma_start3A_1584 = arith.constant 2 : i32
      %dma_start3A_1585 = arith.constant 0 : i32
      %dma_start3A_1586 = arith.constant 0 : i32
      %dma_start3A_1587 = tpu.memref_slice %arg6[%dma_start3A_1583, %dma_start3A_1585, %dma_start3A_1586] : memref<8x64x128xf32, #tpu.memory_space<vmem>> -> memref<1x64x128xf32, #tpu.memory_space<vmem>>
      %dma_start3A_1588 = tpu.memref_squeeze %dma_start3A_1587 : memref<1x64x128xf32, #tpu.memory_space<vmem>> -> memref<64x128xf32, #tpu.memory_space<vmem>>
      %dma_start3A_1589 = arith.constant 0 : i32
      %dma_start3A_1590 = tpu.memref_slice %arg5[%add3A_1582, %dma_start3A_1589] : memref<400x64xi32, #tpu.memory_space<vmem>> -> memref<1x64xi32, #tpu.memory_space<vmem>>
      %dma_start3A_1591 = tpu.memref_squeeze %dma_start3A_1590 : memref<1x64xi32, #tpu.memory_space<vmem>> -> memref<64xi32, #tpu.memory_space<vmem>>
      %dma_start3A_1592 = arith.constant 0 : i32
      %dma_start3A_1593 = arith.constant 0 : i32
      %dma_start3A_1594 = tpu.memref_slice %arg3[%dma_start3A_1592, %dma_start3A_1593] : memref<100000x128xf32, #tpu.memory_space<hbm>> -> memref<100000x128xf32, #tpu.memory_space<hbm>>
      %dma_start3A_1595 = tpu.memref_slice %arg7[%dma_start3A_1584] : memref<8x!tpu.dma_semaphore, #tpu.memory_space<semaphore_mem>> -> memref<1x!tpu.dma_semaphore, #tpu.memory_space<semaphore_mem>>
      %dma_start3A_1596 = tpu.memref_squeeze %dma_start3A_1595 : memref<1x!tpu.dma_semaphore, #tpu.memory_space<semaphore_mem>> -> memref<!tpu.dma_semaphore, #tpu.memory_space<semaphore_mem>>
      tpu.enqueue_indirect_dma source(%dma_start3A_1594 : memref<100000x128xf32, #tpu.memory_space<hbm>>) target(%dma_start3A_1588 : memref<64x128xf32, #tpu.memory_space<vmem>>) offsets(%dma_start3A_1591 : memref<64xi32, #tpu.memory_space<vmem>>) semaphore(%dma_start3A_1596 : memref<!tpu.dma_semaphore, #tpu.memory_space<semaphore_mem>>)
      %add3A_1597 = arith.constant 7 : i32
      %add3A_1598 = arith.addi %add3A_1065, %add3A_1597 : i32
      %dma_wait3A_1599 = arith.constant 7 : i32
      %dma_wait3A_1600 = arith.constant 7 : i32
      %dma_wait3A_1601 = arith.constant 0 : i32
      %dma_wait3A_1602 = arith.constant 0 : i32
      %dma_wait3A_1603 = tpu.memref_slice %arg6[%dma_wait3A_1599, %dma_wait3A_1601, %dma_wait3A_1602] : memref<8x64x128xf32, #tpu.memory_space<vmem>> -> memref<1x64x128xf32, #tpu.memory_space<vmem>>
      %dma_wait3A_1604 = tpu.memref_squeeze %dma_wait3A_1603 : memref<1x64x128xf32, #tpu.memory_space<vmem>> -> memref<64x128xf32, #tpu.memory_space<vmem>>
      %dma_wait3A_1605 = arith.constant 0 : i32
      %dma_wait3A_1606 = tpu.memref_slice %arg5[%add3A_1598, %dma_wait3A_1605] : memref<400x64xi32, #tpu.memory_space<vmem>> -> memref<1x64xi32, #tpu.memory_space<vmem>>
      %dma_wait3A_1607 = tpu.memref_squeeze %dma_wait3A_1606 : memref<1x64xi32, #tpu.memory_space<vmem>> -> memref<64xi32, #tpu.memory_space<vmem>>
      %dma_wait3A_1608 = arith.constant 0 : i32
      %dma_wait3A_1609 = arith.constant 0 : i32
      %dma_wait3A_1610 = tpu.memref_slice %arg3[%dma_wait3A_1608, %dma_wait3A_1609] : memref<100000x128xf32, #tpu.memory_space<hbm>> -> memref<100000x128xf32, #tpu.memory_space<hbm>>
      %dma_wait3A_1611 = tpu.memref_slice %arg7[%dma_wait3A_1600] : memref<8x!tpu.dma_semaphore, #tpu.memory_space<semaphore_mem>> -> memref<1x!tpu.dma_semaphore, #tpu.memory_space<semaphore_mem>>
      %dma_wait3A_1612 = tpu.memref_squeeze %dma_wait3A_1611 : memref<1x!tpu.dma_semaphore, #tpu.memory_space<semaphore_mem>> -> memref<!tpu.dma_semaphore, #tpu.memory_space<semaphore_mem>>
      tpu.wait_indirect_dma semaphore(%dma_wait3A_1612 : memref<!tpu.dma_semaphore, #tpu.memory_space<semaphore_mem>>) src(%dma_wait3A_1610 : memref<100000x128xf32, #tpu.memory_space<hbm>>) dst(%dma_wait3A_1604 : memref<64x128xf32, #tpu.memory_space<vmem>>)
      %add3A_1613 = arith.constant 7 : i32
      %add3A_1614 = arith.addi %add3A_1065, %add3A_1613 : i32
      %mul3A_1615 = arith.constant 64 : i32
      %mul3A_1616 = arith.muli %add3A_1614, %mul3A_1615 : i32
      %add3A_1617 = arith.addi %mul3A_2, %mul3A_1616 : i32
      %dma_start3A_1618 = arith.constant 7 : i32
      %dma_start3A_1619 = arith.constant 7 : i32
      %dma_start3A_1620 = arith.constant 0 : i32
      %dma_start3A_1621 = arith.constant 0 : i32
      %dma_start3A_1622 = tpu.memref_slice %arg6[%dma_start3A_1618, %dma_start3A_1620, %dma_start3A_1621] : memref<8x64x128xf32, #tpu.memory_space<vmem>> -> memref<1x64x128xf32, #tpu.memory_space<vmem>>
      %dma_start3A_1623 = tpu.memref_squeeze %dma_start3A_1622 : memref<1x64x128xf32, #tpu.memory_space<vmem>> -> memref<64x128xf32, #tpu.memory_space<vmem>>
      %dma_start3A_1624 = arith.constant 0 : i32
      %dma_start3A_1625 = tpu.memref_slice %arg4[%add3A_1617, %dma_start3A_1624] : memref<819200x128xf32, #tpu.memory_space<hbm>> -> memref<64x128xf32, #tpu.memory_space<hbm>>
      %dma_start3A_1626 = tpu.memref_slice %arg8[%dma_start3A_1619] : memref<8x!tpu.dma_semaphore, #tpu.memory_space<semaphore_mem>> -> memref<1x!tpu.dma_semaphore, #tpu.memory_space<semaphore_mem>>
      %dma_start3A_1627 = tpu.memref_squeeze %dma_start3A_1626 : memref<1x!tpu.dma_semaphore, #tpu.memory_space<semaphore_mem>> -> memref<!tpu.dma_semaphore, #tpu.memory_space<semaphore_mem>>
      %dma_start3A_1628 = arith.constant 0 : i32
      %dma_start3A_1629 = tpu.memref_slice %arg4[%add3A_1617, %dma_start3A_1628] : memref<819200x128xf32, #tpu.memory_space<hbm>> -> memref<64x128xf32, #tpu.memory_space<hbm>>
      %dma_start3A_1630 = arith.constant 0 : i32
      %dma_start3A_1631 = arith.constant 0 : i32
      %dma_start3A_1632 = tpu.memref_slice %arg6[%dma_start3A_1618, %dma_start3A_1630, %dma_start3A_1631] : memref<8x64x128xf32, #tpu.memory_space<vmem>> -> memref<1x64x128xf32, #tpu.memory_space<vmem>>
      %dma_start3A_1633 = tpu.memref_squeeze %dma_start3A_1632 : memref<1x64x128xf32, #tpu.memory_space<vmem>> -> memref<64x128xf32, #tpu.memory_space<vmem>>
      tpu.enqueue_dma source(%dma_start3A_1633 : memref<64x128xf32, #tpu.memory_space<vmem>>) target(%dma_start3A_1629 : memref<64x128xf32, #tpu.memory_space<hbm>>) target_semaphore(%dma_start3A_1627 : memref<!tpu.dma_semaphore, #tpu.memory_space<semaphore_mem>>)
      %add3A_1634 = arith.constant 7 : i32
      %add3A_1635 = arith.addi %add3A_1065, %add3A_1634 : i32
      %sub3A_1636 = arith.constant 4 : i32
      %sub3A_1637 = arith.subi %add3A_1635, %sub3A_1636 : i32
      %mul3A_1638 = arith.constant 64 : i32
      %mul3A_1639 = arith.muli %sub3A_1637, %mul3A_1638 : i32
      %add3A_1640 = arith.addi %mul3A_2, %mul3A_1639 : i32
      %dma_wait3A_1641 = arith.constant 3 : i32
      %dma_wait3A_1642 = arith.constant 3 : i32
      %dma_wait3A_1643 = arith.constant 0 : i32
      %dma_wait3A_1644 = arith.constant 0 : i32
      %dma_wait3A_1645 = tpu.memref_slice %arg6[%dma_wait3A_1641, %dma_wait3A_1643, %dma_wait3A_1644] : memref<8x64x128xf32, #tpu.memory_space<vmem>> -> memref<1x64x128xf32, #tpu.memory_space<vmem>>
      %dma_wait3A_1646 = tpu.memref_squeeze %dma_wait3A_1645 : memref<1x64x128xf32, #tpu.memory_space<vmem>> -> memref<64x128xf32, #tpu.memory_space<vmem>>
      %dma_wait3A_1647 = arith.constant 0 : i32
      %dma_wait3A_1648 = tpu.memref_slice %arg4[%add3A_1640, %dma_wait3A_1647] : memref<819200x128xf32, #tpu.memory_space<hbm>> -> memref<64x128xf32, #tpu.memory_space<hbm>>
      %dma_wait3A_1649 = tpu.memref_slice %arg8[%dma_wait3A_1642] : memref<8x!tpu.dma_semaphore, #tpu.memory_space<semaphore_mem>> -> memref<1x!tpu.dma_semaphore, #tpu.memory_space<semaphore_mem>>
      %dma_wait3A_1650 = tpu.memref_squeeze %dma_wait3A_1649 : memref<1x!tpu.dma_semaphore, #tpu.memory_space<semaphore_mem>> -> memref<!tpu.dma_semaphore, #tpu.memory_space<semaphore_mem>>
      %dma_wait3A_1651 = arith.constant 0 : i32
      %dma_wait3A_1652 = tpu.memref_slice %arg4[%add3A_1640, %dma_wait3A_1651] : memref<819200x128xf32, #tpu.memory_space<hbm>> -> memref<64x128xf32, #tpu.memory_space<hbm>>
      %dma_wait3A_1653 = arith.constant 0 : i32
      %dma_wait3A_1654 = arith.constant 0 : i32
      %dma_wait3A_1655 = tpu.memref_slice %arg6[%dma_wait3A_1641, %dma_wait3A_1653, %dma_wait3A_1654] : memref<8x64x128xf32, #tpu.memory_space<vmem>> -> memref<1x64x128xf32, #tpu.memory_space<vmem>>
      %dma_wait3A_1656 = tpu.memref_squeeze %dma_wait3A_1655 : memref<1x64x128xf32, #tpu.memory_space<vmem>> -> memref<64x128xf32, #tpu.memory_space<vmem>>
      tpu.wait_dma2 semaphore(%dma_wait3A_1650 : memref<!tpu.dma_semaphore, #tpu.memory_space<semaphore_mem>>) src(%dma_wait3A_1656 : memref<64x128xf32, #tpu.memory_space<vmem>>) dst(%dma_wait3A_1652 : memref<64x128xf32, #tpu.memory_space<hbm>>)
      %add3A_1657 = arith.constant 8 : i32
      %add3A_1658 = arith.addi %sub3A_1637, %add3A_1657 : i32
      %dma_start3A_1659 = arith.constant 3 : i32
      %dma_start3A_1660 = arith.constant 3 : i32
      %dma_start3A_1661 = arith.constant 0 : i32
      %dma_start3A_1662 = arith.constant 0 : i32
      %dma_start3A_1663 = tpu.memref_slice %arg6[%dma_start3A_1659, %dma_start3A_1661, %dma_start3A_1662] : memref<8x64x128xf32, #tpu.memory_space<vmem>> -> memref<1x64x128xf32, #tpu.memory_space<vmem>>
      %dma_start3A_1664 = tpu.memref_squeeze %dma_start3A_1663 : memref<1x64x128xf32, #tpu.memory_space<vmem>> -> memref<64x128xf32, #tpu.memory_space<vmem>>
      %dma_start3A_1665 = arith.constant 0 : i32
      %dma_start3A_1666 = tpu.memref_slice %arg5[%add3A_1658, %dma_start3A_1665] : memref<400x64xi32, #tpu.memory_space<vmem>> -> memref<1x64xi32, #tpu.memory_space<vmem>>
      %dma_start3A_1667 = tpu.memref_squeeze %dma_start3A_1666 : memref<1x64xi32, #tpu.memory_space<vmem>> -> memref<64xi32, #tpu.memory_space<vmem>>
      %dma_start3A_1668 = arith.constant 0 : i32
      %dma_start3A_1669 = arith.constant 0 : i32
      %dma_start3A_1670 = tpu.memref_slice %arg3[%dma_start3A_1668, %dma_start3A_1669] : memref<100000x128xf32, #tpu.memory_space<hbm>> -> memref<100000x128xf32, #tpu.memory_space<hbm>>
      %dma_start3A_1671 = tpu.memref_slice %arg7[%dma_start3A_1660] : memref<8x!tpu.dma_semaphore, #tpu.memory_space<semaphore_mem>> -> memref<1x!tpu.dma_semaphore, #tpu.memory_space<semaphore_mem>>
      %dma_start3A_1672 = tpu.memref_squeeze %dma_start3A_1671 : memref<1x!tpu.dma_semaphore, #tpu.memory_space<semaphore_mem>> -> memref<!tpu.dma_semaphore, #tpu.memory_space<semaphore_mem>>
      tpu.enqueue_indirect_dma source(%dma_start3A_1670 : memref<100000x128xf32, #tpu.memory_space<hbm>>) target(%dma_start3A_1664 : memref<64x128xf32, #tpu.memory_space<vmem>>) offsets(%dma_start3A_1667 : memref<64xi32, #tpu.memory_space<vmem>>) semaphore(%dma_start3A_1672 : memref<!tpu.dma_semaphore, #tpu.memory_space<semaphore_mem>>)
    }
    %scan3A_520 = arith.constant 48 : i32
    %dma_wait3A_521 = arith.constant 392 : i32
    %dma_wait3A_522 = arith.constant 0 : i32
    %dma_wait3A_523 = arith.constant 0 : i32
    %dma_wait3A_524 = arith.constant 0 : i32
    %dma_wait3A_525 = arith.constant 0 : i32
    %dma_wait3A_526 = tpu.memref_slice %arg6[%dma_wait3A_522, %dma_wait3A_524, %dma_wait3A_525] : memref<8x64x128xf32, #tpu.memory_space<vmem>> -> memref<1x64x128xf32, #tpu.memory_space<vmem>>
    %dma_wait3A_527 = tpu.memref_squeeze %dma_wait3A_526 : memref<1x64x128xf32, #tpu.memory_space<vmem>> -> memref<64x128xf32, #tpu.memory_space<vmem>>
    %dma_wait3A_528 = arith.constant 0 : i32
    %dma_wait3A_529 = tpu.memref_slice %arg5[%dma_wait3A_521, %dma_wait3A_528] : memref<400x64xi32, #tpu.memory_space<vmem>> -> memref<1x64xi32, #tpu.memory_space<vmem>>
    %dma_wait3A_530 = tpu.memref_squeeze %dma_wait3A_529 : memref<1x64xi32, #tpu.memory_space<vmem>> -> memref<64xi32, #tpu.memory_space<vmem>>
    %dma_wait3A_531 = arith.constant 0 : i32
    %dma_wait3A_532 = arith.constant 0 : i32
    %dma_wait3A_533 = tpu.memref_slice %arg3[%dma_wait3A_531, %dma_wait3A_532] : memref<100000x128xf32, #tpu.memory_space<hbm>> -> memref<100000x128xf32, #tpu.memory_space<hbm>>
    %dma_wait3A_534 = tpu.memref_slice %arg7[%dma_wait3A_523] : memref<8x!tpu.dma_semaphore, #tpu.memory_space<semaphore_mem>> -> memref<1x!tpu.dma_semaphore, #tpu.memory_space<semaphore_mem>>
    %dma_wait3A_535 = tpu.memref_squeeze %dma_wait3A_534 : memref<1x!tpu.dma_semaphore, #tpu.memory_space<semaphore_mem>> -> memref<!tpu.dma_semaphore, #tpu.memory_space<semaphore_mem>>
    tpu.wait_indirect_dma semaphore(%dma_wait3A_535 : memref<!tpu.dma_semaphore, #tpu.memory_space<semaphore_mem>>) src(%dma_wait3A_533 : memref<100000x128xf32, #tpu.memory_space<hbm>>) dst(%dma_wait3A_527 : memref<64x128xf32, #tpu.memory_space<vmem>>)
    %add3A_536 = arith.constant 25088 : i32
    %add3A_537 = arith.addi %mul3A_2, %add3A_536 : i32
    %dma_start3A_538 = arith.constant 0 : i32
    %dma_start3A_539 = arith.constant 0 : i32
    %dma_start3A_540 = arith.constant 0 : i32
    %dma_start3A_541 = arith.constant 0 : i32
    %dma_start3A_542 = tpu.memref_slice %arg6[%dma_start3A_538, %dma_start3A_540, %dma_start3A_541] : memref<8x64x128xf32, #tpu.memory_space<vmem>> -> memref<1x64x128xf32, #tpu.memory_space<vmem>>
    %dma_start3A_543 = tpu.memref_squeeze %dma_start3A_542 : memref<1x64x128xf32, #tpu.memory_space<vmem>> -> memref<64x128xf32, #tpu.memory_space<vmem>>
    %dma_start3A_544 = arith.constant 0 : i32
    %dma_start3A_545 = tpu.memref_slice %arg4[%add3A_537, %dma_start3A_544] : memref<819200x128xf32, #tpu.memory_space<hbm>> -> memref<64x128xf32, #tpu.memory_space<hbm>>
    %dma_start3A_546 = tpu.memref_slice %arg8[%dma_start3A_539] : memref<8x!tpu.dma_semaphore, #tpu.memory_space<semaphore_mem>> -> memref<1x!tpu.dma_semaphore, #tpu.memory_space<semaphore_mem>>
    %dma_start3A_547 = tpu.memref_squeeze %dma_start3A_546 : memref<1x!tpu.dma_semaphore, #tpu.memory_space<semaphore_mem>> -> memref<!tpu.dma_semaphore, #tpu.memory_space<semaphore_mem>>
    %dma_start3A_548 = arith.constant 0 : i32
    %dma_start3A_549 = tpu.memref_slice %arg4[%add3A_537, %dma_start3A_548] : memref<819200x128xf32, #tpu.memory_space<hbm>> -> memref<64x128xf32, #tpu.memory_space<hbm>>
    %dma_start3A_550 = arith.constant 0 : i32
    %dma_start3A_551 = arith.constant 0 : i32
    %dma_start3A_552 = tpu.memref_slice %arg6[%dma_start3A_538, %dma_start3A_550, %dma_start3A_551] : memref<8x64x128xf32, #tpu.memory_space<vmem>> -> memref<1x64x128xf32, #tpu.memory_space<vmem>>
    %dma_start3A_553 = tpu.memref_squeeze %dma_start3A_552 : memref<1x64x128xf32, #tpu.memory_space<vmem>> -> memref<64x128xf32, #tpu.memory_space<vmem>>
    tpu.enqueue_dma source(%dma_start3A_553 : memref<64x128xf32, #tpu.memory_space<vmem>>) target(%dma_start3A_549 : memref<64x128xf32, #tpu.memory_space<hbm>>) target_semaphore(%dma_start3A_547 : memref<!tpu.dma_semaphore, #tpu.memory_space<semaphore_mem>>)
    %add3A_554 = arith.constant 24832 : i32
    %add3A_555 = arith.addi %mul3A_2, %add3A_554 : i32
    %dma_wait3A_556 = arith.constant 4 : i32
    %dma_wait3A_557 = arith.constant 4 : i32
    %dma_wait3A_558 = arith.constant 0 : i32
    %dma_wait3A_559 = arith.constant 0 : i32
    %dma_wait3A_560 = tpu.memref_slice %arg6[%dma_wait3A_556, %dma_wait3A_558, %dma_wait3A_559] : memref<8x64x128xf32, #tpu.memory_space<vmem>> -> memref<1x64x128xf32, #tpu.memory_space<vmem>>
    %dma_wait3A_561 = tpu.memref_squeeze %dma_wait3A_560 : memref<1x64x128xf32, #tpu.memory_space<vmem>> -> memref<64x128xf32, #tpu.memory_space<vmem>>
    %dma_wait3A_562 = arith.constant 0 : i32
    %dma_wait3A_563 = tpu.memref_slice %arg4[%add3A_555, %dma_wait3A_562] : memref<819200x128xf32, #tpu.memory_space<hbm>> -> memref<64x128xf32, #tpu.memory_space<hbm>>
    %dma_wait3A_564 = tpu.memref_slice %arg8[%dma_wait3A_557] : memref<8x!tpu.dma_semaphore, #tpu.memory_space<semaphore_mem>> -> memref<1x!tpu.dma_semaphore, #tpu.memory_space<semaphore_mem>>
    %dma_wait3A_565 = tpu.memref_squeeze %dma_wait3A_564 : memref<1x!tpu.dma_semaphore, #tpu.memory_space<semaphore_mem>> -> memref<!tpu.dma_semaphore, #tpu.memory_space<semaphore_mem>>
    %dma_wait3A_566 = arith.constant 0 : i32
    %dma_wait3A_567 = tpu.memref_slice %arg4[%add3A_555, %dma_wait3A_566] : memref<819200x128xf32, #tpu.memory_space<hbm>> -> memref<64x128xf32, #tpu.memory_space<hbm>>
    %dma_wait3A_568 = arith.constant 0 : i32
    %dma_wait3A_569 = arith.constant 0 : i32
    %dma_wait3A_570 = tpu.memref_slice %arg6[%dma_wait3A_556, %dma_wait3A_568, %dma_wait3A_569] : memref<8x64x128xf32, #tpu.memory_space<vmem>> -> memref<1x64x128xf32, #tpu.memory_space<vmem>>
    %dma_wait3A_571 = tpu.memref_squeeze %dma_wait3A_570 : memref<1x64x128xf32, #tpu.memory_space<vmem>> -> memref<64x128xf32, #tpu.memory_space<vmem>>
    tpu.wait_dma2 semaphore(%dma_wait3A_565 : memref<!tpu.dma_semaphore, #tpu.memory_space<semaphore_mem>>) src(%dma_wait3A_571 : memref<64x128xf32, #tpu.memory_space<vmem>>) dst(%dma_wait3A_567 : memref<64x128xf32, #tpu.memory_space<hbm>>)
    %dma_start3A_572 = arith.constant 396 : i32
    %dma_start3A_573 = arith.constant 4 : i32
    %dma_start3A_574 = arith.constant 4 : i32
    %dma_start3A_575 = arith.constant 0 : i32
    %dma_start3A_576 = arith.constant 0 : i32
    %dma_start3A_577 = tpu.memref_slice %arg6[%dma_start3A_573, %dma_start3A_575, %dma_start3A_576] : memref<8x64x128xf32, #tpu.memory_space<vmem>> -> memref<1x64x128xf32, #tpu.memory_space<vmem>>
    %dma_start3A_578 = tpu.memref_squeeze %dma_start3A_577 : memref<1x64x128xf32, #tpu.memory_space<vmem>> -> memref<64x128xf32, #tpu.memory_space<vmem>>
    %dma_start3A_579 = arith.constant 0 : i32
    %dma_start3A_580 = tpu.memref_slice %arg5[%dma_start3A_572, %dma_start3A_579] : memref<400x64xi32, #tpu.memory_space<vmem>> -> memref<1x64xi32, #tpu.memory_space<vmem>>
    %dma_start3A_581 = tpu.memref_squeeze %dma_start3A_580 : memref<1x64xi32, #tpu.memory_space<vmem>> -> memref<64xi32, #tpu.memory_space<vmem>>
    %dma_start3A_582 = arith.constant 0 : i32
    %dma_start3A_583 = arith.constant 0 : i32
    %dma_start3A_584 = tpu.memref_slice %arg3[%dma_start3A_582, %dma_start3A_583] : memref<100000x128xf32, #tpu.memory_space<hbm>> -> memref<100000x128xf32, #tpu.memory_space<hbm>>
    %dma_start3A_585 = tpu.memref_slice %arg7[%dma_start3A_574] : memref<8x!tpu.dma_semaphore, #tpu.memory_space<semaphore_mem>> -> memref<1x!tpu.dma_semaphore, #tpu.memory_space<semaphore_mem>>
    %dma_start3A_586 = tpu.memref_squeeze %dma_start3A_585 : memref<1x!tpu.dma_semaphore, #tpu.memory_space<semaphore_mem>> -> memref<!tpu.dma_semaphore, #tpu.memory_space<semaphore_mem>>
    tpu.enqueue_indirect_dma source(%dma_start3A_584 : memref<100000x128xf32, #tpu.memory_space<hbm>>) target(%dma_start3A_578 : memref<64x128xf32, #tpu.memory_space<vmem>>) offsets(%dma_start3A_581 : memref<64xi32, #tpu.memory_space<vmem>>) semaphore(%dma_start3A_586 : memref<!tpu.dma_semaphore, #tpu.memory_space<semaphore_mem>>)
    %dma_wait3A_587 = arith.constant 393 : i32
    %dma_wait3A_588 = arith.constant 1 : i32
    %dma_wait3A_589 = arith.constant 1 : i32
    %dma_wait3A_590 = arith.constant 0 : i32
    %dma_wait3A_591 = arith.constant 0 : i32
    %dma_wait3A_592 = tpu.memref_slice %arg6[%dma_wait3A_588, %dma_wait3A_590, %dma_wait3A_591] : memref<8x64x128xf32, #tpu.memory_space<vmem>> -> memref<1x64x128xf32, #tpu.memory_space<vmem>>
    %dma_wait3A_593 = tpu.memref_squeeze %dma_wait3A_592 : memref<1x64x128xf32, #tpu.memory_space<vmem>> -> memref<64x128xf32, #tpu.memory_space<vmem>>
    %dma_wait3A_594 = arith.constant 0 : i32
    %dma_wait3A_595 = tpu.memref_slice %arg5[%dma_wait3A_587, %dma_wait3A_594] : memref<400x64xi32, #tpu.memory_space<vmem>> -> memref<1x64xi32, #tpu.memory_space<vmem>>
    %dma_wait3A_596 = tpu.memref_squeeze %dma_wait3A_595 : memref<1x64xi32, #tpu.memory_space<vmem>> -> memref<64xi32, #tpu.memory_space<vmem>>
    %dma_wait3A_597 = arith.constant 0 : i32
    %dma_wait3A_598 = arith.constant 0 : i32
    %dma_wait3A_599 = tpu.memref_slice %arg3[%dma_wait3A_597, %dma_wait3A_598] : memref<100000x128xf32, #tpu.memory_space<hbm>> -> memref<100000x128xf32, #tpu.memory_space<hbm>>
    %dma_wait3A_600 = tpu.memref_slice %arg7[%dma_wait3A_589] : memref<8x!tpu.dma_semaphore, #tpu.memory_space<semaphore_mem>> -> memref<1x!tpu.dma_semaphore, #tpu.memory_space<semaphore_mem>>
    %dma_wait3A_601 = tpu.memref_squeeze %dma_wait3A_600 : memref<1x!tpu.dma_semaphore, #tpu.memory_space<semaphore_mem>> -> memref<!tpu.dma_semaphore, #tpu.memory_space<semaphore_mem>>
    tpu.wait_indirect_dma semaphore(%dma_wait3A_601 : memref<!tpu.dma_semaphore, #tpu.memory_space<semaphore_mem>>) src(%dma_wait3A_599 : memref<100000x128xf32, #tpu.memory_space<hbm>>) dst(%dma_wait3A_593 : memref<64x128xf32, #tpu.memory_space<vmem>>)
    %add3A_602 = arith.constant 25152 : i32
    %add3A_603 = arith.addi %mul3A_2, %add3A_602 : i32
    %dma_start3A_604 = arith.constant 1 : i32
    %dma_start3A_605 = arith.constant 1 : i32
    %dma_start3A_606 = arith.constant 0 : i32
    %dma_start3A_607 = arith.constant 0 : i32
    %dma_start3A_608 = tpu.memref_slice %arg6[%dma_start3A_604, %dma_start3A_606, %dma_start3A_607] : memref<8x64x128xf32, #tpu.memory_space<vmem>> -> memref<1x64x128xf32, #tpu.memory_space<vmem>>
    %dma_start3A_609 = tpu.memref_squeeze %dma_start3A_608 : memref<1x64x128xf32, #tpu.memory_space<vmem>> -> memref<64x128xf32, #tpu.memory_space<vmem>>
    %dma_start3A_610 = arith.constant 0 : i32
    %dma_start3A_611 = tpu.memref_slice %arg4[%add3A_603, %dma_start3A_610] : memref<819200x128xf32, #tpu.memory_space<hbm>> -> memref<64x128xf32, #tpu.memory_space<hbm>>
    %dma_start3A_612 = tpu.memref_slice %arg8[%dma_start3A_605] : memref<8x!tpu.dma_semaphore, #tpu.memory_space<semaphore_mem>> -> memref<1x!tpu.dma_semaphore, #tpu.memory_space<semaphore_mem>>
    %dma_start3A_613 = tpu.memref_squeeze %dma_start3A_612 : memref<1x!tpu.dma_semaphore, #tpu.memory_space<semaphore_mem>> -> memref<!tpu.dma_semaphore, #tpu.memory_space<semaphore_mem>>
    %dma_start3A_614 = arith.constant 0 : i32
    %dma_start3A_615 = tpu.memref_slice %arg4[%add3A_603, %dma_start3A_614] : memref<819200x128xf32, #tpu.memory_space<hbm>> -> memref<64x128xf32, #tpu.memory_space<hbm>>
    %dma_start3A_616 = arith.constant 0 : i32
    %dma_start3A_617 = arith.constant 0 : i32
    %dma_start3A_618 = tpu.memref_slice %arg6[%dma_start3A_604, %dma_start3A_616, %dma_start3A_617] : memref<8x64x128xf32, #tpu.memory_space<vmem>> -> memref<1x64x128xf32, #tpu.memory_space<vmem>>
    %dma_start3A_619 = tpu.memref_squeeze %dma_start3A_618 : memref<1x64x128xf32, #tpu.memory_space<vmem>> -> memref<64x128xf32, #tpu.memory_space<vmem>>
    tpu.enqueue_dma source(%dma_start3A_619 : memref<64x128xf32, #tpu.memory_space<vmem>>) target(%dma_start3A_615 : memref<64x128xf32, #tpu.memory_space<hbm>>) target_semaphore(%dma_start3A_613 : memref<!tpu.dma_semaphore, #tpu.memory_space<semaphore_mem>>)
    %add3A_620 = arith.constant 24896 : i32
    %add3A_621 = arith.addi %mul3A_2, %add3A_620 : i32
    %dma_wait3A_622 = arith.constant 5 : i32
    %dma_wait3A_623 = arith.constant 5 : i32
    %dma_wait3A_624 = arith.constant 0 : i32
    %dma_wait3A_625 = arith.constant 0 : i32
    %dma_wait3A_626 = tpu.memref_slice %arg6[%dma_wait3A_622, %dma_wait3A_624, %dma_wait3A_625] : memref<8x64x128xf32, #tpu.memory_space<vmem>> -> memref<1x64x128xf32, #tpu.memory_space<vmem>>
    %dma_wait3A_627 = tpu.memref_squeeze %dma_wait3A_626 : memref<1x64x128xf32, #tpu.memory_space<vmem>> -> memref<64x128xf32, #tpu.memory_space<vmem>>
    %dma_wait3A_628 = arith.constant 0 : i32
    %dma_wait3A_629 = tpu.memref_slice %arg4[%add3A_621, %dma_wait3A_628] : memref<819200x128xf32, #tpu.memory_space<hbm>> -> memref<64x128xf32, #tpu.memory_space<hbm>>
    %dma_wait3A_630 = tpu.memref_slice %arg8[%dma_wait3A_623] : memref<8x!tpu.dma_semaphore, #tpu.memory_space<semaphore_mem>> -> memref<1x!tpu.dma_semaphore, #tpu.memory_space<semaphore_mem>>
    %dma_wait3A_631 = tpu.memref_squeeze %dma_wait3A_630 : memref<1x!tpu.dma_semaphore, #tpu.memory_space<semaphore_mem>> -> memref<!tpu.dma_semaphore, #tpu.memory_space<semaphore_mem>>
    %dma_wait3A_632 = arith.constant 0 : i32
    %dma_wait3A_633 = tpu.memref_slice %arg4[%add3A_621, %dma_wait3A_632] : memref<819200x128xf32, #tpu.memory_space<hbm>> -> memref<64x128xf32, #tpu.memory_space<hbm>>
    %dma_wait3A_634 = arith.constant 0 : i32
    %dma_wait3A_635 = arith.constant 0 : i32
    %dma_wait3A_636 = tpu.memref_slice %arg6[%dma_wait3A_622, %dma_wait3A_634, %dma_wait3A_635] : memref<8x64x128xf32, #tpu.memory_space<vmem>> -> memref<1x64x128xf32, #tpu.memory_space<vmem>>
    %dma_wait3A_637 = tpu.memref_squeeze %dma_wait3A_636 : memref<1x64x128xf32, #tpu.memory_space<vmem>> -> memref<64x128xf32, #tpu.memory_space<vmem>>
    tpu.wait_dma2 semaphore(%dma_wait3A_631 : memref<!tpu.dma_semaphore, #tpu.memory_space<semaphore_mem>>) src(%dma_wait3A_637 : memref<64x128xf32, #tpu.memory_space<vmem>>) dst(%dma_wait3A_633 : memref<64x128xf32, #tpu.memory_space<hbm>>)
    %dma_start3A_638 = arith.constant 397 : i32
    %dma_start3A_639 = arith.constant 5 : i32
    %dma_start3A_640 = arith.constant 5 : i32
    %dma_start3A_641 = arith.constant 0 : i32
    %dma_start3A_642 = arith.constant 0 : i32
    %dma_start3A_643 = tpu.memref_slice %arg6[%dma_start3A_639, %dma_start3A_641, %dma_start3A_642] : memref<8x64x128xf32, #tpu.memory_space<vmem>> -> memref<1x64x128xf32, #tpu.memory_space<vmem>>
    %dma_start3A_644 = tpu.memref_squeeze %dma_start3A_643 : memref<1x64x128xf32, #tpu.memory_space<vmem>> -> memref<64x128xf32, #tpu.memory_space<vmem>>
    %dma_start3A_645 = arith.constant 0 : i32
    %dma_start3A_646 = tpu.memref_slice %arg5[%dma_start3A_638, %dma_start3A_645] : memref<400x64xi32, #tpu.memory_space<vmem>> -> memref<1x64xi32, #tpu.memory_space<vmem>>
    %dma_start3A_647 = tpu.memref_squeeze %dma_start3A_646 : memref<1x64xi32, #tpu.memory_space<vmem>> -> memref<64xi32, #tpu.memory_space<vmem>>
    %dma_start3A_648 = arith.constant 0 : i32
    %dma_start3A_649 = arith.constant 0 : i32
    %dma_start3A_650 = tpu.memref_slice %arg3[%dma_start3A_648, %dma_start3A_649] : memref<100000x128xf32, #tpu.memory_space<hbm>> -> memref<100000x128xf32, #tpu.memory_space<hbm>>
    %dma_start3A_651 = tpu.memref_slice %arg7[%dma_start3A_640] : memref<8x!tpu.dma_semaphore, #tpu.memory_space<semaphore_mem>> -> memref<1x!tpu.dma_semaphore, #tpu.memory_space<semaphore_mem>>
    %dma_start3A_652 = tpu.memref_squeeze %dma_start3A_651 : memref<1x!tpu.dma_semaphore, #tpu.memory_space<semaphore_mem>> -> memref<!tpu.dma_semaphore, #tpu.memory_space<semaphore_mem>>
    tpu.enqueue_indirect_dma source(%dma_start3A_650 : memref<100000x128xf32, #tpu.memory_space<hbm>>) target(%dma_start3A_644 : memref<64x128xf32, #tpu.memory_space<vmem>>) offsets(%dma_start3A_647 : memref<64xi32, #tpu.memory_space<vmem>>) semaphore(%dma_start3A_652 : memref<!tpu.dma_semaphore, #tpu.memory_space<semaphore_mem>>)
    %dma_wait3A_653 = arith.constant 394 : i32
    %dma_wait3A_654 = arith.constant 2 : i32
    %dma_wait3A_655 = arith.constant 2 : i32
    %dma_wait3A_656 = arith.constant 0 : i32
    %dma_wait3A_657 = arith.constant 0 : i32
    %dma_wait3A_658 = tpu.memref_slice %arg6[%dma_wait3A_654, %dma_wait3A_656, %dma_wait3A_657] : memref<8x64x128xf32, #tpu.memory_space<vmem>> -> memref<1x64x128xf32, #tpu.memory_space<vmem>>
    %dma_wait3A_659 = tpu.memref_squeeze %dma_wait3A_658 : memref<1x64x128xf32, #tpu.memory_space<vmem>> -> memref<64x128xf32, #tpu.memory_space<vmem>>
    %dma_wait3A_660 = arith.constant 0 : i32
    %dma_wait3A_661 = tpu.memref_slice %arg5[%dma_wait3A_653, %dma_wait3A_660] : memref<400x64xi32, #tpu.memory_space<vmem>> -> memref<1x64xi32, #tpu.memory_space<vmem>>
    %dma_wait3A_662 = tpu.memref_squeeze %dma_wait3A_661 : memref<1x64xi32, #tpu.memory_space<vmem>> -> memref<64xi32, #tpu.memory_space<vmem>>
    %dma_wait3A_663 = arith.constant 0 : i32
    %dma_wait3A_664 = arith.constant 0 : i32
    %dma_wait3A_665 = tpu.memref_slice %arg3[%dma_wait3A_663, %dma_wait3A_664] : memref<100000x128xf32, #tpu.memory_space<hbm>> -> memref<100000x128xf32, #tpu.memory_space<hbm>>
    %dma_wait3A_666 = tpu.memref_slice %arg7[%dma_wait3A_655] : memref<8x!tpu.dma_semaphore, #tpu.memory_space<semaphore_mem>> -> memref<1x!tpu.dma_semaphore, #tpu.memory_space<semaphore_mem>>
    %dma_wait3A_667 = tpu.memref_squeeze %dma_wait3A_666 : memref<1x!tpu.dma_semaphore, #tpu.memory_space<semaphore_mem>> -> memref<!tpu.dma_semaphore, #tpu.memory_space<semaphore_mem>>
    tpu.wait_indirect_dma semaphore(%dma_wait3A_667 : memref<!tpu.dma_semaphore, #tpu.memory_space<semaphore_mem>>) src(%dma_wait3A_665 : memref<100000x128xf32, #tpu.memory_space<hbm>>) dst(%dma_wait3A_659 : memref<64x128xf32, #tpu.memory_space<vmem>>)
    %add3A_668 = arith.constant 25216 : i32
    %add3A_669 = arith.addi %mul3A_2, %add3A_668 : i32
    %dma_start3A_670 = arith.constant 2 : i32
    %dma_start3A_671 = arith.constant 2 : i32
    %dma_start3A_672 = arith.constant 0 : i32
    %dma_start3A_673 = arith.constant 0 : i32
    %dma_start3A_674 = tpu.memref_slice %arg6[%dma_start3A_670, %dma_start3A_672, %dma_start3A_673] : memref<8x64x128xf32, #tpu.memory_space<vmem>> -> memref<1x64x128xf32, #tpu.memory_space<vmem>>
    %dma_start3A_675 = tpu.memref_squeeze %dma_start3A_674 : memref<1x64x128xf32, #tpu.memory_space<vmem>> -> memref<64x128xf32, #tpu.memory_space<vmem>>
    %dma_start3A_676 = arith.constant 0 : i32
    %dma_start3A_677 = tpu.memref_slice %arg4[%add3A_669, %dma_start3A_676] : memref<819200x128xf32, #tpu.memory_space<hbm>> -> memref<64x128xf32, #tpu.memory_space<hbm>>
    %dma_start3A_678 = tpu.memref_slice %arg8[%dma_start3A_671] : memref<8x!tpu.dma_semaphore, #tpu.memory_space<semaphore_mem>> -> memref<1x!tpu.dma_semaphore, #tpu.memory_space<semaphore_mem>>
    %dma_start3A_679 = tpu.memref_squeeze %dma_start3A_678 : memref<1x!tpu.dma_semaphore, #tpu.memory_space<semaphore_mem>> -> memref<!tpu.dma_semaphore, #tpu.memory_space<semaphore_mem>>
    %dma_start3A_680 = arith.constant 0 : i32
    %dma_start3A_681 = tpu.memref_slice %arg4[%add3A_669, %dma_start3A_680] : memref<819200x128xf32, #tpu.memory_space<hbm>> -> memref<64x128xf32, #tpu.memory_space<hbm>>
    %dma_start3A_682 = arith.constant 0 : i32
    %dma_start3A_683 = arith.constant 0 : i32
    %dma_start3A_684 = tpu.memref_slice %arg6[%dma_start3A_670, %dma_start3A_682, %dma_start3A_683] : memref<8x64x128xf32, #tpu.memory_space<vmem>> -> memref<1x64x128xf32, #tpu.memory_space<vmem>>
    %dma_start3A_685 = tpu.memref_squeeze %dma_start3A_684 : memref<1x64x128xf32, #tpu.memory_space<vmem>> -> memref<64x128xf32, #tpu.memory_space<vmem>>
    tpu.enqueue_dma source(%dma_start3A_685 : memref<64x128xf32, #tpu.memory_space<vmem>>) target(%dma_start3A_681 : memref<64x128xf32, #tpu.memory_space<hbm>>) target_semaphore(%dma_start3A_679 : memref<!tpu.dma_semaphore, #tpu.memory_space<semaphore_mem>>)
    %add3A_686 = arith.constant 24960 : i32
    %add3A_687 = arith.addi %mul3A_2, %add3A_686 : i32
    %dma_wait3A_688 = arith.constant 6 : i32
    %dma_wait3A_689 = arith.constant 6 : i32
    %dma_wait3A_690 = arith.constant 0 : i32
    %dma_wait3A_691 = arith.constant 0 : i32
    %dma_wait3A_692 = tpu.memref_slice %arg6[%dma_wait3A_688, %dma_wait3A_690, %dma_wait3A_691] : memref<8x64x128xf32, #tpu.memory_space<vmem>> -> memref<1x64x128xf32, #tpu.memory_space<vmem>>
    %dma_wait3A_693 = tpu.memref_squeeze %dma_wait3A_692 : memref<1x64x128xf32, #tpu.memory_space<vmem>> -> memref<64x128xf32, #tpu.memory_space<vmem>>
    %dma_wait3A_694 = arith.constant 0 : i32
    %dma_wait3A_695 = tpu.memref_slice %arg4[%add3A_687, %dma_wait3A_694] : memref<819200x128xf32, #tpu.memory_space<hbm>> -> memref<64x128xf32, #tpu.memory_space<hbm>>
    %dma_wait3A_696 = tpu.memref_slice %arg8[%dma_wait3A_689] : memref<8x!tpu.dma_semaphore, #tpu.memory_space<semaphore_mem>> -> memref<1x!tpu.dma_semaphore, #tpu.memory_space<semaphore_mem>>
    %dma_wait3A_697 = tpu.memref_squeeze %dma_wait3A_696 : memref<1x!tpu.dma_semaphore, #tpu.memory_space<semaphore_mem>> -> memref<!tpu.dma_semaphore, #tpu.memory_space<semaphore_mem>>
    %dma_wait3A_698 = arith.constant 0 : i32
    %dma_wait3A_699 = tpu.memref_slice %arg4[%add3A_687, %dma_wait3A_698] : memref<819200x128xf32, #tpu.memory_space<hbm>> -> memref<64x128xf32, #tpu.memory_space<hbm>>
    %dma_wait3A_700 = arith.constant 0 : i32
    %dma_wait3A_701 = arith.constant 0 : i32
    %dma_wait3A_702 = tpu.memref_slice %arg6[%dma_wait3A_688, %dma_wait3A_700, %dma_wait3A_701] : memref<8x64x128xf32, #tpu.memory_space<vmem>> -> memref<1x64x128xf32, #tpu.memory_space<vmem>>
    %dma_wait3A_703 = tpu.memref_squeeze %dma_wait3A_702 : memref<1x64x128xf32, #tpu.memory_space<vmem>> -> memref<64x128xf32, #tpu.memory_space<vmem>>
    tpu.wait_dma2 semaphore(%dma_wait3A_697 : memref<!tpu.dma_semaphore, #tpu.memory_space<semaphore_mem>>) src(%dma_wait3A_703 : memref<64x128xf32, #tpu.memory_space<vmem>>) dst(%dma_wait3A_699 : memref<64x128xf32, #tpu.memory_space<hbm>>)
    %dma_start3A_704 = arith.constant 398 : i32
    %dma_start3A_705 = arith.constant 6 : i32
    %dma_start3A_706 = arith.constant 6 : i32
    %dma_start3A_707 = arith.constant 0 : i32
    %dma_start3A_708 = arith.constant 0 : i32
    %dma_start3A_709 = tpu.memref_slice %arg6[%dma_start3A_705, %dma_start3A_707, %dma_start3A_708] : memref<8x64x128xf32, #tpu.memory_space<vmem>> -> memref<1x64x128xf32, #tpu.memory_space<vmem>>
    %dma_start3A_710 = tpu.memref_squeeze %dma_start3A_709 : memref<1x64x128xf32, #tpu.memory_space<vmem>> -> memref<64x128xf32, #tpu.memory_space<vmem>>
    %dma_start3A_711 = arith.constant 0 : i32
    %dma_start3A_712 = tpu.memref_slice %arg5[%dma_start3A_704, %dma_start3A_711] : memref<400x64xi32, #tpu.memory_space<vmem>> -> memref<1x64xi32, #tpu.memory_space<vmem>>
    %dma_start3A_713 = tpu.memref_squeeze %dma_start3A_712 : memref<1x64xi32, #tpu.memory_space<vmem>> -> memref<64xi32, #tpu.memory_space<vmem>>
    %dma_start3A_714 = arith.constant 0 : i32
    %dma_start3A_715 = arith.constant 0 : i32
    %dma_start3A_716 = tpu.memref_slice %arg3[%dma_start3A_714, %dma_start3A_715] : memref<100000x128xf32, #tpu.memory_space<hbm>> -> memref<100000x128xf32, #tpu.memory_space<hbm>>
    %dma_start3A_717 = tpu.memref_slice %arg7[%dma_start3A_706] : memref<8x!tpu.dma_semaphore, #tpu.memory_space<semaphore_mem>> -> memref<1x!tpu.dma_semaphore, #tpu.memory_space<semaphore_mem>>
    %dma_start3A_718 = tpu.memref_squeeze %dma_start3A_717 : memref<1x!tpu.dma_semaphore, #tpu.memory_space<semaphore_mem>> -> memref<!tpu.dma_semaphore, #tpu.memory_space<semaphore_mem>>
    tpu.enqueue_indirect_dma source(%dma_start3A_716 : memref<100000x128xf32, #tpu.memory_space<hbm>>) target(%dma_start3A_710 : memref<64x128xf32, #tpu.memory_space<vmem>>) offsets(%dma_start3A_713 : memref<64xi32, #tpu.memory_space<vmem>>) semaphore(%dma_start3A_718 : memref<!tpu.dma_semaphore, #tpu.memory_space<semaphore_mem>>)
    %dma_wait3A_719 = arith.constant 395 : i32
    %dma_wait3A_720 = arith.constant 3 : i32
    %dma_wait3A_721 = arith.constant 3 : i32
    %dma_wait3A_722 = arith.constant 0 : i32
    %dma_wait3A_723 = arith.constant 0 : i32
    %dma_wait3A_724 = tpu.memref_slice %arg6[%dma_wait3A_720, %dma_wait3A_722, %dma_wait3A_723] : memref<8x64x128xf32, #tpu.memory_space<vmem>> -> memref<1x64x128xf32, #tpu.memory_space<vmem>>
    %dma_wait3A_725 = tpu.memref_squeeze %dma_wait3A_724 : memref<1x64x128xf32, #tpu.memory_space<vmem>> -> memref<64x128xf32, #tpu.memory_space<vmem>>
    %dma_wait3A_726 = arith.constant 0 : i32
    %dma_wait3A_727 = tpu.memref_slice %arg5[%dma_wait3A_719, %dma_wait3A_726] : memref<400x64xi32, #tpu.memory_space<vmem>> -> memref<1x64xi32, #tpu.memory_space<vmem>>
    %dma_wait3A_728 = tpu.memref_squeeze %dma_wait3A_727 : memref<1x64xi32, #tpu.memory_space<vmem>> -> memref<64xi32, #tpu.memory_space<vmem>>
    %dma_wait3A_729 = arith.constant 0 : i32
    %dma_wait3A_730 = arith.constant 0 : i32
    %dma_wait3A_731 = tpu.memref_slice %arg3[%dma_wait3A_729, %dma_wait3A_730] : memref<100000x128xf32, #tpu.memory_space<hbm>> -> memref<100000x128xf32, #tpu.memory_space<hbm>>
    %dma_wait3A_732 = tpu.memref_slice %arg7[%dma_wait3A_721] : memref<8x!tpu.dma_semaphore, #tpu.memory_space<semaphore_mem>> -> memref<1x!tpu.dma_semaphore, #tpu.memory_space<semaphore_mem>>
    %dma_wait3A_733 = tpu.memref_squeeze %dma_wait3A_732 : memref<1x!tpu.dma_semaphore, #tpu.memory_space<semaphore_mem>> -> memref<!tpu.dma_semaphore, #tpu.memory_space<semaphore_mem>>
    tpu.wait_indirect_dma semaphore(%dma_wait3A_733 : memref<!tpu.dma_semaphore, #tpu.memory_space<semaphore_mem>>) src(%dma_wait3A_731 : memref<100000x128xf32, #tpu.memory_space<hbm>>) dst(%dma_wait3A_725 : memref<64x128xf32, #tpu.memory_space<vmem>>)
    %add3A_734 = arith.constant 25280 : i32
    %add3A_735 = arith.addi %mul3A_2, %add3A_734 : i32
    %dma_start3A_736 = arith.constant 3 : i32
    %dma_start3A_737 = arith.constant 3 : i32
    %dma_start3A_738 = arith.constant 0 : i32
    %dma_start3A_739 = arith.constant 0 : i32
    %dma_start3A_740 = tpu.memref_slice %arg6[%dma_start3A_736, %dma_start3A_738, %dma_start3A_739] : memref<8x64x128xf32, #tpu.memory_space<vmem>> -> memref<1x64x128xf32, #tpu.memory_space<vmem>>
    %dma_start3A_741 = tpu.memref_squeeze %dma_start3A_740 : memref<1x64x128xf32, #tpu.memory_space<vmem>> -> memref<64x128xf32, #tpu.memory_space<vmem>>
    %dma_start3A_742 = arith.constant 0 : i32
    %dma_start3A_743 = tpu.memref_slice %arg4[%add3A_735, %dma_start3A_742] : memref<819200x128xf32, #tpu.memory_space<hbm>> -> memref<64x128xf32, #tpu.memory_space<hbm>>
    %dma_start3A_744 = tpu.memref_slice %arg8[%dma_start3A_737] : memref<8x!tpu.dma_semaphore, #tpu.memory_space<semaphore_mem>> -> memref<1x!tpu.dma_semaphore, #tpu.memory_space<semaphore_mem>>
    %dma_start3A_745 = tpu.memref_squeeze %dma_start3A_744 : memref<1x!tpu.dma_semaphore, #tpu.memory_space<semaphore_mem>> -> memref<!tpu.dma_semaphore, #tpu.memory_space<semaphore_mem>>
    %dma_start3A_746 = arith.constant 0 : i32
    %dma_start3A_747 = tpu.memref_slice %arg4[%add3A_735, %dma_start3A_746] : memref<819200x128xf32, #tpu.memory_space<hbm>> -> memref<64x128xf32, #tpu.memory_space<hbm>>
    %dma_start3A_748 = arith.constant 0 : i32
    %dma_start3A_749 = arith.constant 0 : i32
    %dma_start3A_750 = tpu.memref_slice %arg6[%dma_start3A_736, %dma_start3A_748, %dma_start3A_749] : memref<8x64x128xf32, #tpu.memory_space<vmem>> -> memref<1x64x128xf32, #tpu.memory_space<vmem>>
    %dma_start3A_751 = tpu.memref_squeeze %dma_start3A_750 : memref<1x64x128xf32, #tpu.memory_space<vmem>> -> memref<64x128xf32, #tpu.memory_space<vmem>>
    tpu.enqueue_dma source(%dma_start3A_751 : memref<64x128xf32, #tpu.memory_space<vmem>>) target(%dma_start3A_747 : memref<64x128xf32, #tpu.memory_space<hbm>>) target_semaphore(%dma_start3A_745 : memref<!tpu.dma_semaphore, #tpu.memory_space<semaphore_mem>>)
    %add3A_752 = arith.constant 25024 : i32
    %add3A_753 = arith.addi %mul3A_2, %add3A_752 : i32
    %dma_wait3A_754 = arith.constant 7 : i32
    %dma_wait3A_755 = arith.constant 7 : i32
    %dma_wait3A_756 = arith.constant 0 : i32
    %dma_wait3A_757 = arith.constant 0 : i32
    %dma_wait3A_758 = tpu.memref_slice %arg6[%dma_wait3A_754, %dma_wait3A_756, %dma_wait3A_757] : memref<8x64x128xf32, #tpu.memory_space<vmem>> -> memref<1x64x128xf32, #tpu.memory_space<vmem>>
    %dma_wait3A_759 = tpu.memref_squeeze %dma_wait3A_758 : memref<1x64x128xf32, #tpu.memory_space<vmem>> -> memref<64x128xf32, #tpu.memory_space<vmem>>
    %dma_wait3A_760 = arith.constant 0 : i32
    %dma_wait3A_761 = tpu.memref_slice %arg4[%add3A_753, %dma_wait3A_760] : memref<819200x128xf32, #tpu.memory_space<hbm>> -> memref<64x128xf32, #tpu.memory_space<hbm>>
    %dma_wait3A_762 = tpu.memref_slice %arg8[%dma_wait3A_755] : memref<8x!tpu.dma_semaphore, #tpu.memory_space<semaphore_mem>> -> memref<1x!tpu.dma_semaphore, #tpu.memory_space<semaphore_mem>>
    %dma_wait3A_763 = tpu.memref_squeeze %dma_wait3A_762 : memref<1x!tpu.dma_semaphore, #tpu.memory_space<semaphore_mem>> -> memref<!tpu.dma_semaphore, #tpu.memory_space<semaphore_mem>>
    %dma_wait3A_764 = arith.constant 0 : i32
    %dma_wait3A_765 = tpu.memref_slice %arg4[%add3A_753, %dma_wait3A_764] : memref<819200x128xf32, #tpu.memory_space<hbm>> -> memref<64x128xf32, #tpu.memory_space<hbm>>
    %dma_wait3A_766 = arith.constant 0 : i32
    %dma_wait3A_767 = arith.constant 0 : i32
    %dma_wait3A_768 = tpu.memref_slice %arg6[%dma_wait3A_754, %dma_wait3A_766, %dma_wait3A_767] : memref<8x64x128xf32, #tpu.memory_space<vmem>> -> memref<1x64x128xf32, #tpu.memory_space<vmem>>
    %dma_wait3A_769 = tpu.memref_squeeze %dma_wait3A_768 : memref<1x64x128xf32, #tpu.memory_space<vmem>> -> memref<64x128xf32, #tpu.memory_space<vmem>>
    tpu.wait_dma2 semaphore(%dma_wait3A_763 : memref<!tpu.dma_semaphore, #tpu.memory_space<semaphore_mem>>) src(%dma_wait3A_769 : memref<64x128xf32, #tpu.memory_space<vmem>>) dst(%dma_wait3A_765 : memref<64x128xf32, #tpu.memory_space<hbm>>)
    %dma_start3A_770 = arith.constant 399 : i32
    %dma_start3A_771 = arith.constant 7 : i32
    %dma_start3A_772 = arith.constant 7 : i32
    %dma_start3A_773 = arith.constant 0 : i32
    %dma_start3A_774 = arith.constant 0 : i32
    %dma_start3A_775 = tpu.memref_slice %arg6[%dma_start3A_771, %dma_start3A_773, %dma_start3A_774] : memref<8x64x128xf32, #tpu.memory_space<vmem>> -> memref<1x64x128xf32, #tpu.memory_space<vmem>>
    %dma_start3A_776 = tpu.memref_squeeze %dma_start3A_775 : memref<1x64x128xf32, #tpu.memory_space<vmem>> -> memref<64x128xf32, #tpu.memory_space<vmem>>
    %dma_start3A_777 = arith.constant 0 : i32
    %dma_start3A_778 = tpu.memref_slice %arg5[%dma_start3A_770, %dma_start3A_777] : memref<400x64xi32, #tpu.memory_space<vmem>> -> memref<1x64xi32, #tpu.memory_space<vmem>>
    %dma_start3A_779 = tpu.memref_squeeze %dma_start3A_778 : memref<1x64xi32, #tpu.memory_space<vmem>> -> memref<64xi32, #tpu.memory_space<vmem>>
    %dma_start3A_780 = arith.constant 0 : i32
    %dma_start3A_781 = arith.constant 0 : i32
    %dma_start3A_782 = tpu.memref_slice %arg3[%dma_start3A_780, %dma_start3A_781] : memref<100000x128xf32, #tpu.memory_space<hbm>> -> memref<100000x128xf32, #tpu.memory_space<hbm>>
    %dma_start3A_783 = tpu.memref_slice %arg7[%dma_start3A_772] : memref<8x!tpu.dma_semaphore, #tpu.memory_space<semaphore_mem>> -> memref<1x!tpu.dma_semaphore, #tpu.memory_space<semaphore_mem>>
    %dma_start3A_784 = tpu.memref_squeeze %dma_start3A_783 : memref<1x!tpu.dma_semaphore, #tpu.memory_space<semaphore_mem>> -> memref<!tpu.dma_semaphore, #tpu.memory_space<semaphore_mem>>
    tpu.enqueue_indirect_dma source(%dma_start3A_782 : memref<100000x128xf32, #tpu.memory_space<hbm>>) target(%dma_start3A_776 : memref<64x128xf32, #tpu.memory_space<vmem>>) offsets(%dma_start3A_779 : memref<64xi32, #tpu.memory_space<vmem>>) semaphore(%dma_start3A_784 : memref<!tpu.dma_semaphore, #tpu.memory_space<semaphore_mem>>)
    %dma_wait3A_785 = arith.constant 396 : i32
    %dma_wait3A_786 = arith.constant 4 : i32
    %dma_wait3A_787 = arith.constant 4 : i32
    %dma_wait3A_788 = arith.constant 0 : i32
    %dma_wait3A_789 = arith.constant 0 : i32
    %dma_wait3A_790 = tpu.memref_slice %arg6[%dma_wait3A_786, %dma_wait3A_788, %dma_wait3A_789] : memref<8x64x128xf32, #tpu.memory_space<vmem>> -> memref<1x64x128xf32, #tpu.memory_space<vmem>>
    %dma_wait3A_791 = tpu.memref_squeeze %dma_wait3A_790 : memref<1x64x128xf32, #tpu.memory_space<vmem>> -> memref<64x128xf32, #tpu.memory_space<vmem>>
    %dma_wait3A_792 = arith.constant 0 : i32
    %dma_wait3A_793 = tpu.memref_slice %arg5[%dma_wait3A_785, %dma_wait3A_792] : memref<400x64xi32, #tpu.memory_space<vmem>> -> memref<1x64xi32, #tpu.memory_space<vmem>>
    %dma_wait3A_794 = tpu.memref_squeeze %dma_wait3A_793 : memref<1x64xi32, #tpu.memory_space<vmem>> -> memref<64xi32, #tpu.memory_space<vmem>>
    %dma_wait3A_795 = arith.constant 0 : i32
    %dma_wait3A_796 = arith.constant 0 : i32
    %dma_wait3A_797 = tpu.memref_slice %arg3[%dma_wait3A_795, %dma_wait3A_796] : memref<100000x128xf32, #tpu.memory_space<hbm>> -> memref<100000x128xf32, #tpu.memory_space<hbm>>
    %dma_wait3A_798 = tpu.memref_slice %arg7[%dma_wait3A_787] : memref<8x!tpu.dma_semaphore, #tpu.memory_space<semaphore_mem>> -> memref<1x!tpu.dma_semaphore, #tpu.memory_space<semaphore_mem>>
    %dma_wait3A_799 = tpu.memref_squeeze %dma_wait3A_798 : memref<1x!tpu.dma_semaphore, #tpu.memory_space<semaphore_mem>> -> memref<!tpu.dma_semaphore, #tpu.memory_space<semaphore_mem>>
    tpu.wait_indirect_dma semaphore(%dma_wait3A_799 : memref<!tpu.dma_semaphore, #tpu.memory_space<semaphore_mem>>) src(%dma_wait3A_797 : memref<100000x128xf32, #tpu.memory_space<hbm>>) dst(%dma_wait3A_791 : memref<64x128xf32, #tpu.memory_space<vmem>>)
    %add3A_800 = arith.constant 25344 : i32
    %add3A_801 = arith.addi %mul3A_2, %add3A_800 : i32
    %dma_start3A_802 = arith.constant 4 : i32
    %dma_start3A_803 = arith.constant 4 : i32
    %dma_start3A_804 = arith.constant 0 : i32
    %dma_start3A_805 = arith.constant 0 : i32
    %dma_start3A_806 = tpu.memref_slice %arg6[%dma_start3A_802, %dma_start3A_804, %dma_start3A_805] : memref<8x64x128xf32, #tpu.memory_space<vmem>> -> memref<1x64x128xf32, #tpu.memory_space<vmem>>
    %dma_start3A_807 = tpu.memref_squeeze %dma_start3A_806 : memref<1x64x128xf32, #tpu.memory_space<vmem>> -> memref<64x128xf32, #tpu.memory_space<vmem>>
    %dma_start3A_808 = arith.constant 0 : i32
    %dma_start3A_809 = tpu.memref_slice %arg4[%add3A_801, %dma_start3A_808] : memref<819200x128xf32, #tpu.memory_space<hbm>> -> memref<64x128xf32, #tpu.memory_space<hbm>>
    %dma_start3A_810 = tpu.memref_slice %arg8[%dma_start3A_803] : memref<8x!tpu.dma_semaphore, #tpu.memory_space<semaphore_mem>> -> memref<1x!tpu.dma_semaphore, #tpu.memory_space<semaphore_mem>>
    %dma_start3A_811 = tpu.memref_squeeze %dma_start3A_810 : memref<1x!tpu.dma_semaphore, #tpu.memory_space<semaphore_mem>> -> memref<!tpu.dma_semaphore, #tpu.memory_space<semaphore_mem>>
    %dma_start3A_812 = arith.constant 0 : i32
    %dma_start3A_813 = tpu.memref_slice %arg4[%add3A_801, %dma_start3A_812] : memref<819200x128xf32, #tpu.memory_space<hbm>> -> memref<64x128xf32, #tpu.memory_space<hbm>>
    %dma_start3A_814 = arith.constant 0 : i32
    %dma_start3A_815 = arith.constant 0 : i32
    %dma_start3A_816 = tpu.memref_slice %arg6[%dma_start3A_802, %dma_start3A_814, %dma_start3A_815] : memref<8x64x128xf32, #tpu.memory_space<vmem>> -> memref<1x64x128xf32, #tpu.memory_space<vmem>>
    %dma_start3A_817 = tpu.memref_squeeze %dma_start3A_816 : memref<1x64x128xf32, #tpu.memory_space<vmem>> -> memref<64x128xf32, #tpu.memory_space<vmem>>
    tpu.enqueue_dma source(%dma_start3A_817 : memref<64x128xf32, #tpu.memory_space<vmem>>) target(%dma_start3A_813 : memref<64x128xf32, #tpu.memory_space<hbm>>) target_semaphore(%dma_start3A_811 : memref<!tpu.dma_semaphore, #tpu.memory_space<semaphore_mem>>)
    %add3A_818 = arith.constant 25088 : i32
    %add3A_819 = arith.addi %mul3A_2, %add3A_818 : i32
    %dma_wait3A_820 = arith.constant 0 : i32
    %dma_wait3A_821 = arith.constant 0 : i32
    %dma_wait3A_822 = arith.constant 0 : i32
    %dma_wait3A_823 = arith.constant 0 : i32
    %dma_wait3A_824 = tpu.memref_slice %arg6[%dma_wait3A_820, %dma_wait3A_822, %dma_wait3A_823] : memref<8x64x128xf32, #tpu.memory_space<vmem>> -> memref<1x64x128xf32, #tpu.memory_space<vmem>>
    %dma_wait3A_825 = tpu.memref_squeeze %dma_wait3A_824 : memref<1x64x128xf32, #tpu.memory_space<vmem>> -> memref<64x128xf32, #tpu.memory_space<vmem>>
    %dma_wait3A_826 = arith.constant 0 : i32
    %dma_wait3A_827 = tpu.memref_slice %arg4[%add3A_819, %dma_wait3A_826] : memref<819200x128xf32, #tpu.memory_space<hbm>> -> memref<64x128xf32, #tpu.memory_space<hbm>>
    %dma_wait3A_828 = tpu.memref_slice %arg8[%dma_wait3A_821] : memref<8x!tpu.dma_semaphore, #tpu.memory_space<semaphore_mem>> -> memref<1x!tpu.dma_semaphore, #tpu.memory_space<semaphore_mem>>
    %dma_wait3A_829 = tpu.memref_squeeze %dma_wait3A_828 : memref<1x!tpu.dma_semaphore, #tpu.memory_space<semaphore_mem>> -> memref<!tpu.dma_semaphore, #tpu.memory_space<semaphore_mem>>
    %dma_wait3A_830 = arith.constant 0 : i32
    %dma_wait3A_831 = tpu.memref_slice %arg4[%add3A_819, %dma_wait3A_830] : memref<819200x128xf32, #tpu.memory_space<hbm>> -> memref<64x128xf32, #tpu.memory_space<hbm>>
    %dma_wait3A_832 = arith.constant 0 : i32
    %dma_wait3A_833 = arith.constant 0 : i32
    %dma_wait3A_834 = tpu.memref_slice %arg6[%dma_wait3A_820, %dma_wait3A_832, %dma_wait3A_833] : memref<8x64x128xf32, #tpu.memory_space<vmem>> -> memref<1x64x128xf32, #tpu.memory_space<vmem>>
    %dma_wait3A_835 = tpu.memref_squeeze %dma_wait3A_834 : memref<1x64x128xf32, #tpu.memory_space<vmem>> -> memref<64x128xf32, #tpu.memory_space<vmem>>
    tpu.wait_dma2 semaphore(%dma_wait3A_829 : memref<!tpu.dma_semaphore, #tpu.memory_space<semaphore_mem>>) src(%dma_wait3A_835 : memref<64x128xf32, #tpu.memory_space<vmem>>) dst(%dma_wait3A_831 : memref<64x128xf32, #tpu.memory_space<hbm>>)
    %dma_wait3A_836 = arith.constant 397 : i32
    %dma_wait3A_837 = arith.constant 5 : i32
    %dma_wait3A_838 = arith.constant 5 : i32
    %dma_wait3A_839 = arith.constant 0 : i32
    %dma_wait3A_840 = arith.constant 0 : i32
    %dma_wait3A_841 = tpu.memref_slice %arg6[%dma_wait3A_837, %dma_wait3A_839, %dma_wait3A_840] : memref<8x64x128xf32, #tpu.memory_space<vmem>> -> memref<1x64x128xf32, #tpu.memory_space<vmem>>
    %dma_wait3A_842 = tpu.memref_squeeze %dma_wait3A_841 : memref<1x64x128xf32, #tpu.memory_space<vmem>> -> memref<64x128xf32, #tpu.memory_space<vmem>>
    %dma_wait3A_843 = arith.constant 0 : i32
    %dma_wait3A_844 = tpu.memref_slice %arg5[%dma_wait3A_836, %dma_wait3A_843] : memref<400x64xi32, #tpu.memory_space<vmem>> -> memref<1x64xi32, #tpu.memory_space<vmem>>
    %dma_wait3A_845 = tpu.memref_squeeze %dma_wait3A_844 : memref<1x64xi32, #tpu.memory_space<vmem>> -> memref<64xi32, #tpu.memory_space<vmem>>
    %dma_wait3A_846 = arith.constant 0 : i32
    %dma_wait3A_847 = arith.constant 0 : i32
    %dma_wait3A_848 = tpu.memref_slice %arg3[%dma_wait3A_846, %dma_wait3A_847] : memref<100000x128xf32, #tpu.memory_space<hbm>> -> memref<100000x128xf32, #tpu.memory_space<hbm>>
    %dma_wait3A_849 = tpu.memref_slice %arg7[%dma_wait3A_838] : memref<8x!tpu.dma_semaphore, #tpu.memory_space<semaphore_mem>> -> memref<1x!tpu.dma_semaphore, #tpu.memory_space<semaphore_mem>>
    %dma_wait3A_850 = tpu.memref_squeeze %dma_wait3A_849 : memref<1x!tpu.dma_semaphore, #tpu.memory_space<semaphore_mem>> -> memref<!tpu.dma_semaphore, #tpu.memory_space<semaphore_mem>>
    tpu.wait_indirect_dma semaphore(%dma_wait3A_850 : memref<!tpu.dma_semaphore, #tpu.memory_space<semaphore_mem>>) src(%dma_wait3A_848 : memref<100000x128xf32, #tpu.memory_space<hbm>>) dst(%dma_wait3A_842 : memref<64x128xf32, #tpu.memory_space<vmem>>)
    %add3A_851 = arith.constant 25408 : i32
    %add3A_852 = arith.addi %mul3A_2, %add3A_851 : i32
    %dma_start3A_853 = arith.constant 5 : i32
    %dma_start3A_854 = arith.constant 5 : i32
    %dma_start3A_855 = arith.constant 0 : i32
    %dma_start3A_856 = arith.constant 0 : i32
    %dma_start3A_857 = tpu.memref_slice %arg6[%dma_start3A_853, %dma_start3A_855, %dma_start3A_856] : memref<8x64x128xf32, #tpu.memory_space<vmem>> -> memref<1x64x128xf32, #tpu.memory_space<vmem>>
    %dma_start3A_858 = tpu.memref_squeeze %dma_start3A_857 : memref<1x64x128xf32, #tpu.memory_space<vmem>> -> memref<64x128xf32, #tpu.memory_space<vmem>>
    %dma_start3A_859 = arith.constant 0 : i32
    %dma_start3A_860 = tpu.memref_slice %arg4[%add3A_852, %dma_start3A_859] : memref<819200x128xf32, #tpu.memory_space<hbm>> -> memref<64x128xf32, #tpu.memory_space<hbm>>
    %dma_start3A_861 = tpu.memref_slice %arg8[%dma_start3A_854] : memref<8x!tpu.dma_semaphore, #tpu.memory_space<semaphore_mem>> -> memref<1x!tpu.dma_semaphore, #tpu.memory_space<semaphore_mem>>
    %dma_start3A_862 = tpu.memref_squeeze %dma_start3A_861 : memref<1x!tpu.dma_semaphore, #tpu.memory_space<semaphore_mem>> -> memref<!tpu.dma_semaphore, #tpu.memory_space<semaphore_mem>>
    %dma_start3A_863 = arith.constant 0 : i32
    %dma_start3A_864 = tpu.memref_slice %arg4[%add3A_852, %dma_start3A_863] : memref<819200x128xf32, #tpu.memory_space<hbm>> -> memref<64x128xf32, #tpu.memory_space<hbm>>
    %dma_start3A_865 = arith.constant 0 : i32
    %dma_start3A_866 = arith.constant 0 : i32
    %dma_start3A_867 = tpu.memref_slice %arg6[%dma_start3A_853, %dma_start3A_865, %dma_start3A_866] : memref<8x64x128xf32, #tpu.memory_space<vmem>> -> memref<1x64x128xf32, #tpu.memory_space<vmem>>
    %dma_start3A_868 = tpu.memref_squeeze %dma_start3A_867 : memref<1x64x128xf32, #tpu.memory_space<vmem>> -> memref<64x128xf32, #tpu.memory_space<vmem>>
    tpu.enqueue_dma source(%dma_start3A_868 : memref<64x128xf32, #tpu.memory_space<vmem>>) target(%dma_start3A_864 : memref<64x128xf32, #tpu.memory_space<hbm>>) target_semaphore(%dma_start3A_862 : memref<!tpu.dma_semaphore, #tpu.memory_space<semaphore_mem>>)
    %add3A_869 = arith.constant 25152 : i32
    %add3A_870 = arith.addi %mul3A_2, %add3A_869 : i32
    %dma_wait3A_871 = arith.constant 1 : i32
    %dma_wait3A_872 = arith.constant 1 : i32
    %dma_wait3A_873 = arith.constant 0 : i32
    %dma_wait3A_874 = arith.constant 0 : i32
    %dma_wait3A_875 = tpu.memref_slice %arg6[%dma_wait3A_871, %dma_wait3A_873, %dma_wait3A_874] : memref<8x64x128xf32, #tpu.memory_space<vmem>> -> memref<1x64x128xf32, #tpu.memory_space<vmem>>
    %dma_wait3A_876 = tpu.memref_squeeze %dma_wait3A_875 : memref<1x64x128xf32, #tpu.memory_space<vmem>> -> memref<64x128xf32, #tpu.memory_space<vmem>>
    %dma_wait3A_877 = arith.constant 0 : i32
    %dma_wait3A_878 = tpu.memref_slice %arg4[%add3A_870, %dma_wait3A_877] : memref<819200x128xf32, #tpu.memory_space<hbm>> -> memref<64x128xf32, #tpu.memory_space<hbm>>
    %dma_wait3A_879 = tpu.memref_slice %arg8[%dma_wait3A_872] : memref<8x!tpu.dma_semaphore, #tpu.memory_space<semaphore_mem>> -> memref<1x!tpu.dma_semaphore, #tpu.memory_space<semaphore_mem>>
    %dma_wait3A_880 = tpu.memref_squeeze %dma_wait3A_879 : memref<1x!tpu.dma_semaphore, #tpu.memory_space<semaphore_mem>> -> memref<!tpu.dma_semaphore, #tpu.memory_space<semaphore_mem>>
    %dma_wait3A_881 = arith.constant 0 : i32
    %dma_wait3A_882 = tpu.memref_slice %arg4[%add3A_870, %dma_wait3A_881] : memref<819200x128xf32, #tpu.memory_space<hbm>> -> memref<64x128xf32, #tpu.memory_space<hbm>>
    %dma_wait3A_883 = arith.constant 0 : i32
    %dma_wait3A_884 = arith.constant 0 : i32
    %dma_wait3A_885 = tpu.memref_slice %arg6[%dma_wait3A_871, %dma_wait3A_883, %dma_wait3A_884] : memref<8x64x128xf32, #tpu.memory_space<vmem>> -> memref<1x64x128xf32, #tpu.memory_space<vmem>>
    %dma_wait3A_886 = tpu.memref_squeeze %dma_wait3A_885 : memref<1x64x128xf32, #tpu.memory_space<vmem>> -> memref<64x128xf32, #tpu.memory_space<vmem>>
    tpu.wait_dma2 semaphore(%dma_wait3A_880 : memref<!tpu.dma_semaphore, #tpu.memory_space<semaphore_mem>>) src(%dma_wait3A_886 : memref<64x128xf32, #tpu.memory_space<vmem>>) dst(%dma_wait3A_882 : memref<64x128xf32, #tpu.memory_space<hbm>>)
    %dma_wait3A_887 = arith.constant 398 : i32
    %dma_wait3A_888 = arith.constant 6 : i32
    %dma_wait3A_889 = arith.constant 6 : i32
    %dma_wait3A_890 = arith.constant 0 : i32
    %dma_wait3A_891 = arith.constant 0 : i32
    %dma_wait3A_892 = tpu.memref_slice %arg6[%dma_wait3A_888, %dma_wait3A_890, %dma_wait3A_891] : memref<8x64x128xf32, #tpu.memory_space<vmem>> -> memref<1x64x128xf32, #tpu.memory_space<vmem>>
    %dma_wait3A_893 = tpu.memref_squeeze %dma_wait3A_892 : memref<1x64x128xf32, #tpu.memory_space<vmem>> -> memref<64x128xf32, #tpu.memory_space<vmem>>
    %dma_wait3A_894 = arith.constant 0 : i32
    %dma_wait3A_895 = tpu.memref_slice %arg5[%dma_wait3A_887, %dma_wait3A_894] : memref<400x64xi32, #tpu.memory_space<vmem>> -> memref<1x64xi32, #tpu.memory_space<vmem>>
    %dma_wait3A_896 = tpu.memref_squeeze %dma_wait3A_895 : memref<1x64xi32, #tpu.memory_space<vmem>> -> memref<64xi32, #tpu.memory_space<vmem>>
    %dma_wait3A_897 = arith.constant 0 : i32
    %dma_wait3A_898 = arith.constant 0 : i32
    %dma_wait3A_899 = tpu.memref_slice %arg3[%dma_wait3A_897, %dma_wait3A_898] : memref<100000x128xf32, #tpu.memory_space<hbm>> -> memref<100000x128xf32, #tpu.memory_space<hbm>>
    %dma_wait3A_900 = tpu.memref_slice %arg7[%dma_wait3A_889] : memref<8x!tpu.dma_semaphore, #tpu.memory_space<semaphore_mem>> -> memref<1x!tpu.dma_semaphore, #tpu.memory_space<semaphore_mem>>
    %dma_wait3A_901 = tpu.memref_squeeze %dma_wait3A_900 : memref<1x!tpu.dma_semaphore, #tpu.memory_space<semaphore_mem>> -> memref<!tpu.dma_semaphore, #tpu.memory_space<semaphore_mem>>
    tpu.wait_indirect_dma semaphore(%dma_wait3A_901 : memref<!tpu.dma_semaphore, #tpu.memory_space<semaphore_mem>>) src(%dma_wait3A_899 : memref<100000x128xf32, #tpu.memory_space<hbm>>) dst(%dma_wait3A_893 : memref<64x128xf32, #tpu.memory_space<vmem>>)
    %add3A_902 = arith.constant 25472 : i32
    %add3A_903 = arith.addi %mul3A_2, %add3A_902 : i32
    %dma_start3A_904 = arith.constant 6 : i32
    %dma_start3A_905 = arith.constant 6 : i32
    %dma_start3A_906 = arith.constant 0 : i32
    %dma_start3A_907 = arith.constant 0 : i32
    %dma_start3A_908 = tpu.memref_slice %arg6[%dma_start3A_904, %dma_start3A_906, %dma_start3A_907] : memref<8x64x128xf32, #tpu.memory_space<vmem>> -> memref<1x64x128xf32, #tpu.memory_space<vmem>>
    %dma_start3A_909 = tpu.memref_squeeze %dma_start3A_908 : memref<1x64x128xf32, #tpu.memory_space<vmem>> -> memref<64x128xf32, #tpu.memory_space<vmem>>
    %dma_start3A_910 = arith.constant 0 : i32
    %dma_start3A_911 = tpu.memref_slice %arg4[%add3A_903, %dma_start3A_910] : memref<819200x128xf32, #tpu.memory_space<hbm>> -> memref<64x128xf32, #tpu.memory_space<hbm>>
    %dma_start3A_912 = tpu.memref_slice %arg8[%dma_start3A_905] : memref<8x!tpu.dma_semaphore, #tpu.memory_space<semaphore_mem>> -> memref<1x!tpu.dma_semaphore, #tpu.memory_space<semaphore_mem>>
    %dma_start3A_913 = tpu.memref_squeeze %dma_start3A_912 : memref<1x!tpu.dma_semaphore, #tpu.memory_space<semaphore_mem>> -> memref<!tpu.dma_semaphore, #tpu.memory_space<semaphore_mem>>
    %dma_start3A_914 = arith.constant 0 : i32
    %dma_start3A_915 = tpu.memref_slice %arg4[%add3A_903, %dma_start3A_914] : memref<819200x128xf32, #tpu.memory_space<hbm>> -> memref<64x128xf32, #tpu.memory_space<hbm>>
    %dma_start3A_916 = arith.constant 0 : i32
    %dma_start3A_917 = arith.constant 0 : i32
    %dma_start3A_918 = tpu.memref_slice %arg6[%dma_start3A_904, %dma_start3A_916, %dma_start3A_917] : memref<8x64x128xf32, #tpu.memory_space<vmem>> -> memref<1x64x128xf32, #tpu.memory_space<vmem>>
    %dma_start3A_919 = tpu.memref_squeeze %dma_start3A_918 : memref<1x64x128xf32, #tpu.memory_space<vmem>> -> memref<64x128xf32, #tpu.memory_space<vmem>>
    tpu.enqueue_dma source(%dma_start3A_919 : memref<64x128xf32, #tpu.memory_space<vmem>>) target(%dma_start3A_915 : memref<64x128xf32, #tpu.memory_space<hbm>>) target_semaphore(%dma_start3A_913 : memref<!tpu.dma_semaphore, #tpu.memory_space<semaphore_mem>>)
    %add3A_920 = arith.constant 25216 : i32
    %add3A_921 = arith.addi %mul3A_2, %add3A_920 : i32
    %dma_wait3A_922 = arith.constant 2 : i32
    %dma_wait3A_923 = arith.constant 2 : i32
    %dma_wait3A_924 = arith.constant 0 : i32
    %dma_wait3A_925 = arith.constant 0 : i32
    %dma_wait3A_926 = tpu.memref_slice %arg6[%dma_wait3A_922, %dma_wait3A_924, %dma_wait3A_925] : memref<8x64x128xf32, #tpu.memory_space<vmem>> -> memref<1x64x128xf32, #tpu.memory_space<vmem>>
    %dma_wait3A_927 = tpu.memref_squeeze %dma_wait3A_926 : memref<1x64x128xf32, #tpu.memory_space<vmem>> -> memref<64x128xf32, #tpu.memory_space<vmem>>
    %dma_wait3A_928 = arith.constant 0 : i32
    %dma_wait3A_929 = tpu.memref_slice %arg4[%add3A_921, %dma_wait3A_928] : memref<819200x128xf32, #tpu.memory_space<hbm>> -> memref<64x128xf32, #tpu.memory_space<hbm>>
    %dma_wait3A_930 = tpu.memref_slice %arg8[%dma_wait3A_923] : memref<8x!tpu.dma_semaphore, #tpu.memory_space<semaphore_mem>> -> memref<1x!tpu.dma_semaphore, #tpu.memory_space<semaphore_mem>>
    %dma_wait3A_931 = tpu.memref_squeeze %dma_wait3A_930 : memref<1x!tpu.dma_semaphore, #tpu.memory_space<semaphore_mem>> -> memref<!tpu.dma_semaphore, #tpu.memory_space<semaphore_mem>>
    %dma_wait3A_932 = arith.constant 0 : i32
    %dma_wait3A_933 = tpu.memref_slice %arg4[%add3A_921, %dma_wait3A_932] : memref<819200x128xf32, #tpu.memory_space<hbm>> -> memref<64x128xf32, #tpu.memory_space<hbm>>
    %dma_wait3A_934 = arith.constant 0 : i32
    %dma_wait3A_935 = arith.constant 0 : i32
    %dma_wait3A_936 = tpu.memref_slice %arg6[%dma_wait3A_922, %dma_wait3A_934, %dma_wait3A_935] : memref<8x64x128xf32, #tpu.memory_space<vmem>> -> memref<1x64x128xf32, #tpu.memory_space<vmem>>
    %dma_wait3A_937 = tpu.memref_squeeze %dma_wait3A_936 : memref<1x64x128xf32, #tpu.memory_space<vmem>> -> memref<64x128xf32, #tpu.memory_space<vmem>>
    tpu.wait_dma2 semaphore(%dma_wait3A_931 : memref<!tpu.dma_semaphore, #tpu.memory_space<semaphore_mem>>) src(%dma_wait3A_937 : memref<64x128xf32, #tpu.memory_space<vmem>>) dst(%dma_wait3A_933 : memref<64x128xf32, #tpu.memory_space<hbm>>)
    %dma_wait3A_938 = arith.constant 399 : i32
    %dma_wait3A_939 = arith.constant 7 : i32
    %dma_wait3A_940 = arith.constant 7 : i32
    %dma_wait3A_941 = arith.constant 0 : i32
    %dma_wait3A_942 = arith.constant 0 : i32
    %dma_wait3A_943 = tpu.memref_slice %arg6[%dma_wait3A_939, %dma_wait3A_941, %dma_wait3A_942] : memref<8x64x128xf32, #tpu.memory_space<vmem>> -> memref<1x64x128xf32, #tpu.memory_space<vmem>>
    %dma_wait3A_944 = tpu.memref_squeeze %dma_wait3A_943 : memref<1x64x128xf32, #tpu.memory_space<vmem>> -> memref<64x128xf32, #tpu.memory_space<vmem>>
    %dma_wait3A_945 = arith.constant 0 : i32
    %dma_wait3A_946 = tpu.memref_slice %arg5[%dma_wait3A_938, %dma_wait3A_945] : memref<400x64xi32, #tpu.memory_space<vmem>> -> memref<1x64xi32, #tpu.memory_space<vmem>>
    %dma_wait3A_947 = tpu.memref_squeeze %dma_wait3A_946 : memref<1x64xi32, #tpu.memory_space<vmem>> -> memref<64xi32, #tpu.memory_space<vmem>>
    %dma_wait3A_948 = arith.constant 0 : i32
    %dma_wait3A_949 = arith.constant 0 : i32
    %dma_wait3A_950 = tpu.memref_slice %arg3[%dma_wait3A_948, %dma_wait3A_949] : memref<100000x128xf32, #tpu.memory_space<hbm>> -> memref<100000x128xf32, #tpu.memory_space<hbm>>
    %dma_wait3A_951 = tpu.memref_slice %arg7[%dma_wait3A_940] : memref<8x!tpu.dma_semaphore, #tpu.memory_space<semaphore_mem>> -> memref<1x!tpu.dma_semaphore, #tpu.memory_space<semaphore_mem>>
    %dma_wait3A_952 = tpu.memref_squeeze %dma_wait3A_951 : memref<1x!tpu.dma_semaphore, #tpu.memory_space<semaphore_mem>> -> memref<!tpu.dma_semaphore, #tpu.memory_space<semaphore_mem>>
    tpu.wait_indirect_dma semaphore(%dma_wait3A_952 : memref<!tpu.dma_semaphore, #tpu.memory_space<semaphore_mem>>) src(%dma_wait3A_950 : memref<100000x128xf32, #tpu.memory_space<hbm>>) dst(%dma_wait3A_944 : memref<64x128xf32, #tpu.memory_space<vmem>>)
    %add3A_953 = arith.constant 25536 : i32
    %add3A_954 = arith.addi %mul3A_2, %add3A_953 : i32
    %dma_start3A_955 = arith.constant 7 : i32
    %dma_start3A_956 = arith.constant 7 : i32
    %dma_start3A_957 = arith.constant 0 : i32
    %dma_start3A_958 = arith.constant 0 : i32
    %dma_start3A_959 = tpu.memref_slice %arg6[%dma_start3A_955, %dma_start3A_957, %dma_start3A_958] : memref<8x64x128xf32, #tpu.memory_space<vmem>> -> memref<1x64x128xf32, #tpu.memory_space<vmem>>
    %dma_start3A_960 = tpu.memref_squeeze %dma_start3A_959 : memref<1x64x128xf32, #tpu.memory_space<vmem>> -> memref<64x128xf32, #tpu.memory_space<vmem>>
    %dma_start3A_961 = arith.constant 0 : i32
    %dma_start3A_962 = tpu.memref_slice %arg4[%add3A_954, %dma_start3A_961] : memref<819200x128xf32, #tpu.memory_space<hbm>> -> memref<64x128xf32, #tpu.memory_space<hbm>>
    %dma_start3A_963 = tpu.memref_slice %arg8[%dma_start3A_956] : memref<8x!tpu.dma_semaphore, #tpu.memory_space<semaphore_mem>> -> memref<1x!tpu.dma_semaphore, #tpu.memory_space<semaphore_mem>>
    %dma_start3A_964 = tpu.memref_squeeze %dma_start3A_963 : memref<1x!tpu.dma_semaphore, #tpu.memory_space<semaphore_mem>> -> memref<!tpu.dma_semaphore, #tpu.memory_space<semaphore_mem>>
    %dma_start3A_965 = arith.constant 0 : i32
    %dma_start3A_966 = tpu.memref_slice %arg4[%add3A_954, %dma_start3A_965] : memref<819200x128xf32, #tpu.memory_space<hbm>> -> memref<64x128xf32, #tpu.memory_space<hbm>>
    %dma_start3A_967 = arith.constant 0 : i32
    %dma_start3A_968 = arith.constant 0 : i32
    %dma_start3A_969 = tpu.memref_slice %arg6[%dma_start3A_955, %dma_start3A_967, %dma_start3A_968] : memref<8x64x128xf32, #tpu.memory_space<vmem>> -> memref<1x64x128xf32, #tpu.memory_space<vmem>>
    %dma_start3A_970 = tpu.memref_squeeze %dma_start3A_969 : memref<1x64x128xf32, #tpu.memory_space<vmem>> -> memref<64x128xf32, #tpu.memory_space<vmem>>
    tpu.enqueue_dma source(%dma_start3A_970 : memref<64x128xf32, #tpu.memory_space<vmem>>) target(%dma_start3A_966 : memref<64x128xf32, #tpu.memory_space<hbm>>) target_semaphore(%dma_start3A_964 : memref<!tpu.dma_semaphore, #tpu.memory_space<semaphore_mem>>)
    %add3A_971 = arith.constant 25280 : i32
    %add3A_972 = arith.addi %mul3A_2, %add3A_971 : i32
    %dma_wait3A_973 = arith.constant 3 : i32
    %dma_wait3A_974 = arith.constant 3 : i32
    %dma_wait3A_975 = arith.constant 0 : i32
    %dma_wait3A_976 = arith.constant 0 : i32
    %dma_wait3A_977 = tpu.memref_slice %arg6[%dma_wait3A_973, %dma_wait3A_975, %dma_wait3A_976] : memref<8x64x128xf32, #tpu.memory_space<vmem>> -> memref<1x64x128xf32, #tpu.memory_space<vmem>>
    %dma_wait3A_978 = tpu.memref_squeeze %dma_wait3A_977 : memref<1x64x128xf32, #tpu.memory_space<vmem>> -> memref<64x128xf32, #tpu.memory_space<vmem>>
    %dma_wait3A_979 = arith.constant 0 : i32
    %dma_wait3A_980 = tpu.memref_slice %arg4[%add3A_972, %dma_wait3A_979] : memref<819200x128xf32, #tpu.memory_space<hbm>> -> memref<64x128xf32, #tpu.memory_space<hbm>>
    %dma_wait3A_981 = tpu.memref_slice %arg8[%dma_wait3A_974] : memref<8x!tpu.dma_semaphore, #tpu.memory_space<semaphore_mem>> -> memref<1x!tpu.dma_semaphore, #tpu.memory_space<semaphore_mem>>
    %dma_wait3A_982 = tpu.memref_squeeze %dma_wait3A_981 : memref<1x!tpu.dma_semaphore, #tpu.memory_space<semaphore_mem>> -> memref<!tpu.dma_semaphore, #tpu.memory_space<semaphore_mem>>
    %dma_wait3A_983 = arith.constant 0 : i32
    %dma_wait3A_984 = tpu.memref_slice %arg4[%add3A_972, %dma_wait3A_983] : memref<819200x128xf32, #tpu.memory_space<hbm>> -> memref<64x128xf32, #tpu.memory_space<hbm>>
    %dma_wait3A_985 = arith.constant 0 : i32
    %dma_wait3A_986 = arith.constant 0 : i32
    %dma_wait3A_987 = tpu.memref_slice %arg6[%dma_wait3A_973, %dma_wait3A_985, %dma_wait3A_986] : memref<8x64x128xf32, #tpu.memory_space<vmem>> -> memref<1x64x128xf32, #tpu.memory_space<vmem>>
    %dma_wait3A_988 = tpu.memref_squeeze %dma_wait3A_987 : memref<1x64x128xf32, #tpu.memory_space<vmem>> -> memref<64x128xf32, #tpu.memory_space<vmem>>
    tpu.wait_dma2 semaphore(%dma_wait3A_982 : memref<!tpu.dma_semaphore, #tpu.memory_space<semaphore_mem>>) src(%dma_wait3A_988 : memref<64x128xf32, #tpu.memory_space<vmem>>) dst(%dma_wait3A_984 : memref<64x128xf32, #tpu.memory_space<hbm>>)
    %add3A_989 = arith.constant 25344 : i32
    %add3A_990 = arith.addi %mul3A_2, %add3A_989 : i32
    %dma_wait3A_991 = arith.constant 4 : i32
    %dma_wait3A_992 = arith.constant 4 : i32
    %dma_wait3A_993 = arith.constant 0 : i32
    %dma_wait3A_994 = arith.constant 0 : i32
    %dma_wait3A_995 = tpu.memref_slice %arg6[%dma_wait3A_991, %dma_wait3A_993, %dma_wait3A_994] : memref<8x64x128xf32, #tpu.memory_space<vmem>> -> memref<1x64x128xf32, #tpu.memory_space<vmem>>
    %dma_wait3A_996 = tpu.memref_squeeze %dma_wait3A_995 : memref<1x64x128xf32, #tpu.memory_space<vmem>> -> memref<64x128xf32, #tpu.memory_space<vmem>>
    %dma_wait3A_997 = arith.constant 0 : i32
    %dma_wait3A_998 = tpu.memref_slice %arg4[%add3A_990, %dma_wait3A_997] : memref<819200x128xf32, #tpu.memory_space<hbm>> -> memref<64x128xf32, #tpu.memory_space<hbm>>
    %dma_wait3A_999 = tpu.memref_slice %arg8[%dma_wait3A_992] : memref<8x!tpu.dma_semaphore, #tpu.memory_space<semaphore_mem>> -> memref<1x!tpu.dma_semaphore, #tpu.memory_space<semaphore_mem>>
    %dma_wait3A_1000 = tpu.memref_squeeze %dma_wait3A_999 : memref<1x!tpu.dma_semaphore, #tpu.memory_space<semaphore_mem>> -> memref<!tpu.dma_semaphore, #tpu.memory_space<semaphore_mem>>
    %dma_wait3A_1001 = arith.constant 0 : i32
    %dma_wait3A_1002 = tpu.memref_slice %arg4[%add3A_990, %dma_wait3A_1001] : memref<819200x128xf32, #tpu.memory_space<hbm>> -> memref<64x128xf32, #tpu.memory_space<hbm>>
    %dma_wait3A_1003 = arith.constant 0 : i32
    %dma_wait3A_1004 = arith.constant 0 : i32
    %dma_wait3A_1005 = tpu.memref_slice %arg6[%dma_wait3A_991, %dma_wait3A_1003, %dma_wait3A_1004] : memref<8x64x128xf32, #tpu.memory_space<vmem>> -> memref<1x64x128xf32, #tpu.memory_space<vmem>>
    %dma_wait3A_1006 = tpu.memref_squeeze %dma_wait3A_1005 : memref<1x64x128xf32, #tpu.memory_space<vmem>> -> memref<64x128xf32, #tpu.memory_space<vmem>>
    tpu.wait_dma2 semaphore(%dma_wait3A_1000 : memref<!tpu.dma_semaphore, #tpu.memory_space<semaphore_mem>>) src(%dma_wait3A_1006 : memref<64x128xf32, #tpu.memory_space<vmem>>) dst(%dma_wait3A_1002 : memref<64x128xf32, #tpu.memory_space<hbm>>)
    %add3A_1007 = arith.constant 25408 : i32
    %add3A_1008 = arith.addi %mul3A_2, %add3A_1007 : i32
    %dma_wait3A_1009 = arith.constant 5 : i32
    %dma_wait3A_1010 = arith.constant 5 : i32
    %dma_wait3A_1011 = arith.constant 0 : i32
    %dma_wait3A_1012 = arith.constant 0 : i32
    %dma_wait3A_1013 = tpu.memref_slice %arg6[%dma_wait3A_1009, %dma_wait3A_1011, %dma_wait3A_1012] : memref<8x64x128xf32, #tpu.memory_space<vmem>> -> memref<1x64x128xf32, #tpu.memory_space<vmem>>
    %dma_wait3A_1014 = tpu.memref_squeeze %dma_wait3A_1013 : memref<1x64x128xf32, #tpu.memory_space<vmem>> -> memref<64x128xf32, #tpu.memory_space<vmem>>
    %dma_wait3A_1015 = arith.constant 0 : i32
    %dma_wait3A_1016 = tpu.memref_slice %arg4[%add3A_1008, %dma_wait3A_1015] : memref<819200x128xf32, #tpu.memory_space<hbm>> -> memref<64x128xf32, #tpu.memory_space<hbm>>
    %dma_wait3A_1017 = tpu.memref_slice %arg8[%dma_wait3A_1010] : memref<8x!tpu.dma_semaphore, #tpu.memory_space<semaphore_mem>> -> memref<1x!tpu.dma_semaphore, #tpu.memory_space<semaphore_mem>>
    %dma_wait3A_1018 = tpu.memref_squeeze %dma_wait3A_1017 : memref<1x!tpu.dma_semaphore, #tpu.memory_space<semaphore_mem>> -> memref<!tpu.dma_semaphore, #tpu.memory_space<semaphore_mem>>
    %dma_wait3A_1019 = arith.constant 0 : i32
    %dma_wait3A_1020 = tpu.memref_slice %arg4[%add3A_1008, %dma_wait3A_1019] : memref<819200x128xf32, #tpu.memory_space<hbm>> -> memref<64x128xf32, #tpu.memory_space<hbm>>
    %dma_wait3A_1021 = arith.constant 0 : i32
    %dma_wait3A_1022 = arith.constant 0 : i32
    %dma_wait3A_1023 = tpu.memref_slice %arg6[%dma_wait3A_1009, %dma_wait3A_1021, %dma_wait3A_1022] : memref<8x64x128xf32, #tpu.memory_space<vmem>> -> memref<1x64x128xf32, #tpu.memory_space<vmem>>
    %dma_wait3A_1024 = tpu.memref_squeeze %dma_wait3A_1023 : memref<1x64x128xf32, #tpu.memory_space<vmem>> -> memref<64x128xf32, #tpu.memory_space<vmem>>
    tpu.wait_dma2 semaphore(%dma_wait3A_1018 : memref<!tpu.dma_semaphore, #tpu.memory_space<semaphore_mem>>) src(%dma_wait3A_1024 : memref<64x128xf32, #tpu.memory_space<vmem>>) dst(%dma_wait3A_1020 : memref<64x128xf32, #tpu.memory_space<hbm>>)
    %add3A_1025 = arith.constant 25472 : i32
    %add3A_1026 = arith.addi %mul3A_2, %add3A_1025 : i32
    %dma_wait3A_1027 = arith.constant 6 : i32
    %dma_wait3A_1028 = arith.constant 6 : i32
    %dma_wait3A_1029 = arith.constant 0 : i32
    %dma_wait3A_1030 = arith.constant 0 : i32
    %dma_wait3A_1031 = tpu.memref_slice %arg6[%dma_wait3A_1027, %dma_wait3A_1029, %dma_wait3A_1030] : memref<8x64x128xf32, #tpu.memory_space<vmem>> -> memref<1x64x128xf32, #tpu.memory_space<vmem>>
    %dma_wait3A_1032 = tpu.memref_squeeze %dma_wait3A_1031 : memref<1x64x128xf32, #tpu.memory_space<vmem>> -> memref<64x128xf32, #tpu.memory_space<vmem>>
    %dma_wait3A_1033 = arith.constant 0 : i32
    %dma_wait3A_1034 = tpu.memref_slice %arg4[%add3A_1026, %dma_wait3A_1033] : memref<819200x128xf32, #tpu.memory_space<hbm>> -> memref<64x128xf32, #tpu.memory_space<hbm>>
    %dma_wait3A_1035 = tpu.memref_slice %arg8[%dma_wait3A_1028] : memref<8x!tpu.dma_semaphore, #tpu.memory_space<semaphore_mem>> -> memref<1x!tpu.dma_semaphore, #tpu.memory_space<semaphore_mem>>
    %dma_wait3A_1036 = tpu.memref_squeeze %dma_wait3A_1035 : memref<1x!tpu.dma_semaphore, #tpu.memory_space<semaphore_mem>> -> memref<!tpu.dma_semaphore, #tpu.memory_space<semaphore_mem>>
    %dma_wait3A_1037 = arith.constant 0 : i32
    %dma_wait3A_1038 = tpu.memref_slice %arg4[%add3A_1026, %dma_wait3A_1037] : memref<819200x128xf32, #tpu.memory_space<hbm>> -> memref<64x128xf32, #tpu.memory_space<hbm>>
    %dma_wait3A_1039 = arith.constant 0 : i32
    %dma_wait3A_1040 = arith.constant 0 : i32
    %dma_wait3A_1041 = tpu.memref_slice %arg6[%dma_wait3A_1027, %dma_wait3A_1039, %dma_wait3A_1040] : memref<8x64x128xf32, #tpu.memory_space<vmem>> -> memref<1x64x128xf32, #tpu.memory_space<vmem>>
    %dma_wait3A_1042 = tpu.memref_squeeze %dma_wait3A_1041 : memref<1x64x128xf32, #tpu.memory_space<vmem>> -> memref<64x128xf32, #tpu.memory_space<vmem>>
    tpu.wait_dma2 semaphore(%dma_wait3A_1036 : memref<!tpu.dma_semaphore, #tpu.memory_space<semaphore_mem>>) src(%dma_wait3A_1042 : memref<64x128xf32, #tpu.memory_space<vmem>>) dst(%dma_wait3A_1038 : memref<64x128xf32, #tpu.memory_space<hbm>>)
    %add3A_1043 = arith.constant 25536 : i32
    %add3A_1044 = arith.addi %mul3A_2, %add3A_1043 : i32
    %dma_wait3A_1045 = arith.constant 7 : i32
    %dma_wait3A_1046 = arith.constant 7 : i32
    %dma_wait3A_1047 = arith.constant 0 : i32
    %dma_wait3A_1048 = arith.constant 0 : i32
    %dma_wait3A_1049 = tpu.memref_slice %arg6[%dma_wait3A_1045, %dma_wait3A_1047, %dma_wait3A_1048] : memref<8x64x128xf32, #tpu.memory_space<vmem>> -> memref<1x64x128xf32, #tpu.memory_space<vmem>>
    %dma_wait3A_1050 = tpu.memref_squeeze %dma_wait3A_1049 : memref<1x64x128xf32, #tpu.memory_space<vmem>> -> memref<64x128xf32, #tpu.memory_space<vmem>>
    %dma_wait3A_1051 = arith.constant 0 : i32
    %dma_wait3A_1052 = tpu.memref_slice %arg4[%add3A_1044, %dma_wait3A_1051] : memref<819200x128xf32, #tpu.memory_space<hbm>> -> memref<64x128xf32, #tpu.memory_space<hbm>>
    %dma_wait3A_1053 = tpu.memref_slice %arg8[%dma_wait3A_1046] : memref<8x!tpu.dma_semaphore, #tpu.memory_space<semaphore_mem>> -> memref<1x!tpu.dma_semaphore, #tpu.memory_space<semaphore_mem>>
    %dma_wait3A_1054 = tpu.memref_squeeze %dma_wait3A_1053 : memref<1x!tpu.dma_semaphore, #tpu.memory_space<semaphore_mem>> -> memref<!tpu.dma_semaphore, #tpu.memory_space<semaphore_mem>>
    %dma_wait3A_1055 = arith.constant 0 : i32
    %dma_wait3A_1056 = tpu.memref_slice %arg4[%add3A_1044, %dma_wait3A_1055] : memref<819200x128xf32, #tpu.memory_space<hbm>> -> memref<64x128xf32, #tpu.memory_space<hbm>>
    %dma_wait3A_1057 = arith.constant 0 : i32
    %dma_wait3A_1058 = arith.constant 0 : i32
    %dma_wait3A_1059 = tpu.memref_slice %arg6[%dma_wait3A_1045, %dma_wait3A_1057, %dma_wait3A_1058] : memref<8x64x128xf32, #tpu.memory_space<vmem>> -> memref<1x64x128xf32, #tpu.memory_space<vmem>>
    %dma_wait3A_1060 = tpu.memref_squeeze %dma_wait3A_1059 : memref<1x64x128xf32, #tpu.memory_space<vmem>> -> memref<64x128xf32, #tpu.memory_space<vmem>>
    tpu.wait_dma2 semaphore(%dma_wait3A_1054 : memref<!tpu.dma_semaphore, #tpu.memory_space<semaphore_mem>>) src(%dma_wait3A_1060 : memref<64x128xf32, #tpu.memory_space<vmem>>) dst(%dma_wait3A_1056 : memref<64x128xf32, #tpu.memory_space<hbm>>)
    return
  }
}

</mosaic_0001>

<sc_bundles>
// kernel: kernel.3.cloned.1.call-start
scs
__scs_entry_jumppad:
0x0: {  	(pc) =	sbr.rel $0x88, $3  }
0x1: {  	(tag) =	ssettag $0x0;
	lr =	simm.s32 $0x1  }
0x2: {  	[smem:$0x3F9F] =	sst lr;
	_ =	strace $0xD0000000  }
0x3: {  	_ = 	snop  }
0x4: {  	_ = 	snop  }
0x5: {  	_ = 	snop  }
0x6: {  	_ = 	snop  }
0x7: {  	_ = 	snop  }
__scs_overlays_trampoline_lowered:
0x8: {  	[smem:$0x3FAE] =	sst s0  }
0x9: {  	[smem:$0x3FAF] =	sst s1  }
0xa: {  	[smem:$0x3FB0] =	sst s2  }
0xb: {  	[smem:$0x3FB1] =	sst s3  }
0xc: {  	[smem:$0x3FB2] =	sst s4  }
0xd: {  	[smem:$0x3FB3] =	sst s5  }
0xe: {  	[smem:$0x3FB4] =	sst s6  }
0xf: {  	[smem:$0x3FB5] =	sst s7  }
0x10: {  	[smem:$0x3FB6] =	sst s8  }
0x11: {  	[smem:$0x3FB7] =	sst s9;
	s0 =	simm.s32 @!p0 $0x0  }
0x12: {  	s1 =	sld [smem:$0x3F9D];
	s0 =	simm.s32 @p0 $0x1  }
0x13: {  	[smem:$0x3FB8] =	sst s0;
	s0 =	simm.s32 @!p1 $0x0  }
0x14: {  	s2 =	sld [smem:$0x3F9C];
	s0 =	simm.s32 @p1 $0x1  }
0x15: {  	[smem:$0x3FB9] =	sst s0;
	s0 =	simm.s32 @!p2 $0x0  }
0x16: {  	s3 =	sld [smem:$0x3FDB];
	s0 =	simm.s32 @p2 $0x1  }
0x17: {  	s4 =	simm.s32 $0x1BF5;
	[smem:$0x3FBB] =	sst s0  }
0x18: {  	s0 =	sld [smem:$0x3F9E];
	_ =	swait.ge [sflag:s4], $0x0  }
0x19: {  	s7 =	sld [smem:$0x3F9F]  }
0x1a: {  	s8 =	sadd.s32 $0xFFFFE003, lr  }
0x1b: {  	s9 =	sadd.s32 $0xFFFFFEF7, lr;
	s5 =	simm.s32 $0xFFFFFFFF;
	p2 =	slt.u32 s8, $0xFFFFF086  }
0x1c: {  	p1 =	slt.u32 s9, $0xF7A;
	s5 =	simm.s32 @!p2 $0x0  }
0x1d: {  	s5 =	simm.s32 @p1 $0x1;
	p0 =	seq.s32 s7, s2  }
0x1e: {  	s7 =	smul.u32 @!p0 $0xF7A, s2;
	p2 =	seq.s32 @!p0 s5, $0x0  }
0x1f: {  	s9 =	smul.u32 $0xF7A, s1;
	s8 =	simm.s32 @!p0 $0x1BF5;
	p2 =	por !p2, p0  }
0x20: {  	[sflag:s8] =	ssyncset.s32 @!p0 $0xFFFFF086;
	s6 =	sadd.s32 @!p0 s3, s7;
	s7 =	simm.s32 @!p0 $0x108  }
0x21: {  	s3 =	sadd.s32 s3, s9;
	s6 =	sadd.s32 @!p0 $0x88, s6;
	s7 =	simm.s32 @p2 $0x1082  }
0x22: {  	[simem:s7], [sflag:s8] =	dma.local @!p0 [hbm:s6], $0xF7A  }
0x23: {  	s9 =	sor.u32 $0xD0000000, s2;
	s6 =	simm.s32 $0x108;
	_ =	swait.ge @!p0 [sflag:s8], $0x0  }
0x24: {  	s3 =	sadd.s32 $0x88, s3;
	s6 =	simm.s32 @!p1 $0x1082;
	[sflag:s4] =	ssyncset.s32 $0xFFFFF086  }
0x25: {  	[simem:s6], [sflag:s4] =	dma.local [hbm:s3], $0xF7A  }
0x26: {  	[smem:$0x3F9F] =	sst s1;
	(tag) =	ssettag s2;
	_ =	strace s9  }
0x27: {  	s1 =	sld [smem:$0x3FAF]  }
0x28: {  	s2 =	sld [smem:$0x3FB0]  }
0x29: {  	s4 =	sld [smem:$0x3FB2]  }
0x2a: {  	p0 =	seq.s32 s5, $0x0;
	s5 =	sld [smem:$0x3FB3]  }
0x2b: {  	s6 =	sld [smem:$0x3FB4]  }
0x2c: {  	s7 =	sld [smem:$0x3FB5]  }
0x2d: {  	s3 =	simm.s32 $0x108;
	s8 =	sld [smem:$0x3FB6]  }
0x2e: {  	s3 =	simm.s32 @!p0 $0x1082;
	s9 =	sld [smem:$0x3FB7]  }
0x2f: {  	lr =	sadd.s32 s0, s3;
	s0 =	sld [smem:$0x3FAE]  }
0x30: {  	s3 =	sld [smem:$0x3FB1]  }
0x31: {  	[smem:$0x3FBA] =	sst s10  }
0x32: {  	s10 =	sld [smem:$0x3FB8];
	_ =	sdelay $0x3  }
0x33: {  	p0 =	seq.s32 s10, $0x1;
	s10 =	sld [smem:$0x3FBA];
	_ =	sdelay $0x3  }
0x34: {  	[smem:$0x3FBA] =	sst s10  }
0x35: {  	s10 =	sld [smem:$0x3FB9];
	_ =	sdelay $0x3  }
0x36: {  	p1 =	seq.s32 s10, $0x1;
	s10 =	sld [smem:$0x3FBA];
	_ =	sdelay $0x3  }
0x37: {  	[smem:$0x3FBA] =	sst s10  }
0x38: {  	s10 =	sld [smem:$0x3FBB]  }
0x39: {  	_ = 	snop;
	(pc) =	sbr.ind lr, $3  }
0x3a: {  	_ = 	snop  }
0x3b: {  	_ = 	snop  }
0x3c: {  	p2 =	seq.s32 s10, $0x1;
	s10 =	sld [smem:$0x3FBA]  }
0x3d: {  	_ =	shalt  }
0x3e: {  	_ =	shalt  }
0x3f: {  	_ =	shalt  }
0x40: {  	_ =	shalt  }
0x41: {  	_ =	shalt  }
0x42: {  	_ =	shalt  }
0x43: {  	_ =	shalt  }
0x44: {  	_ =	shalt  }
0x45: {  	_ =	shalt  }
0x46: {  	_ =	shalt  }
0x47: {  	_ =	shalt  }
0x48: {  	_ =	shalt  }
0x49: {  	_ =	shalt  }
0x4a: {  	_ =	shalt  }
0x4b: {  	_ =	shalt  }
0x4c: {  	_ =	shalt  }
0x4d: {  	_ =	shalt  }
0x4e: {  	_ =	shalt  }
0x4f: {  	_ =	shalt  }
0x50: {  	_ =	shalt  }
0x51: {  	_ =	shalt  }
0x52: {  	_ =	shalt  }
0x53: {  	_ =	shalt  }
0x54: {  	_ =	shalt  }
0x55: {  	_ =	shalt  }
0x56: {  	_ =	shalt  }
0x57: {  	_ =	shalt  }
0x58: {  	_ =	shalt  }
0x59: {  	_ =	shalt  }
0x5a: {  	_ =	shalt  }
0x5b: {  	_ =	shalt  }
0x5c: {  	_ =	shalt  }
0x5d: {  	_ =	shalt  }
0x5e: {  	_ =	shalt  }
0x5f: {  	_ =	shalt  }
0x60: {  	_ =	shalt  }
0x61: {  	_ =	shalt  }
0x62: {  	_ =	shalt  }
0x63: {  	_ =	shalt  }
0x64: {  	_ =	shalt  }
0x65: {  	_ =	shalt  }
0x66: {  	_ =	shalt  }
0x67: {  	_ =	shalt  }
0x68: {  	_ =	shalt  }
0x69: {  	_ =	shalt  }
0x6a: {  	_ =	shalt  }
0x6b: {  	_ =	shalt  }
0x6c: {  	_ =	shalt  }
0x6d: {  	_ =	shalt  }
0x6e: {  	_ =	shalt  }
0x6f: {  	_ =	shalt  }
0x70: {  	_ =	shalt  }
0x71: {  	_ =	shalt  }
0x72: {  	_ =	shalt  }
0x73: {  	_ =	shalt  }
0x74: {  	_ =	shalt  }
0x75: {  	_ =	shalt  }
0x76: {  	_ =	shalt  }
0x77: {  	_ =	shalt  }
0x78: {  	_ =	shalt  }
0x79: {  	_ =	shalt  }
0x7a: {  	_ =	shalt  }
0x7b: {  	_ =	shalt  }
0x7c: {  	_ =	shalt  }
0x7d: {  	_ =	shalt  }
0x7e: {  	_ =	shalt  }
0x7f: {  	_ =	shalt  }
0x80: {  	_ =	shalt  }
0x81: {  	_ =	shalt  }
0x82: {  	_ =	shalt  }
0x83: {  	_ =	shalt  }
0x84: {  	_ =	shalt  }
0x85: {  	_ =	shalt  }
0x86: {  	_ =	shalt  }
0x87: {  	_ =	shalt  }
.Lfunc_end0:
.L_simem_size_0:
called_computation_lowered:
.L_overlay_start_0:
0x88: {  	s2 =	sld [smem:$0x3FD9]  }
0x89: {  	s3 =	sld [smem:$0x3FFE];
	_ =	sdelay $0x1  }
0x8a: {  	s1 =	srdreg.scid  }
0x8b: {  	s0 =	sand.u32 $0x1, s1  }
0x8c: {  	s17 =	sshll.u32 s0, $0xA;
	s2 =	sadd.s32 s3, s2  }
0x8d: {  	s2 =	sadd.s32 s2, s17  }
0x8e: {  	[smem:$0x3FC6] =	sst s2  }
0x8f: {  	_ = 	snop  }
0x90: {  	s2 =	sld [smem:$0x3FC8]  }
0x91: {  	s18 =	sld [smem:$0x3FD0];
	(tm) =	ssettm $0x1  }
0x92: {  	s4 =	sld [smem:$0x3FFB];
	_ =	sdelay $0x3  }
0x93: {  	_ =	strace s4  }
0x94: {  	s4 =	sld [smem:$0x3FFC];
	_ =	sdelay $0x3  }
0x95: {  	_ =	strace s4  }
0x96: {  	s4 =	sld [smem:$0x3FFD];
	_ =	sdelay $0x3  }
0x97: {  	_ =	strace s4  }
0x98: {  	_ =	strace $0x8FFFFFFF  }
0x99: {  	s19 =	sld [smem:$0x3FDB];
	_ =	sdelay $0x1  }
0x9a: {  	s5 =	simm.s32 $_scs_section_size  }
0x9b: {  	s6 =	simm.s32 $_size__tile_overlayer_lowered;
	s7 =	simm.s32 $_tile_overlayer_lowered  }
0x9c: {  	s22 =	simm.s32 $0x1BFF;
	s21 =	sshll.u32 s7, $0x1;
	s4 =	sadd.s32 s5, s19  }
0x9d: {  	s8 =	simm.s32 $0x0;
	s20 =	sshll.u32 s6, $0x1;
	s6 =	sadd.s32 s21, s4  }
0x9e: {  	[timem:s8], [sflag:s22] =	dma.local [hbm:s6], s20  }
0x9f: {  	_ =	swait.ge [sflag:s22], s20  }
0xa0: {  	s5 =	ssub.s32 $0x0, s20;
	[sflag:s22] =	ssyncset.done $0x0  }
0xa1: {  	[sflag:s22] =	ssyncadd.s32 s5;
	_ =	sdelay $0x1  }
0xa2: {  	s23 =	simm.s32 $0x1B8B  }
0xa3: {  	_ =	swait.ge [sflag:s23], $0x1  }
0xa4: {  	[sflag:s23] =	ssyncset.done $0x0  }
0xa5: {  	s25 =	simm.s32 $0x1B8E;
	s24 =	sld [smem:$0x3FFE];
	[sflag:s23] =	ssyncadd.s32 $0xFFFFFFFF  }
0xa6: {  	s26 =	simm.s32 $execute0_lowered;
	[smem:$0x3FD2] =	sst s25  }
0xa7: {  	s6 =	sshll.u32 s26, $0x1;
	_ =	strace $0x80000046;
	[dreg:$0x1] =	wrdreg $0xFFFFFFFF  }
0xa8: {  	s28 =	simm.s32 $_size_execute0_lowered;
	s4 =	sadd.s32 s4, s6;
	[dreg:$0x0] =	wrdreg $0x0  }
0xa9: {  	s6 =	sshll.u32 s28, $0x1;
	[dreg:$0x2] =	wrdreg s4  }
0xaa: {  	[dreg:$0x3] =	wrdreg s6  }
0xab: {  	[dreg:$0x4] =	wrdreg $0xC0  }
0xac: {  	_ =	task [dreg:s8], $0x5FFFF  }
0xad: {  	[dreg:$0x1] =	wrdreg $0xFFFFFFFF  }
0xae: {  	[dreg:$0x0] =	wrdreg $0x60  }
0xaf: {  	[dreg:$0x2] =	wrdreg s24  }
0xb0: {  	[dreg:$0x3] =	wrdreg s2  }
0xb1: {  	[dreg:$0x4] =	wrdreg s18  }
0xb2: {  	[dreg:$0x5] =	wrdreg $0x9  }
0xb3: {  	_ =	task.clear_ibuf [dreg:s8], $0x6FFFF;
	_ =	strace $0x90000046  }
0xb4: {  	s29 =	simm.s32 $0x9;
	_ =	strace $0x80000048  }
0xb5: {  	_ =	swait.ge [sflag:s29], $0x1  }
0xb6: {  	[sflag:s29] =	ssyncadd.s32 $0xFFFFFFFF  }
0xb7: {  	_ =	strace $0x90000048  }
0xb8: {  	_ =	sfence  }
0xb9: {  	s30 =	sld [smem:$0x0];
	_ =	sdelay $0x2  }
0xba: {  	s31 =	sshll.u32 s1, $0xD;
	s1 =	sshrl.u32 s1, $0x2  }
0xbb: {  	s3 =	sand.u32 $0x4000, s31;
	s1 =	sadd.s32 s1, s30  }
0xbc: {  	s0 =	sor.u32 s3, s0;
	s1 =	sshll.u32 s1, $0x11  }
0xbd: {  	s0 =	sor.u32 s1, s0  }
0xbe: {  	s0 =	sadd.s32 $0x8F2B, s0  }
0xbf: {  	[sflag:s0] =	ssyncadd.remote.s32 $0x1  }
0xc0: {  	_ =	sfence.sel $0xFFFF  }
0xc1: {  	[dreg:$0x0] =	wrdreg $0xFFFFFFFF;
	(pc) =	sbr.abs _section_cstart, $3  }
0xc2: {  	[dreg:$0x1] =	wrdreg $0xFFFFFFFF  }
0xc3: {  	_ =	task.clear_ibuf [dreg:s8], $0x2FFFF;
	_ =	strace $0x9FFFFFFF  }
0xc4: {  	(tm) =	ssettm $0x7FFFFFFF  }
0xc5: {  	_ =	shalt  }
tec
execute0_lowered:
.L_overlay_start_1:
0x0: {  	(tag) =	ssettag $0x1  }
0x1: {  	s1 =	srdreg.scid;
	s9 =	stileid.u32  }
0x2: {  	s1 =	sand.u32 $0x1, s1;
	s11 =	smul.u32 $0xC8000, s9  }
0x3: {  	s0 =	rddreg [dreg:$0x0];
	s3 =	sshll.u32 s9, $0x1;
	s15 =	smul.u32 $0x320000, s1  }
0x4: {  	s3 =	sor.u32 s1, s3;
	s6 =	ssub.s32 $0x2, s1;
	s1 =	smul.u32 $0x64000, s1  }
0x5: {  	s2 =	rddreg [dreg:$0x1];
	s4 =	simm.s32 $0x0;
	s5 =	smul.u32 $0x1900, s3  }
0x6: {  	[smem:$0x7FF] =	sst s4;
	s7 =	smul.u32 $0x64000, s3  }
0x7: {  	s10 =	rddreg [dreg:$0x2];
	_ =	strace $0x80000047;
	s1 =	sadd.s32 s1, s11  }
0x8: {  	s0 =	sadd.s32 s5, s0;
	s7 =	sadd.s32 s10, s7;
	[dreg:$0x4] =	wrdreg s1  }
0x9: {  	s0 =	sadd.s32 $0x400, s0;
	[dreg:$0x9] =	wrdreg s7  }
0xa: {  	s28 =	sadd.s32 $0x400, s7;
	[dreg:$0xa] =	wrdreg s0  }
0xb: {  	s30 =	sadd.s32 $0x800, s7;
	[dreg:$0xb] =	wrdreg s28  }
0xc: {  	s8 =	sshrl.u32 s6, $0x1;
	s31 =	sadd.s32 $0xC00, s7;
	[dreg:$0xc] =	wrdreg s30  }
0xd: {  	s5 =	ssub.s32 s6, s8;
	s6 =	sadd.s32 $0x1000, s7;
	[dreg:$0xd] =	wrdreg s31  }
0xe: {  	s13 =	smul.u32 $0x640000, s9;
	s8 =	sadd.s32 $0x1400, s7;
	[dreg:$0xe] =	wrdreg s6  }
0xf: {  	s29 =	smul.u32 $0x320000, s3;
	s12 =	sadd.s32 $0x1800, s7;
	[dreg:$0xf] =	wrdreg s8  }
0x10: {  	s9 =	simm.s32 $0x4;
	s7 =	sadd.s32 $0x1C00, s7;
	[dreg:$0x10] =	wrdreg s12  }
0x11: {  	s11 =	simm.s32 $0x9;
	s0 =	sshrl.u32 s29, $0x3;
	[dreg:$0x11] =	wrdreg s7  }
0x12: {  	s6 =	sadd.s32 s15, s13;
	s31 =	smax.u32 s5, $0x1;
	s0 =	sadd.s32 s10, s0  }
0x13: {  	s7 =	simm.s32 $0x2;
	[dreg:$0x1a] =	wrdreg s31;
	s14 =	sadd.s32 $0x62000, s0  }
0x14: {  	s8 =	simm.s32 $0x3;
	s16 =	sadd.s32 $0x62400, s0;
	[dreg:$0x12] =	wrdreg s14  }
0x15: {  	s12 =	simm.s32 $0x6;
	s17 =	sadd.s32 $0x62800, s0;
	[dreg:$0x13] =	wrdreg s16  }
0x16: {  	s13 =	simm.s32 $0xA;
	s18 =	sadd.s32 $0x62C00, s0;
	[dreg:$0x14] =	wrdreg s17  }
0x17: {  	s15 =	simm.s32 $0xB;
	s19 =	sadd.s32 $0x63000, s0;
	[dreg:$0x15] =	wrdreg s18  }
0x18: {  	s21 =	sor.u32 $0x18000, s6;
	s20 =	sadd.s32 $0x63400, s0;
	[dreg:$0x16] =	wrdreg s19  }
0x19: {  	s23 =	sor.u32 $0x1A000, s6;
	s22 =	sshrl.u32 s21, $0x3;
	[dreg:$0x17] =	wrdreg s20  }
0x1a: {  	s25 =	sor.u32 $0x1C000, s6;
	s24 =	sshrl.u32 s23, $0x3;
	[dreg:$0x5] =	wrdreg s22  }
0x1b: {  	s28 =	sor.u32 $0x1E000, s6;
	s29 =	sadd.s32 $0x63800, s0;
	[dreg:$0x6] =	wrdreg s24  }
0x1c: {  	s6 =	simm.s32 $0x1;
	s26 =	sshrl.u32 s25, $0x3;
	[dreg:$0x18] =	wrdreg s29  }
0x1d: {  	s10 =	simm.s32 $0x5;
	s0 =	sadd.s32 $0x63C00, s0;
	[dreg:$0x7] =	wrdreg s26  }
0x1e: {  	s30 =	sshrl.u32 s28, $0x3;
	s21 =	simm.s32 $0x10;
	[dreg:$0x19] =	wrdreg s0  }
0x1f: {  	[dreg:$0x8] =	wrdreg s30;
	s24 =	simm.s32 $0x40;
	s14 =	simm.s32 $0x7  }
0x20: {  	s16 =	simm.s32 $0x8;
	s17 =	simm.s32 $0xC;
	s18 =	simm.s32 $0xD  }
0x21: {  	s19 =	simm.s32 $0xE;
	s20 =	simm.s32 $0xF;
	s0 =	simm.s32 $0x0  }
.LBB2_1:
0x22: {  	[dreg:$0x1b] =	wrdreg s0  }
0x23: {  	s3 =	rddreg [dreg:$0xa];
	s29 =	simm.s32 $0x11  }
0x24: {  	[tilespmem:s4], [sflag:$0x11] =	stream.linear.gather [hbm4b:s3+s4], $0xC800, $0x38;
	[tilespmem:$0x1C800] =	vst v63  }
0x25: {  	_ =	swait.ge [sflag:s29], $0xC800  }
0x26: {  	[sflag:s29] =	ssyncset.done $0x0  }
0x27: {  	s23 =	simm.s32 $0xC800;
	[sflag:s29] =	ssyncadd.s32 $0xFFFF3800  }
0x28: {  	[tilespmem:s23], [sflag:$0x1] =	stream.indirect.gather [hbm4b:s2+s24], $0x80, s4, s24, $0xb8;
	[tilespmem:$0x1C800] =	vst v63  }
0x29: {  	s30 =	simm.s32 $0x80;
	s25 =	simm.s32 $0xE800  }
0x2a: {  	[tilespmem:s25], [sflag:$0x2] =	stream.indirect.gather [hbm4b:s2+s24], $0x80, s30, s24, $0xb8;
	[tilespmem:$0x1C800] =	vst v63  }
0x2b: {  	s31 =	simm.s32 $0x100;
	s28 =	simm.s32 $0x10800  }
0x2c: {  	[tilespmem:s28], [sflag:$0x3] =	stream.indirect.gather [hbm4b:s2+s24], $0x80, s31, s24, $0xb8;
	[tilespmem:$0x1C800] =	vst v63  }
0x2d: {  	s1 =	simm.s32 $0x180;
	s30 =	simm.s32 $0x12800  }
0x2e: {  	[tilespmem:s30], [sflag:$0x4] =	stream.indirect.gather [hbm4b:s2+s24], $0x80, s1, s24, $0xb8;
	[tilespmem:$0x1C800] =	vst v63  }
0x2f: {  	s0 =	simm.s32 $0x200;
	s26 =	simm.s32 $0x14800  }
0x30: {  	[tilespmem:s26], [sflag:$0x5] =	stream.indirect.gather [hbm4b:s2+s24], $0x80, s0, s24, $0xb8;
	[tilespmem:$0x1C800] =	vst v63  }
0x31: {  	s3 =	simm.s32 $0x280;
	s31 =	simm.s32 $0x16800  }
0x32: {  	[tilespmem:s31], [sflag:$0x6] =	stream.indirect.gather [hbm4b:s2+s24], $0x80, s3, s24, $0xb8;
	[tilespmem:$0x1C800] =	vst v63  }
0x33: {  	s5 =	simm.s32 $0x300;
	s29 =	simm.s32 $0x18800  }
0x34: {  	[tilespmem:s29], [sflag:$0x7] =	stream.indirect.gather [hbm4b:s2+s24], $0x80, s5, s24, $0xb8;
	[tilespmem:$0x1C800] =	vst v63  }
0x35: {  	s22 =	simm.s32 $0x380;
	s1 =	simm.s32 $0x1A800  }
0x36: {  	[tilespmem:s1], [sflag:$0x8] =	stream.indirect.gather [hbm4b:s2+s24], $0x80, s22, s24, $0xb8;
	[tilespmem:$0x1C800] =	vst v63  }
0x37: {  	_ =	swait.ge [sflag:s6], $0x2000  }
0x38: {  	[sflag:s6] =	ssyncset.done $0x0  }
0x39: {  	s0 =	rddreg [dreg:$0x9];
	[sflag:s6] =	ssyncadd.s32 $0xFFFFE000  }
0x3a: {  	[hbm4b:s0+s4] =	stream.linear.scatter [tilespmem:s23], [sflag:$0x9], $0x2000, $0x38;
	[tilespmem:$0x1C800] =	vst v63  }
0x3b: {  	_ =	swait.ge [sflag:s7], $0x2000  }
0x3c: {  	[sflag:s7] =	ssyncset.done $0x0  }
0x3d: {  	s5 =	rddreg [dreg:$0xb];
	[sflag:s7] =	ssyncadd.s32 $0xFFFFE000  }
0x3e: {  	[hbm4b:s5+s4] =	stream.linear.scatter [tilespmem:s25], [sflag:$0xA], $0x2000, $0x38;
	[tilespmem:$0x1C800] =	vst v63  }
0x3f: {  	_ =	swait.ge [sflag:s8], $0x2000  }
0x40: {  	[sflag:s8] =	ssyncset.done $0x0  }
0x41: {  	s22 =	rddreg [dreg:$0xc];
	[sflag:s8] =	ssyncadd.s32 $0xFFFFE000  }
0x42: {  	[hbm4b:s22+s4] =	stream.linear.scatter [tilespmem:s28], [sflag:$0xB], $0x2000, $0x38;
	[tilespmem:$0x1C800] =	vst v63  }
0x43: {  	_ =	swait.ge [sflag:s9], $0x2000  }
0x44: {  	[sflag:s9] =	ssyncset.done $0x0  }
0x45: {  	s0 =	rddreg [dreg:$0xd];
	[sflag:s9] =	ssyncadd.s32 $0xFFFFE000  }
0x46: {  	[hbm4b:s0+s4] =	stream.linear.scatter [tilespmem:s30], [sflag:$0xC], $0x2000, $0x38;
	[tilespmem:$0x1C800] =	vst v63  }
0x47: {  	_ =	swait.ge [sflag:s10], $0x2000  }
0x48: {  	[sflag:s10] =	ssyncset.done $0x0  }
0x49: {  	s5 =	rddreg [dreg:$0xe];
	[sflag:s10] =	ssyncadd.s32 $0xFFFFE000  }
0x4a: {  	[hbm4b:s5+s4] =	stream.linear.scatter [tilespmem:s26], [sflag:$0xD], $0x2000, $0x38;
	[tilespmem:$0x1C800] =	vst v63  }
0x4b: {  	_ =	swait.ge [sflag:s11], $0x2000  }
0x4c: {  	[sflag:s11] =	ssyncset.done $0x0  }
0x4d: {  	s22 =	simm.s32 $0x400;
	[sflag:s11] =	ssyncadd.s32 $0xFFFFE000  }
0x4e: {  	[tilespmem:s23], [sflag:$0x1] =	stream.indirect.gather [hbm4b:s2+s24], $0x80, s22, s24, $0xb8;
	[tilespmem:$0x1C800] =	vst v63  }
0x4f: {  	_ =	swait.ge [sflag:s12], $0x2000  }
0x50: {  	[sflag:s12] =	ssyncset.done $0x0  }
0x51: {  	s0 =	rddreg [dreg:$0xf];
	[sflag:s12] =	ssyncadd.s32 $0xFFFFE000  }
0x52: {  	[hbm4b:s0+s4] =	stream.linear.scatter [tilespmem:s31], [sflag:$0xE], $0x2000, $0x38;
	[tilespmem:$0x1C800] =	vst v63  }
0x53: {  	_ =	swait.ge [sflag:s13], $0x2000  }
0x54: {  	[sflag:s13] =	ssyncset.done $0x0  }
0x55: {  	s3 =	simm.s32 $0x480;
	[sflag:s13] =	ssyncadd.s32 $0xFFFFE000  }
0x56: {  	[tilespmem:s25], [sflag:$0x2] =	stream.indirect.gather [hbm4b:s2+s24], $0x80, s3, s24, $0xb8;
	[tilespmem:$0x1C800] =	vst v63  }
0x57: {  	_ =	swait.ge [sflag:s14], $0x2000  }
0x58: {  	[sflag:s14] =	ssyncset.done $0x0  }
0x59: {  	s5 =	rddreg [dreg:$0x10];
	[sflag:s14] =	ssyncadd.s32 $0xFFFFE000  }
0x5a: {  	[hbm4b:s5+s4] =	stream.linear.scatter [tilespmem:s29], [sflag:$0xF], $0x2000, $0x38;
	[tilespmem:$0x1C800] =	vst v63  }
0x5b: {  	_ =	swait.ge [sflag:s15], $0x2000  }
0x5c: {  	[sflag:s15] =	ssyncset.done $0x0  }
0x5d: {  	s22 =	simm.s32 $0x500;
	[sflag:s15] =	ssyncadd.s32 $0xFFFFE000  }
0x5e: {  	[tilespmem:s28], [sflag:$0x3] =	stream.indirect.gather [hbm4b:s2+s24], $0x80, s22, s24, $0xb8;
	[tilespmem:$0x1C800] =	vst v63  }
0x5f: {  	_ =	swait.ge [sflag:s16], $0x2000  }
0x60: {  	[sflag:s16] =	ssyncset.done $0x0  }
0x61: {  	s0 =	rddreg [dreg:$0x11];
	[sflag:s16] =	ssyncadd.s32 $0xFFFFE000  }
0x62: {  	[hbm4b:s0+s4] =	stream.linear.scatter [tilespmem:s1], [sflag:$0x10], $0x2000, $0x38;
	[tilespmem:$0x1C800] =	vst v63  }
0x63: {  	_ =	swait.ge [sflag:s17], $0x2000  }
0x64: {  	[sflag:s17] =	ssyncset.done $0x0  }
0x65: {  	s3 =	simm.s32 $0x580;
	[sflag:s17] =	ssyncadd.s32 $0xFFFFE000  }
0x66: {  	[tilespmem:s30], [sflag:$0x4] =	stream.indirect.gather [hbm4b:s2+s24], $0x80, s3, s24, $0xb8;
	[tilespmem:$0x1C800] =	vst v63  }
0x67: {  	_ =	swait.ge [sflag:s6], $0x2000  }
0x68: {  	s5 =	rddreg [dreg:$0x4];
	[sflag:s6] =	ssyncset.done $0x0  }
0x69: {  	s22 =	rddreg [dreg:$0x2]  }
0x6a: {  	s3 =	sadd.s32 s22, s5  }
0x6b: {  	[sflag:s6] =	ssyncadd.s32 $0xFFFFE000;
	s5 =	sadd.s32 $0x2000, s3  }
0x6c: {  	[hbm4b:s5+s4] =	stream.linear.scatter [tilespmem:s23], [sflag:$0x9], $0x2000, $0x38;
	[tilespmem:$0x1C800] =	vst v63  }
0x6d: {  	_ =	swait.ge [sflag:s18], $0x2000  }
0x6e: {  	[sflag:s18] =	ssyncset.done $0x0  }
0x6f: {  	s0 =	simm.s32 $0x600;
	[sflag:s18] =	ssyncadd.s32 $0xFFFFE000  }
0x70: {  	[tilespmem:s26], [sflag:$0x5] =	stream.indirect.gather [hbm4b:s2+s24], $0x80, s0, s24, $0xb8;
	[tilespmem:$0x1C800] =	vst v63  }
0x71: {  	_ =	swait.ge [sflag:s7], $0x2000  }
0x72: {  	[sflag:s7] =	ssyncset.done $0x0  }
0x73: {  	s0 =	sadd.s32 $0x2400, s3;
	[sflag:s7] =	ssyncadd.s32 $0xFFFFE000  }
0x74: {  	[hbm4b:s0+s4] =	stream.linear.scatter [tilespmem:s25], [sflag:$0xA], $0x2000, $0x38;
	[tilespmem:$0x1C800] =	vst v63  }
0x75: {  	_ =	swait.ge [sflag:s19], $0x2000  }
0x76: {  	[sflag:s19] =	ssyncset.done $0x0  }
0x77: {  	s0 =	simm.s32 $0x680;
	[sflag:s19] =	ssyncadd.s32 $0xFFFFE000  }
0x78: {  	[tilespmem:s31], [sflag:$0x6] =	stream.indirect.gather [hbm4b:s2+s24], $0x80, s0, s24, $0xb8;
	[tilespmem:$0x1C800] =	vst v63  }
0x79: {  	_ =	swait.ge [sflag:s8], $0x2000  }
0x7a: {  	[sflag:s8] =	ssyncset.done $0x0  }
0x7b: {  	s0 =	sadd.s32 $0x2800, s3;
	[sflag:s8] =	ssyncadd.s32 $0xFFFFE000  }
0x7c: {  	[hbm4b:s0+s4] =	stream.linear.scatter [tilespmem:s28], [sflag:$0xB], $0x2000, $0x38;
	[tilespmem:$0x1C800] =	vst v63  }
0x7d: {  	_ =	swait.ge [sflag:s20], $0x2000  }
0x7e: {  	[sflag:s20] =	ssyncset.done $0x0  }
0x7f: {  	s0 =	simm.s32 $0x700;
	[sflag:s20] =	ssyncadd.s32 $0xFFFFE000  }
0x80: {  	[tilespmem:s29], [sflag:$0x7] =	stream.indirect.gather [hbm4b:s2+s24], $0x80, s0, s24, $0xb8;
	[tilespmem:$0x1C800] =	vst v63  }
0x81: {  	_ =	swait.ge [sflag:s9], $0x2000  }
0x82: {  	[sflag:s9] =	ssyncset.done $0x0  }
0x83: {  	s3 =	sadd.s32 $0x2C00, s3;
	[sflag:s9] =	ssyncadd.s32 $0xFFFFE000  }
0x84: {  	[hbm4b:s3+s4] =	stream.linear.scatter [tilespmem:s30], [sflag:$0xC], $0x2000, $0x38;
	[tilespmem:$0x1C800] =	vst v63  }
0x85: {  	_ =	swait.ge [sflag:s21], $0x2000  }
0x86: {  	[sflag:s21] =	ssyncset.done $0x0  }
0x87: {  	s5 =	simm.s32 $0x780;
	[sflag:s21] =	ssyncadd.s32 $0xFFFFE000  }
0x88: {  	[tilespmem:s1], [sflag:$0x8] =	stream.indirect.gather [hbm4b:s2+s24], $0x80, s5, s24, $0xb8;
	[tilespmem:$0x1C800] =	vst v63  }
0x89: {  	_ =	swait.ge [sflag:s10], $0x2000  }
0x8a: {  	s30 =	rddreg [dreg:$0x5];
	[sflag:s10] =	ssyncset.done $0x0  }
0x8b: {  	[sflag:s10] =	ssyncadd.s32 $0xFFFFE000;
	s3 =	sadd.s32 s22, s30  }
0x8c: {  	[hbm4b:s3+s4] =	stream.linear.scatter [tilespmem:s26], [sflag:$0xD], $0x2000, $0x38;
	[tilespmem:$0x1C800] =	vst v63  }
0x8d: {  	_ =	swait.ge [sflag:s11], $0x2000  }
0x8e: {  	[sflag:s11] =	ssyncset.done $0x0  }
0x8f: {  	s0 =	simm.s32 $0x800;
	[sflag:s11] =	ssyncadd.s32 $0xFFFFE000  }
0x90: {  	[tilespmem:s23], [sflag:$0x1] =	stream.indirect.gather [hbm4b:s2+s24], $0x80, s0, s24, $0xb8;
	[tilespmem:$0x1C800] =	vst v63  }
0x91: {  	_ =	swait.ge [sflag:s12], $0x2000  }
0x92: {  	s5 =	rddreg [dreg:$0x6];
	[sflag:s12] =	ssyncset.done $0x0  }
0x93: {  	[sflag:s12] =	ssyncadd.s32 $0xFFFFE000;
	s3 =	sadd.s32 s22, s5  }
0x94: {  	[hbm4b:s3+s4] =	stream.linear.scatter [tilespmem:s31], [sflag:$0xE], $0x2000, $0x38;
	[tilespmem:$0x1C800] =	vst v63  }
0x95: {  	_ =	swait.ge [sflag:s13], $0x2000  }
0x96: {  	[sflag:s13] =	ssyncset.done $0x0  }
0x97: {  	s23 =	simm.s32 $0x880;
	[sflag:s13] =	ssyncadd.s32 $0xFFFFE000  }
0x98: {  	[tilespmem:s25], [sflag:$0x2] =	stream.indirect.gather [hbm4b:s2+s24], $0x80, s23, s24, $0xb8;
	[tilespmem:$0x1C800] =	vst v63  }
0x99: {  	_ =	swait.ge [sflag:s14], $0x2000  }
0x9a: {  	s26 =	rddreg [dreg:$0x7];
	[sflag:s14] =	ssyncset.done $0x0  }
0x9b: {  	[sflag:s14] =	ssyncadd.s32 $0xFFFFE000;
	s3 =	sadd.s32 s22, s26  }
0x9c: {  	[hbm4b:s3+s4] =	stream.linear.scatter [tilespmem:s29], [sflag:$0xF], $0x2000, $0x38;
	[tilespmem:$0x1C800] =	vst v63  }
0x9d: {  	_ =	swait.ge [sflag:s15], $0x2000  }
0x9e: {  	[sflag:s15] =	ssyncset.done $0x0  }
0x9f: {  	s30 =	simm.s32 $0x900;
	[sflag:s15] =	ssyncadd.s32 $0xFFFFE000  }
0xa0: {  	[tilespmem:s28], [sflag:$0x3] =	stream.indirect.gather [hbm4b:s2+s24], $0x80, s30, s24, $0xb8;
	[tilespmem:$0x1C800] =	vst v63  }
0xa1: {  	_ =	swait.ge [sflag:s16], $0x2000  }
0xa2: {  	s31 =	rddreg [dreg:$0x8];
	[sflag:s16] =	ssyncset.done $0x0  }
0xa3: {  	[sflag:s16] =	ssyncadd.s32 $0xFFFFE000;
	s3 =	sadd.s32 s22, s31  }
0xa4: {  	[hbm4b:s3+s4] =	stream.linear.scatter [tilespmem:s1], [sflag:$0x10], $0x2000, $0x38;
	[tilespmem:$0x1C800] =	vst v63  }
0xa5: {  	_ =	swait.ge [sflag:s17], $0x2000  }
0xa6: {  	s5 =	simm.s32 $0x1000;
	[sflag:s17] =	ssyncset.done $0x0  }
0xa7: {  	s23 =	sadd.s32 $0x2000, s22;
	s3 =	simm.s32 $0x980;
	[sflag:s17] =	ssyncadd.s32 $0xFFFFE000  }
.LBB2_2:
0xa8: {  	s26 =	simm.s32 $0x12800  }
0xa9: {  	[tilespmem:s26], [sflag:$0x4] =	stream.indirect.gather [hbm4b:s2+s24], $0x80, s3, s24, $0xb8;
	[tilespmem:$0x1C800] =	vst v63  }
0xaa: {  	_ =	swait.ge [sflag:s6], $0x2000  }
0xab: {  	s22 =	rddreg [dreg:$0x4]  }
0xac: {  	[sflag:s6] =	ssyncset.done $0x0;
	s22 =	sadd.s32 s23, s22  }
0xad: {  	s28 =	simm.s32 $0xC800;
	[sflag:s6] =	ssyncadd.s32 $0xFFFFE000;
	s25 =	sadd.s32 $0x2000, s22  }
0xae: {  	[hbm4b:s25+s4] =	stream.linear.scatter [tilespmem:s28], [sflag:$0x9], $0x2000, $0x38;
	[tilespmem:$0x1C800] =	vst v63  }
0xaf: {  	s1 =	smov.u32 s5;
	_ =	swait.ge [sflag:s18], $0x2000  }
0xb0: {  	s3 =	sshra.s32 s1, $0x2;
	[sflag:s18] =	ssyncset.done $0x0  }
0xb1: {  	s31 =	simm.s32 $0x14800;
	s29 =	sadd.s32 $0x600, s3;
	[sflag:s18] =	ssyncadd.s32 $0xFFFFE000  }
0xb2: {  	[tilespmem:s31], [sflag:$0x5] =	stream.indirect.gather [hbm4b:s2+s24], $0x80, s29, s24, $0xb8;
	[tilespmem:$0x1C800] =	vst v63  }
0xb3: {  	_ =	swait.ge [sflag:s7], $0x2000  }
0xb4: {  	[sflag:s7] =	ssyncset.done $0x0  }
0xb5: {  	s30 =	simm.s32 $0xE800;
	s0 =	sadd.s32 $0x2400, s22;
	[sflag:s7] =	ssyncadd.s32 $0xFFFFE000  }
0xb6: {  	[hbm4b:s0+s4] =	stream.linear.scatter [tilespmem:s30], [sflag:$0xA], $0x2000, $0x38;
	[tilespmem:$0x1C800] =	vst v63  }
0xb7: {  	_ =	swait.ge [sflag:s19], $0x2000  }
0xb8: {  	[sflag:s19] =	ssyncset.done $0x0  }
0xb9: {  	s1 =	sadd.s32 $0x680, s3;
	s29 =	simm.s32 $0x16800;
	[sflag:s19] =	ssyncadd.s32 $0xFFFFE000  }
0xba: {  	[tilespmem:s29], [sflag:$0x6] =	stream.indirect.gather [hbm4b:s2+s24], $0x80, s1, s24, $0xb8;
	[tilespmem:$0x1C800] =	vst v63  }
0xbb: {  	_ =	swait.ge [sflag:s8], $0x2000  }
0xbc: {  	[sflag:s8] =	ssyncset.done $0x0  }
0xbd: {  	s0 =	sadd.s32 $0x2800, s22;
	s1 =	simm.s32 $0x10800;
	[sflag:s8] =	ssyncadd.s32 $0xFFFFE000  }
0xbe: {  	[hbm4b:s0+s4] =	stream.linear.scatter [tilespmem:s1], [sflag:$0xB], $0x2000, $0x38;
	[tilespmem:$0x1C800] =	vst v63  }
0xbf: {  	_ =	swait.ge [sflag:s20], $0x2000  }
0xc0: {  	[sflag:s20] =	ssyncset.done $0x0  }
0xc1: {  	s25 =	sadd.s32 $0x700, s3;
	s0 =	simm.s32 $0x18800;
	[sflag:s20] =	ssyncadd.s32 $0xFFFFE000  }
0xc2: {  	[tilespmem:s0], [sflag:$0x7] =	stream.indirect.gather [hbm4b:s2+s24], $0x80, s25, s24, $0xb8;
	[tilespmem:$0x1C800] =	vst v63  }
0xc3: {  	_ =	swait.ge [sflag:s9], $0x2000  }
0xc4: {  	[sflag:s9] =	ssyncset.done $0x0  }
0xc5: {  	s22 =	sadd.s32 $0x2C00, s22;
	[sflag:s9] =	ssyncadd.s32 $0xFFFFE000  }
0xc6: {  	[hbm4b:s22+s4] =	stream.linear.scatter [tilespmem:s26], [sflag:$0xC], $0x2000, $0x38;
	[tilespmem:$0x1C800] =	vst v63  }
0xc7: {  	_ =	swait.ge [sflag:s21], $0x2000  }
0xc8: {  	[sflag:s21] =	ssyncset.done $0x0  }
0xc9: {  	s25 =	sadd.s32 $0x780, s3;
	s26 =	simm.s32 $0x1A800;
	[sflag:s21] =	ssyncadd.s32 $0xFFFFE000  }
0xca: {  	[tilespmem:s26], [sflag:$0x8] =	stream.indirect.gather [hbm4b:s2+s24], $0x80, s25, s24, $0xb8;
	[tilespmem:$0x1C800] =	vst v63  }
0xcb: {  	_ =	swait.ge [sflag:s10], $0x2000  }
0xcc: {  	s25 =	rddreg [dreg:$0x5];
	[sflag:s10] =	ssyncset.done $0x0  }
0xcd: {  	[sflag:s10] =	ssyncadd.s32 $0xFFFFE000;
	s22 =	sadd.s32 s23, s25  }
0xce: {  	[hbm4b:s22+s4] =	stream.linear.scatter [tilespmem:s31], [sflag:$0xD], $0x2000, $0x38;
	[tilespmem:$0x1C800] =	vst v63  }
0xcf: {  	_ =	swait.ge [sflag:s11], $0x2000  }
0xd0: {  	[sflag:s11] =	ssyncset.done $0x0  }
0xd1: {  	s31 =	sadd.s32 $0x800, s3;
	[sflag:s11] =	ssyncadd.s32 $0xFFFFE000  }
0xd2: {  	[tilespmem:s28], [sflag:$0x1] =	stream.indirect.gather [hbm4b:s2+s24], $0x80, s31, s24, $0xb8;
	[tilespmem:$0x1C800] =	vst v63  }
0xd3: {  	_ =	swait.ge [sflag:s12], $0x2000  }
0xd4: {  	s31 =	rddreg [dreg:$0x6];
	[sflag:s12] =	ssyncset.done $0x0  }
0xd5: {  	[sflag:s12] =	ssyncadd.s32 $0xFFFFE000;
	s22 =	sadd.s32 s23, s31  }
0xd6: {  	[hbm4b:s22+s4] =	stream.linear.scatter [tilespmem:s29], [sflag:$0xE], $0x2000, $0x38;
	[tilespmem:$0x1C800] =	vst v63  }
0xd7: {  	_ =	swait.ge [sflag:s13], $0x2000  }
0xd8: {  	[sflag:s13] =	ssyncset.done $0x0  }
0xd9: {  	s29 =	sadd.s32 $0x880, s3;
	[sflag:s13] =	ssyncadd.s32 $0xFFFFE000  }
0xda: {  	[tilespmem:s30], [sflag:$0x2] =	stream.indirect.gather [hbm4b:s2+s24], $0x80, s29, s24, $0xb8;
	[tilespmem:$0x1C800] =	vst v63  }
0xdb: {  	_ =	swait.ge [sflag:s14], $0x2000  }
0xdc: {  	s31 =	rddreg [dreg:$0x7];
	[sflag:s14] =	ssyncset.done $0x0  }
0xdd: {  	[sflag:s14] =	ssyncadd.s32 $0xFFFFE000;
	s22 =	sadd.s32 s23, s31  }
0xde: {  	[hbm4b:s22+s4] =	stream.linear.scatter [tilespmem:s0], [sflag:$0xF], $0x2000, $0x38;
	[tilespmem:$0x1C800] =	vst v63  }
0xdf: {  	_ =	swait.ge [sflag:s15], $0x2000  }
0xe0: {  	[sflag:s15] =	ssyncset.done $0x0  }
0xe1: {  	s29 =	sadd.s32 $0x900, s3;
	[sflag:s15] =	ssyncadd.s32 $0xFFFFE000  }
0xe2: {  	[tilespmem:s1], [sflag:$0x3] =	stream.indirect.gather [hbm4b:s2+s24], $0x80, s29, s24, $0xb8;
	[tilespmem:$0x1C800] =	vst v63  }
0xe3: {  	_ =	swait.ge [sflag:s16], $0x2000  }
0xe4: {  	p0 =	sne.s32 s5, $0x2F000;
	s31 =	rddreg [dreg:$0x8];
	[sflag:s16] =	ssyncset.done $0x0  }
.Ltmp0:
0xe5: {  	[sflag:s16] =	ssyncadd.s32 $0xFFFFE000;
	s22 =	sadd.s32 s23, s31;
	(pc) =	sbr.rel @p0 .LBB2_2-.Ltmp0, $4  }
0xe6: {  	[hbm4b:s22+s4] =	stream.linear.scatter [tilespmem:s26], [sflag:$0x10], $0x2000, $0x38;
	[tilespmem:$0x1C800] =	vst v63  }
0xe7: {  	s5 =	sadd.s32 $0x1000, s5;
	s25 =	simm.s32 $0xC800;
	_ =	swait.ge [sflag:s17], $0x2000  }
0xe8: {  	s28 =	simm.s32 $0xE800;
	s30 =	simm.s32 $0x10800;
	[sflag:s17] =	ssyncset.done $0x0  }
0xe9: {  	s3 =	sadd.s32 $0x980, s3;
	s23 =	sadd.s32 $0x2000, s23;
	[sflag:s17] =	ssyncadd.s32 $0xFFFFE000  }
0xea: {  	s1 =	simm.s32 $0x12800  }
0xeb: {  	[tilespmem:s1], [sflag:$0x4] =	stream.indirect.gather [hbm4b:s2+s24], $0x80, s3, s24, $0xb8;
	[tilespmem:$0x1C800] =	vst v63  }
0xec: {  	_ =	swait.ge [sflag:s6], $0x2000  }
0xed: {  	[sflag:s6] =	ssyncset.done $0x0  }
0xee: {  	s23 =	rddreg [dreg:$0x12];
	[sflag:s6] =	ssyncadd.s32 $0xFFFFE000  }
0xef: {  	[hbm4b:s23+s4] =	stream.linear.scatter [tilespmem:s25], [sflag:$0x9], $0x2000, $0x38;
	[tilespmem:$0x1C800] =	vst v63  }
0xf0: {  	_ =	swait.ge [sflag:s18], $0x2000  }
0xf1: {  	[sflag:s18] =	ssyncset.done $0x0  }
0xf2: {  	s5 =	simm.s32 $0x14800;
	s0 =	simm.s32 $0xC600;
	[sflag:s18] =	ssyncadd.s32 $0xFFFFE000  }
0xf3: {  	[tilespmem:s5], [sflag:$0x5] =	stream.indirect.gather [hbm4b:s2+s24], $0x80, s0, s24, $0xb8;
	[tilespmem:$0x1C800] =	vst v63  }
0xf4: {  	_ =	swait.ge [sflag:s7], $0x2000  }
0xf5: {  	[sflag:s7] =	ssyncset.done $0x0  }
0xf6: {  	s25 =	rddreg [dreg:$0x13];
	[sflag:s7] =	ssyncadd.s32 $0xFFFFE000  }
0xf7: {  	[hbm4b:s25+s4] =	stream.linear.scatter [tilespmem:s28], [sflag:$0xA], $0x2000, $0x38;
	[tilespmem:$0x1C800] =	vst v63  }
0xf8: {  	_ =	swait.ge [sflag:s19], $0x2000  }
0xf9: {  	[sflag:s19] =	ssyncset.done $0x0  }
0xfa: {  	s22 =	simm.s32 $0x16800;
	s26 =	simm.s32 $0xC680;
	[sflag:s19] =	ssyncadd.s32 $0xFFFFE000  }
0xfb: {  	[tilespmem:s22], [sflag:$0x6] =	stream.indirect.gather [hbm4b:s2+s24], $0x80, s26, s24, $0xb8;
	[tilespmem:$0x1C800] =	vst v63  }
0xfc: {  	_ =	swait.ge [sflag:s8], $0x2000  }
0xfd: {  	[sflag:s8] =	ssyncset.done $0x0  }
0xfe: {  	s28 =	rddreg [dreg:$0x14];
	[sflag:s8] =	ssyncadd.s32 $0xFFFFE000  }
0xff: {  	[hbm4b:s28+s4] =	stream.linear.scatter [tilespmem:s30], [sflag:$0xB], $0x2000, $0x38;
	[tilespmem:$0x1C800] =	vst v63  }
0x100: {  	_ =	swait.ge [sflag:s20], $0x2000  }
0x101: {  	[sflag:s20] =	ssyncset.done $0x0  }
0x102: {  	s29 =	simm.s32 $0xC700;
	s0 =	simm.s32 $0x18800;
	[sflag:s20] =	ssyncadd.s32 $0xFFFFE000  }
0x103: {  	[tilespmem:s0], [sflag:$0x7] =	stream.indirect.gather [hbm4b:s2+s24], $0x80, s29, s24, $0xb8;
	[tilespmem:$0x1C800] =	vst v63  }
0x104: {  	_ =	swait.ge [sflag:s9], $0x2000  }
0x105: {  	[sflag:s9] =	ssyncset.done $0x0  }
0x106: {  	s30 =	rddreg [dreg:$0x15];
	[sflag:s9] =	ssyncadd.s32 $0xFFFFE000  }
0x107: {  	[hbm4b:s30+s4] =	stream.linear.scatter [tilespmem:s1], [sflag:$0xC], $0x2000, $0x38;
	[tilespmem:$0x1C800] =	vst v63  }
0x108: {  	_ =	swait.ge [sflag:s21], $0x2000  }
0x109: {  	[sflag:s21] =	ssyncset.done $0x0  }
0x10a: {  	s31 =	simm.s32 $0x1A800;
	s23 =	simm.s32 $0xC780;
	[sflag:s21] =	ssyncadd.s32 $0xFFFFE000  }
0x10b: {  	[tilespmem:s31], [sflag:$0x8] =	stream.indirect.gather [hbm4b:s2+s24], $0x80, s23, s24, $0xb8;
	[tilespmem:$0x1C800] =	vst v63  }
0x10c: {  	_ =	swait.ge [sflag:s10], $0x2000  }
0x10d: {  	[sflag:s10] =	ssyncset.done $0x0  }
0x10e: {  	s25 =	rddreg [dreg:$0x16];
	[sflag:s10] =	ssyncadd.s32 $0xFFFFE000  }
0x10f: {  	[hbm4b:s25+s4] =	stream.linear.scatter [tilespmem:s5], [sflag:$0xD], $0x2000, $0x38;
	[tilespmem:$0x1C800] =	vst v63  }
0x110: {  	_ =	swait.ge [sflag:s11], $0x2000  }
0x111: {  	[sflag:s11] =	ssyncset.done $0x0  }
0x112: {  	[sflag:s11] =	ssyncadd.s32 $0xFFFFE000  }
0x113: {  	_ =	swait.ge [sflag:s12], $0x2000  }
0x114: {  	[sflag:s12] =	ssyncset.done $0x0  }
0x115: {  	s26 =	rddreg [dreg:$0x17];
	[sflag:s12] =	ssyncadd.s32 $0xFFFFE000  }
0x116: {  	[hbm4b:s26+s4] =	stream.linear.scatter [tilespmem:s22], [sflag:$0xE], $0x2000, $0x38;
	[tilespmem:$0x1C800] =	vst v63  }
0x117: {  	_ =	swait.ge [sflag:s13], $0x2000  }
0x118: {  	[sflag:s13] =	ssyncset.done $0x0  }
0x119: {  	[sflag:s13] =	ssyncadd.s32 $0xFFFFE000  }
0x11a: {  	_ =	swait.ge [sflag:s14], $0x2000  }
0x11b: {  	[sflag:s14] =	ssyncset.done $0x0  }
0x11c: {  	s28 =	rddreg [dreg:$0x18];
	[sflag:s14] =	ssyncadd.s32 $0xFFFFE000  }
0x11d: {  	[hbm4b:s28+s4] =	stream.linear.scatter [tilespmem:s0], [sflag:$0xF], $0x2000, $0x38;
	[tilespmem:$0x1C800] =	vst v63  }
0x11e: {  	_ =	swait.ge [sflag:s15], $0x2000  }
0x11f: {  	[sflag:s15] =	ssyncset.done $0x0  }
0x120: {  	[sflag:s15] =	ssyncadd.s32 $0xFFFFE000  }
0x121: {  	_ =	swait.ge [sflag:s16], $0x2000  }
0x122: {  	[sflag:s16] =	ssyncset.done $0x0  }
0x123: {  	s29 =	rddreg [dreg:$0x19];
	[sflag:s16] =	ssyncadd.s32 $0xFFFFE000  }
0x124: {  	[hbm4b:s29+s4] =	stream.linear.scatter [tilespmem:s31], [sflag:$0x10], $0x2000, $0x38;
	[tilespmem:$0x1C800] =	vst v63  }
0x125: {  	_ =	swait.ge [sflag:s17], $0x2000  }
0x126: {  	[sflag:s17] =	ssyncset.done $0x0  }
0x127: {  	[sflag:s17] =	ssyncadd.s32 $0xFFFFE000  }
0x128: {  	_ =	swait.ge [sflag:s18], $0x2000  }
0x129: {  	[sflag:s18] =	ssyncset.done $0x0  }
0x12a: {  	[sflag:s18] =	ssyncadd.s32 $0xFFFFE000  }
0x12b: {  	_ =	swait.ge [sflag:s19], $0x2000  }
0x12c: {  	[sflag:s19] =	ssyncset.done $0x0  }
0x12d: {  	[sflag:s19] =	ssyncadd.s32 $0xFFFFE000  }
0x12e: {  	_ =	swait.ge [sflag:s20], $0x2000  }
0x12f: {  	[sflag:s20] =	ssyncset.done $0x0  }
0x130: {  	[sflag:s20] =	ssyncadd.s32 $0xFFFFE000  }
0x131: {  	_ =	swait.ge [sflag:s21], $0x2000  }
0x132: {  	s30 =	rddreg [dreg:$0x1b]  }
0x133: {  	s31 =	rddreg [dreg:$0x1a];
	s0 =	sadd.s32 $0x1, s30  }
0x134: {  	p0 =	sne.s32 s0, s31  }
.Ltmp1:
0x135: {  	_ = 	snop;
	(pc) =	sbr.rel @p0 .LBB2_1-.Ltmp1, $3  }
0x136: {  	_ =	sdelay $0x1  }
0x137: {  	[sflag:s21] =	ssyncset.done $0x0  }
0x138: {  	[sflag:s21] =	ssyncadd.s32 $0xFFFFE000  }
0x139: {  	_ =	sfence.sel $0x180000  }
0x13a: {  	[bflag:$0x0] =	sbarrier.arrive $0xFFFF  }
0x13b: {  	_ =	strace $0x90000047  }
0x13c: {  	s0 =	stileid.u32;
	[bflag:$0x2] =	sbarrier.arrive $0xFFFF  }
0x13d: {  	p0 =	sne.s32 s0, $0x0;
	s0 =	rddreg [dreg:$0x3]  }
0x13e: {  	s0 =	sadd.s32 @!p0 $0x100000, s0  }
0x13f: {  	[sflag:s0] =	ssyncadd.tile.s32 @!p0 $0x1;
	_ =	shalt  }
.Lfunc_end2:
_tile_overlayer_lowered:
.L_overlay_start_2:
0x140: {  	(tag) =	ssettag $0x2  }
0x141: {  	s0 =	rddreg [dreg:$0x0];
	s2 =	stileid.u32  }
0x142: {  	s1 =	rddreg [dreg:$0x1];
	p0 =	sne.s32 s2, $0x0  }
0x143: {  	s3 =	rddreg [dreg:$0x2];
	[bflag:$0x3] =	sbarrier.arrive $0xFFFF;
	s2 =	simm.s32 @!p0 $0x1C11  }
0x144: {  	[timem:s3], [sflag:s2] =	dma.local @!p0 [hbm:s0], s1  }
0x145: {  	s0 =	simm.s32 @!p0 $0x11  }
0x146: {  	_ =	swait.ge @!p0 [sflag:s0], s1  }
0x147: {  	s1 =	ssub.s32 @!p0 $0x0, s1;
	[sflag:s0] =	ssyncset.done @!p0 $0x0  }
0x148: {  	[sflag:s0] =	ssyncadd.s32 @!p0 s1  }
0x149: {  	[bflag:$0x3] =	sbarrier.arrive $0xFFFF  }
0x14a: {  	_ =	shalt  }

</sc_bundles>
